<compile_context>
chip_gen: v7x
topology: tpu7x:2x2x1
jax: 0.10.2.dev20260603
libtpu: 0.0.44.dev20260713+nightly
codegen_flags: <defaults>
</compile_context>

<pallas_src>
import functools

import jax
import jax.numpy as jnp
from jax import lax
from jax.experimental import pallas as pl
from jax.experimental.pallas import tpu as pltpu
from jax.experimental.pallas import tpu_sc as plsc

VOCAB = 1_000_000
DIM = 64
BATCH = 16384
LANES = 16
NUM_CORES = 2
NUM_SUBCORES = 16
NUM_WORKERS = NUM_CORES * NUM_SUBCORES
B_PER_W = BATCH // NUM_WORKERS
NBUF = 8
OUT_CHUNK = 128
TAIL_START = (VOCAB // 128) * 128
LAST_SLAB = TAIL_START // 128 - 1

_LOG1P_COEFS = (
    5.629329962175689e-07,
    0.9999574422836304,
    -0.49920639395713806,
    0.3269723653793335,
    -0.2228347212076187,
    0.13076335191726685,
    -0.05262395367026329,
    0.01011890172958374,
)


def _softplus16(x):
    u = jnp.exp(-jnp.abs(x))
    acc = jnp.full((LANES,), _LOG1P_COEFS[-1], dtype=jnp.float32)
    for c in _LOG1P_COEFS[-2::-1]:
        acc = acc * u + jnp.float32(c)
    return jnp.maximum(x, jnp.float32(0.0)) + acc


def _sc_body(idx_hbm, table_hbm, tail_hbm, out_hbm, idx_v, tail_v, outst_v,
             *blk_and_sem):
    blks = blk_and_sem[:NBUF]
    sems = blk_and_sem[NBUF:]
    wid = lax.axis_index("s") * NUM_CORES + lax.axis_index("c")
    base = wid * B_PER_W
    pltpu.sync_copy(idx_hbm.at[pl.ds(base, B_PER_W)], idx_v)
    pltpu.sync_copy(tail_hbm, tail_v)

    iota = lax.iota(jnp.int32, LANES)
    jg_t = [(t * LANES + iota) >> 3 for t in range(DIM // LANES)]
    jl_t = [jnp.bitwise_and(t * LANES + iota, jnp.int32(7))
            for t in range(DIM // LANES)]

    def splat_idx(b):
        iv = plsc.load_gather(idx_v, [jnp.zeros((LANES,), jnp.int32) + b])
        return jnp.max(iv), iv

    def issue(k, b):
        i_s, _ = splat_idx(b)
        slab = jnp.minimum(i_s >> 7, jnp.int32(LAST_SLAB))
        off = pl.multiple_of(slab * 128, 128)
        pltpu.async_copy(table_hbm.at[:, :, pl.ds(off, 128)], blks[k], sems[k])

    def extract(k, b):
        i_s, iv = splat_idx(b)
        slab = jnp.minimum(i_s >> 7, jnp.int32(LAST_SLAB))
        ilv = jnp.minimum(iv - slab * 128, jnp.int32(127))
        is_tail = iv >= jnp.int32(TAIL_START)
        rt = jnp.clip(i_s - jnp.int32(TAIL_START), 0, DIM - 1)
        bloc = jnp.bitwise_and(b, jnp.int32(OUT_CHUNK - 1))
        for t in range(DIM // LANES):
            xn = plsc.load_gather(blks[k], [jg_t[t], jl_t[t], ilv])
            xt = tail_v[rt, pl.ds(t * LANES, LANES)]
            x = jnp.where(is_tail, xt, xn)
            outst_v[bloc, pl.ds(t * LANES, LANES)] = _softplus16(x)

    def group_body(g, carry):
        for k in range(NBUF):
            issue(k, g * NBUF + k)
        for k in range(NBUF):
            pltpu.make_async_copy(
                table_hbm.at[:, :, pl.ds(0, 128)], blks[k], sems[k]
            ).wait()
            extract(k, g * NBUF + k)

        @pl.when(jnp.bitwise_and(g, jnp.int32(15)) == jnp.int32(15))
        def _flush():
            chunk = g >> 4
            pltpu.sync_copy(
                outst_v, out_hbm.at[pl.ds(base + chunk * OUT_CHUNK, OUT_CHUNK)]
            )

        return carry

    lax.fori_loop(0, B_PER_W // NBUF, group_body, 0)


def kernel(target_w_id, S):
    idx = target_w_id.astype(jnp.int32)
    table3 = S.T.reshape(8, 8, VOCAB)
    tail = S[TAIL_START:, :]
    mesh = plsc.VectorSubcoreMesh(core_axis_name="c", subcore_axis_name="s")
    run = pl.kernel(
        _sc_body,
        mesh=mesh,
        out_type=jax.ShapeDtypeStruct((BATCH, DIM), jnp.float32),
        scratch_types=(
            [
                pltpu.VMEM((B_PER_W,), jnp.int32),
                pltpu.VMEM((VOCAB - TAIL_START, DIM), jnp.float32),
                pltpu.VMEM((OUT_CHUNK, DIM), jnp.float32),
            ]
            + [pltpu.VMEM((8, 8, 128), jnp.float32) for _ in range(NBUF)]
            + [pltpu.SemaphoreType.DMA for _ in range(NBUF)]
        ),
        compiler_params=pltpu.CompilerParams(needs_layout_passes=False),
    )
    return run(idx, table3, tail)

# --- scband reference (transcript-rebuilt; emitter-appended) ---
"""Pipeline reference for scband-bsg-prior-sigma-84894323573023 (READ-ONLY COPY).

The authoritative reference and input builder live on the scoring server;
editing this copy changes nothing except your own understanding.
"""

import jax, jax.numpy as jnp
import numpy as np

VOCAB = 1000000
DIM = 64
BATCH = 16384

def setup_inputs(seed: int = 0) -> dict:
    key = jax.random.key(seed)
    k_idx, k_tab = jax.random.split(key)
    target_w_id = jax.random.randint(k_idx, (BATCH,), 0, VOCAB, dtype=jnp.int64 if jax.config.jax_enable_x64 else jnp.int32)
    S = jax.random.normal(k_tab, (VOCAB, DIM), dtype=jnp.float32) * 0.02
    return {"target_w_id": target_w_id, "S": S}

def reference(target_w_id, S):
    # nn.Embedding lookup -> gather rows; then Softplus
    emb = jnp.take(S, target_w_id, axis=0)
    prior_sigma = jax.nn.softplus(emb)
    return prior_sigma

if __name__ == "__main__":
    import jax
    _d = setup_inputs()
    print(jax.jit(kernel)(*tuple(_d.values())))

</pallas_src>

<mosaic_0001>
#map = affine_map<(d0, d1) -> (0)>
#map1 = affine_map<(d0, d1) -> (0, 0, 0)>
#map2 = affine_map<(d0, d1) -> (0, 0)>
module attributes {stable_mosaic.version = 14 : i64} {
  func.func @_sc_body(%arg0: i32, %arg1: i32, %arg2: memref<16384xi32, #tpu.memory_space<hbm>>, %arg3: memref<8x8x1000000xf32, #tpu.memory_space<hbm>>, %arg4: memref<64x64xf32, #tpu.memory_space<hbm>>, %arg5: memref<16384x64xf32, #tpu.memory_space<hbm>>, %arg6: memref<512xi32, #tpu.memory_space<vmem>>, %arg7: memref<64x64xf32, #tpu.memory_space<vmem>>, %arg8: memref<128x64xf32, #tpu.memory_space<vmem>>, %arg9: memref<8x8x128xf32, #tpu.memory_space<vmem>>, %arg10: memref<8x8x128xf32, #tpu.memory_space<vmem>>, %arg11: memref<8x8x128xf32, #tpu.memory_space<vmem>>, %arg12: memref<8x8x128xf32, #tpu.memory_space<vmem>>, %arg13: memref<8x8x128xf32, #tpu.memory_space<vmem>>, %arg14: memref<8x8x128xf32, #tpu.memory_space<vmem>>, %arg15: memref<8x8x128xf32, #tpu.memory_space<vmem>>, %arg16: memref<8x8x128xf32, #tpu.memory_space<vmem>>, %arg17: memref<!tpu.dma_semaphore, #tpu.memory_space<semaphore_mem>>, %arg18: memref<!tpu.dma_semaphore, #tpu.memory_space<semaphore_mem>>, %arg19: memref<!tpu.dma_semaphore, #tpu.memory_space<semaphore_mem>>, %arg20: memref<!tpu.dma_semaphore, #tpu.memory_space<semaphore_mem>>, %arg21: memref<!tpu.dma_semaphore, #tpu.memory_space<semaphore_mem>>, %arg22: memref<!tpu.dma_semaphore, #tpu.memory_space<semaphore_mem>>, %arg23: memref<!tpu.dma_semaphore, #tpu.memory_space<semaphore_mem>>, %arg24: memref<!tpu.dma_semaphore, #tpu.memory_space<semaphore_mem>>) attributes {dimension_semantics = [#tpu.dimension_semantics<core_parallel>, #tpu.dimension_semantics<subcore_parallel>], iteration_bounds = array<i64: 2, 16>, scalar_prefetch = 0 : i64, scratch_operands = 19 : i64, tpu.core_type = #tpu.core_type<sc_vector_subcore>, window_params = [{transform_indices = #map}, {transform_indices = #map1}, {transform_indices = #map2}, {transform_indices = #map2}]} {
    %mul3A = arith.constant 2 : i32
    %mul3A_0 = arith.muli %arg1, %mul3A : i32
    %add3A = arith.addi %mul3A_0, %arg0 : i32
    %mul3A_1 = arith.constant 512 : i32
    %mul3A_2 = arith.muli %add3A, %mul3A_1 : i32
    "tpu.region"() ({
      %run_scoped3A = tpu.sem_alloc : memref<!tpu.dma_semaphore, #tpu.memory_space<semaphore_mem>>
      %dma_start3A = tpu.memref_slice %arg2[%mul3A_2] : memref<16384xi32, #tpu.memory_space<hbm>> -> memref<512xi32, #tpu.memory_space<hbm>>
      %dma_start3A_54 = tpu.memref_slice %arg2[%mul3A_2] : memref<16384xi32, #tpu.memory_space<hbm>> -> memref<512xi32, #tpu.memory_space<hbm>>
      tpu.enqueue_dma source(%dma_start3A_54 : memref<512xi32, #tpu.memory_space<hbm>>) target(%arg6 : memref<512xi32, #tpu.memory_space<vmem>>) target_semaphore(%run_scoped3A : memref<!tpu.dma_semaphore, #tpu.memory_space<semaphore_mem>>)
      %dma_wait3A = tpu.memref_slice %arg2[%mul3A_2] : memref<16384xi32, #tpu.memory_space<hbm>> -> memref<512xi32, #tpu.memory_space<hbm>>
      %dma_wait3A_55 = tpu.memref_slice %arg2[%mul3A_2] : memref<16384xi32, #tpu.memory_space<hbm>> -> memref<512xi32, #tpu.memory_space<hbm>>
      tpu.wait_dma2 semaphore(%run_scoped3A : memref<!tpu.dma_semaphore, #tpu.memory_space<semaphore_mem>>) src(%dma_wait3A_55 : memref<512xi32, #tpu.memory_space<hbm>>) dst(%arg6 : memref<512xi32, #tpu.memory_space<vmem>>)
      tpu.yield
    }) : () -> ()
    "tpu.region"() ({
      %run_scoped3A = tpu.sem_alloc : memref<!tpu.dma_semaphore, #tpu.memory_space<semaphore_mem>>
      tpu.enqueue_dma source(%arg4 : memref<64x64xf32, #tpu.memory_space<hbm>>) target(%arg7 : memref<64x64xf32, #tpu.memory_space<vmem>>) target_semaphore(%run_scoped3A : memref<!tpu.dma_semaphore, #tpu.memory_space<semaphore_mem>>)
      tpu.wait_dma2 semaphore(%run_scoped3A : memref<!tpu.dma_semaphore, #tpu.memory_space<semaphore_mem>>) src(%arg4 : memref<64x64xf32, #tpu.memory_space<hbm>>) dst(%arg7 : memref<64x64xf32, #tpu.memory_space<vmem>>)
      tpu.yield
    }) : () -> ()
    %iota3A = tpu.iota {dimensions = array<i32: 0>} : vector<16xi32>
    %add3A_3 = arith.constant 0 : i32
    %add3A_4 = vector.broadcast %add3A_3 : i32 to vector<16xi32>
    %add3A_5 = arith.addi %add3A_4, %iota3A : vector<16xi32>
    %shift_right_arithmetic3A = arith.constant 3 : i32
    %shift_right_arithmetic3A_6 = vector.broadcast %shift_right_arithmetic3A : i32 to vector<16xi32>
    %shift_right_arithmetic3A_7 = arith.shrsi %add3A_5, %shift_right_arithmetic3A_6 : vector<16xi32>
    %add3A_8 = arith.constant 16 : i32
    %add3A_9 = vector.broadcast %add3A_8 : i32 to vector<16xi32>
    %add3A_10 = arith.addi %add3A_9, %iota3A : vector<16xi32>
    %shift_right_arithmetic3A_11 = arith.constant 3 : i32
    %shift_right_arithmetic3A_12 = vector.broadcast %shift_right_arithmetic3A_11 : i32 to vector<16xi32>
    %shift_right_arithmetic3A_13 = arith.shrsi %add3A_10, %shift_right_arithmetic3A_12 : vector<16xi32>
    %add3A_14 = arith.constant 32 : i32
    %add3A_15 = vector.broadcast %add3A_14 : i32 to vector<16xi32>
    %add3A_16 = arith.addi %add3A_15, %iota3A : vector<16xi32>
    %shift_right_arithmetic3A_17 = arith.constant 3 : i32
    %shift_right_arithmetic3A_18 = vector.broadcast %shift_right_arithmetic3A_17 : i32 to vector<16xi32>
    %shift_right_arithmetic3A_19 = arith.shrsi %add3A_16, %shift_right_arithmetic3A_18 : vector<16xi32>
    %add3A_20 = arith.constant 48 : i32
    %add3A_21 = vector.broadcast %add3A_20 : i32 to vector<16xi32>
    %add3A_22 = arith.addi %add3A_21, %iota3A : vector<16xi32>
    %shift_right_arithmetic3A_23 = arith.constant 3 : i32
    %shift_right_arithmetic3A_24 = vector.broadcast %shift_right_arithmetic3A_23 : i32 to vector<16xi32>
    %shift_right_arithmetic3A_25 = arith.shrsi %add3A_22, %shift_right_arithmetic3A_24 : vector<16xi32>
    %add3A_26 = arith.constant 0 : i32
    %add3A_27 = vector.broadcast %add3A_26 : i32 to vector<16xi32>
    %add3A_28 = arith.addi %add3A_27, %iota3A : vector<16xi32>
    %and3A = arith.constant 7 : i32
    %and3A_29 = vector.broadcast %and3A : i32 to vector<16xi32>
    %and3A_30 = arith.andi %add3A_28, %and3A_29 : vector<16xi32>
    %add3A_31 = arith.constant 16 : i32
    %add3A_32 = vector.broadcast %add3A_31 : i32 to vector<16xi32>
    %add3A_33 = arith.addi %add3A_32, %iota3A : vector<16xi32>
    %and3A_34 = arith.constant 7 : i32
    %and3A_35 = vector.broadcast %and3A_34 : i32 to vector<16xi32>
    %and3A_36 = arith.andi %add3A_33, %and3A_35 : vector<16xi32>
    %add3A_37 = arith.constant 32 : i32
    %add3A_38 = vector.broadcast %add3A_37 : i32 to vector<16xi32>
    %add3A_39 = arith.addi %add3A_38, %iota3A : vector<16xi32>
    %and3A_40 = arith.constant 7 : i32
    %and3A_41 = vector.broadcast %and3A_40 : i32 to vector<16xi32>
    %and3A_42 = arith.andi %add3A_39, %and3A_41 : vector<16xi32>
    %add3A_43 = arith.constant 48 : i32
    %add3A_44 = vector.broadcast %add3A_43 : i32 to vector<16xi32>
    %add3A_45 = arith.addi %add3A_44, %iota3A : vector<16xi32>
    %and3A_46 = arith.constant 7 : i32
    %and3A_47 = vector.broadcast %and3A_46 : i32 to vector<16xi32>
    %and3A_48 = arith.andi %add3A_45, %and3A_47 : vector<16xi32>
    %scan3A = arith.constant 0 : i32
    %scan3A_49 = arith.constant 0 : i32
    %scan3A_50 = arith.constant 64 : i32
    %scan3A_51 = arith.addi %scan3A_49, %scan3A_50 : i32
    %scan3A_52 = arith.constant 1 : i32
    scf.for %scan3A_54 = %scan3A_49 to %scan3A_51 step %scan3A_52  : i32 {
      %mul3A_55 = arith.constant 8 : i32
      %mul3A_56 = arith.muli %scan3A_54, %mul3A_55 : i32
      %add3A_57 = arith.constant 0 : i32
      %add3A_58 = arith.addi %mul3A_56, %add3A_57 : i32
      %broadcast_in_dim3A = arith.constant 0 : i32
      %broadcast_in_dim3A_59 = vector.broadcast %broadcast_in_dim3A : i32 to vector<16xi32>
      %add3A_60 = vector.broadcast %add3A_58 : i32 to vector<16xi32>
      %add3A_61 = arith.addi %broadcast_in_dim3A_59, %add3A_60 : vector<16xi32>
      %gather3A = tpu.vector_load_idx %arg6[%add3A_61] : memref<512xi32, #tpu.memory_space<vmem>>[vector<16xi32>], vector<16xi32>,
      %reduce_max3A = arith.constant true
      %reduce_max3A_62 = vector.broadcast %reduce_max3A : i1 to vector<16xi1>
      %reduce_max3A_63 = arith.constant -2147483648 : i32
      %reduce_max3A_64 = vector.broadcast %reduce_max3A_63 : i32 to vector<16xi32>
      %reduce_max3A_65 = arith.xori %gather3A, %reduce_max3A_64 : vector<16xi32>
      %reduce_max3A_66 = tpu.scan <max>, %reduce_max3A_65 masked %reduce_max3A_62 : vector<16xi32>, vector<16xi1> -> vector<16xi32>
      %reduce_max3A_67 = arith.xori %reduce_max3A_66, %reduce_max3A_64 : vector<16xi32>
      %reduce_max3A_68 = vector.extract %reduce_max3A_67[15] : i32 from vector<16xi32>
      %shift_right_arithmetic3A_69 = arith.constant 7 : i32
      %shift_right_arithmetic3A_70 = arith.shrsi %reduce_max3A_68, %shift_right_arithmetic3A_69 : i32
      %min3A = arith.constant 7811 : i32
      %min3A_71 = arith.minsi %shift_right_arithmetic3A_70, %min3A : i32
      %mul3A_72 = arith.constant 128 : i32
      %mul3A_73 = arith.muli %min3A_71, %mul3A_72 : i32
      %multiple_of3A = tpu.assume_multiple %mul3A_73, 128 : i32
      %dma_start3A = arith.constant 0 : i32
      %dma_start3A_74 = arith.constant 0 : i32
      %dma_start3A_75 = tpu.memref_slice %arg3[%dma_start3A, %dma_start3A_74, %multiple_of3A] : memref<8x8x1000000xf32, #tpu.memory_space<hbm>> -> memref<8x8x128xf32, #tpu.memory_space<hbm>>
      %dma_start3A_76 = arith.constant 0 : i32
      %dma_start3A_77 = arith.constant 0 : i32
      %dma_start3A_78 = tpu.memref_slice %arg3[%dma_start3A_76, %dma_start3A_77, %multiple_of3A] : memref<8x8x1000000xf32, #tpu.memory_space<hbm>> -> memref<8x8x128xf32, #tpu.memory_space<hbm>>
      tpu.enqueue_dma source(%dma_start3A_78 : memref<8x8x128xf32, #tpu.memory_space<hbm>>) target(%arg9 : memref<8x8x128xf32, #tpu.memory_space<vmem>>) target_semaphore(%arg17 : memref<!tpu.dma_semaphore, #tpu.memory_space<semaphore_mem>>)
      %mul3A_79 = arith.constant 8 : i32
      %mul3A_80 = arith.muli %scan3A_54, %mul3A_79 : i32
      %add3A_81 = arith.constant 1 : i32
      %add3A_82 = arith.addi %mul3A_80, %add3A_81 : i32
      %broadcast_in_dim3A_83 = arith.constant 0 : i32
      %broadcast_in_dim3A_84 = vector.broadcast %broadcast_in_dim3A_83 : i32 to vector<16xi32>
      %add3A_85 = vector.broadcast %add3A_82 : i32 to vector<16xi32>
      %add3A_86 = arith.addi %broadcast_in_dim3A_84, %add3A_85 : vector<16xi32>
      %gather3A_87 = tpu.vector_load_idx %arg6[%add3A_86] : memref<512xi32, #tpu.memory_space<vmem>>[vector<16xi32>], vector<16xi32>,
      %reduce_max3A_88 = arith.constant true
      %reduce_max3A_89 = vector.broadcast %reduce_max3A_88 : i1 to vector<16xi1>
      %reduce_max3A_90 = arith.constant -2147483648 : i32
      %reduce_max3A_91 = vector.broadcast %reduce_max3A_90 : i32 to vector<16xi32>
      %reduce_max3A_92 = arith.xori %gather3A_87, %reduce_max3A_91 : vector<16xi32>
      %reduce_max3A_93 = tpu.scan <max>, %reduce_max3A_92 masked %reduce_max3A_89 : vector<16xi32>, vector<16xi1> -> vector<16xi32>
      %reduce_max3A_94 = arith.xori %reduce_max3A_93, %reduce_max3A_91 : vector<16xi32>
      %reduce_max3A_95 = vector.extract %reduce_max3A_94[15] : i32 from vector<16xi32>
      %shift_right_arithmetic3A_96 = arith.constant 7 : i32
      %shift_right_arithmetic3A_97 = arith.shrsi %reduce_max3A_95, %shift_right_arithmetic3A_96 : i32
      %min3A_98 = arith.constant 7811 : i32
      %min3A_99 = arith.minsi %shift_right_arithmetic3A_97, %min3A_98 : i32
      %mul3A_100 = arith.constant 128 : i32
      %mul3A_101 = arith.muli %min3A_99, %mul3A_100 : i32
      %multiple_of3A_102 = tpu.assume_multiple %mul3A_101, 128 : i32
      %dma_start3A_103 = arith.constant 0 : i32
      %dma_start3A_104 = arith.constant 0 : i32
      %dma_start3A_105 = tpu.memref_slice %arg3[%dma_start3A_103, %dma_start3A_104, %multiple_of3A_102] : memref<8x8x1000000xf32, #tpu.memory_space<hbm>> -> memref<8x8x128xf32, #tpu.memory_space<hbm>>
      %dma_start3A_106 = arith.constant 0 : i32
      %dma_start3A_107 = arith.constant 0 : i32
      %dma_start3A_108 = tpu.memref_slice %arg3[%dma_start3A_106, %dma_start3A_107, %multiple_of3A_102] : memref<8x8x1000000xf32, #tpu.memory_space<hbm>> -> memref<8x8x128xf32, #tpu.memory_space<hbm>>
      tpu.enqueue_dma source(%dma_start3A_108 : memref<8x8x128xf32, #tpu.memory_space<hbm>>) target(%arg10 : memref<8x8x128xf32, #tpu.memory_space<vmem>>) target_semaphore(%arg18 : memref<!tpu.dma_semaphore, #tpu.memory_space<semaphore_mem>>)
      %mul3A_109 = arith.constant 8 : i32
      %mul3A_110 = arith.muli %scan3A_54, %mul3A_109 : i32
      %add3A_111 = arith.constant 2 : i32
      %add3A_112 = arith.addi %mul3A_110, %add3A_111 : i32
      %broadcast_in_dim3A_113 = arith.constant 0 : i32
      %broadcast_in_dim3A_114 = vector.broadcast %broadcast_in_dim3A_113 : i32 to vector<16xi32>
      %add3A_115 = vector.broadcast %add3A_112 : i32 to vector<16xi32>
      %add3A_116 = arith.addi %broadcast_in_dim3A_114, %add3A_115 : vector<16xi32>
      %gather3A_117 = tpu.vector_load_idx %arg6[%add3A_116] : memref<512xi32, #tpu.memory_space<vmem>>[vector<16xi32>], vector<16xi32>,
      %reduce_max3A_118 = arith.constant true
      %reduce_max3A_119 = vector.broadcast %reduce_max3A_118 : i1 to vector<16xi1>
      %reduce_max3A_120 = arith.constant -2147483648 : i32
      %reduce_max3A_121 = vector.broadcast %reduce_max3A_120 : i32 to vector<16xi32>
      %reduce_max3A_122 = arith.xori %gather3A_117, %reduce_max3A_121 : vector<16xi32>
      %reduce_max3A_123 = tpu.scan <max>, %reduce_max3A_122 masked %reduce_max3A_119 : vector<16xi32>, vector<16xi1> -> vector<16xi32>
      %reduce_max3A_124 = arith.xori %reduce_max3A_123, %reduce_max3A_121 : vector<16xi32>
      %reduce_max3A_125 = vector.extract %reduce_max3A_124[15] : i32 from vector<16xi32>
      %shift_right_arithmetic3A_126 = arith.constant 7 : i32
      %shift_right_arithmetic3A_127 = arith.shrsi %reduce_max3A_125, %shift_right_arithmetic3A_126 : i32
      %min3A_128 = arith.constant 7811 : i32
      %min3A_129 = arith.minsi %shift_right_arithmetic3A_127, %min3A_128 : i32
      %mul3A_130 = arith.constant 128 : i32
      %mul3A_131 = arith.muli %min3A_129, %mul3A_130 : i32
      %multiple_of3A_132 = tpu.assume_multiple %mul3A_131, 128 : i32
      %dma_start3A_133 = arith.constant 0 : i32
      %dma_start3A_134 = arith.constant 0 : i32
      %dma_start3A_135 = tpu.memref_slice %arg3[%dma_start3A_133, %dma_start3A_134, %multiple_of3A_132] : memref<8x8x1000000xf32, #tpu.memory_space<hbm>> -> memref<8x8x128xf32, #tpu.memory_space<hbm>>
      %dma_start3A_136 = arith.constant 0 : i32
      %dma_start3A_137 = arith.constant 0 : i32
      %dma_start3A_138 = tpu.memref_slice %arg3[%dma_start3A_136, %dma_start3A_137, %multiple_of3A_132] : memref<8x8x1000000xf32, #tpu.memory_space<hbm>> -> memref<8x8x128xf32, #tpu.memory_space<hbm>>
      tpu.enqueue_dma source(%dma_start3A_138 : memref<8x8x128xf32, #tpu.memory_space<hbm>>) target(%arg11 : memref<8x8x128xf32, #tpu.memory_space<vmem>>) target_semaphore(%arg19 : memref<!tpu.dma_semaphore, #tpu.memory_space<semaphore_mem>>)
      %mul3A_139 = arith.constant 8 : i32
      %mul3A_140 = arith.muli %scan3A_54, %mul3A_139 : i32
      %add3A_141 = arith.constant 3 : i32
      %add3A_142 = arith.addi %mul3A_140, %add3A_141 : i32
      %broadcast_in_dim3A_143 = arith.constant 0 : i32
      %broadcast_in_dim3A_144 = vector.broadcast %broadcast_in_dim3A_143 : i32 to vector<16xi32>
      %add3A_145 = vector.broadcast %add3A_142 : i32 to vector<16xi32>
      %add3A_146 = arith.addi %broadcast_in_dim3A_144, %add3A_145 : vector<16xi32>
      %gather3A_147 = tpu.vector_load_idx %arg6[%add3A_146] : memref<512xi32, #tpu.memory_space<vmem>>[vector<16xi32>], vector<16xi32>,
      %reduce_max3A_148 = arith.constant true
      %reduce_max3A_149 = vector.broadcast %reduce_max3A_148 : i1 to vector<16xi1>
      %reduce_max3A_150 = arith.constant -2147483648 : i32
      %reduce_max3A_151 = vector.broadcast %reduce_max3A_150 : i32 to vector<16xi32>
      %reduce_max3A_152 = arith.xori %gather3A_147, %reduce_max3A_151 : vector<16xi32>
      %reduce_max3A_153 = tpu.scan <max>, %reduce_max3A_152 masked %reduce_max3A_149 : vector<16xi32>, vector<16xi1> -> vector<16xi32>
      %reduce_max3A_154 = arith.xori %reduce_max3A_153, %reduce_max3A_151 : vector<16xi32>
      %reduce_max3A_155 = vector.extract %reduce_max3A_154[15] : i32 from vector<16xi32>
      %shift_right_arithmetic3A_156 = arith.constant 7 : i32
      %shift_right_arithmetic3A_157 = arith.shrsi %reduce_max3A_155, %shift_right_arithmetic3A_156 : i32
      %min3A_158 = arith.constant 7811 : i32
      %min3A_159 = arith.minsi %shift_right_arithmetic3A_157, %min3A_158 : i32
      %mul3A_160 = arith.constant 128 : i32
      %mul3A_161 = arith.muli %min3A_159, %mul3A_160 : i32
      %multiple_of3A_162 = tpu.assume_multiple %mul3A_161, 128 : i32
      %dma_start3A_163 = arith.constant 0 : i32
      %dma_start3A_164 = arith.constant 0 : i32
      %dma_start3A_165 = tpu.memref_slice %arg3[%dma_start3A_163, %dma_start3A_164, %multiple_of3A_162] : memref<8x8x1000000xf32, #tpu.memory_space<hbm>> -> memref<8x8x128xf32, #tpu.memory_space<hbm>>
      %dma_start3A_166 = arith.constant 0 : i32
      %dma_start3A_167 = arith.constant 0 : i32
      %dma_start3A_168 = tpu.memref_slice %arg3[%dma_start3A_166, %dma_start3A_167, %multiple_of3A_162] : memref<8x8x1000000xf32, #tpu.memory_space<hbm>> -> memref<8x8x128xf32, #tpu.memory_space<hbm>>
      tpu.enqueue_dma source(%dma_start3A_168 : memref<8x8x128xf32, #tpu.memory_space<hbm>>) target(%arg12 : memref<8x8x128xf32, #tpu.memory_space<vmem>>) target_semaphore(%arg20 : memref<!tpu.dma_semaphore, #tpu.memory_space<semaphore_mem>>)
      %mul3A_169 = arith.constant 8 : i32
      %mul3A_170 = arith.muli %scan3A_54, %mul3A_169 : i32
      %add3A_171 = arith.constant 4 : i32
      %add3A_172 = arith.addi %mul3A_170, %add3A_171 : i32
      %broadcast_in_dim3A_173 = arith.constant 0 : i32
      %broadcast_in_dim3A_174 = vector.broadcast %broadcast_in_dim3A_173 : i32 to vector<16xi32>
      %add3A_175 = vector.broadcast %add3A_172 : i32 to vector<16xi32>
      %add3A_176 = arith.addi %broadcast_in_dim3A_174, %add3A_175 : vector<16xi32>
      %gather3A_177 = tpu.vector_load_idx %arg6[%add3A_176] : memref<512xi32, #tpu.memory_space<vmem>>[vector<16xi32>], vector<16xi32>,
      %reduce_max3A_178 = arith.constant true
      %reduce_max3A_179 = vector.broadcast %reduce_max3A_178 : i1 to vector<16xi1>
      %reduce_max3A_180 = arith.constant -2147483648 : i32
      %reduce_max3A_181 = vector.broadcast %reduce_max3A_180 : i32 to vector<16xi32>
      %reduce_max3A_182 = arith.xori %gather3A_177, %reduce_max3A_181 : vector<16xi32>
      %reduce_max3A_183 = tpu.scan <max>, %reduce_max3A_182 masked %reduce_max3A_179 : vector<16xi32>, vector<16xi1> -> vector<16xi32>
      %reduce_max3A_184 = arith.xori %reduce_max3A_183, %reduce_max3A_181 : vector<16xi32>
      %reduce_max3A_185 = vector.extract %reduce_max3A_184[15] : i32 from vector<16xi32>
      %shift_right_arithmetic3A_186 = arith.constant 7 : i32
      %shift_right_arithmetic3A_187 = arith.shrsi %reduce_max3A_185, %shift_right_arithmetic3A_186 : i32
      %min3A_188 = arith.constant 7811 : i32
      %min3A_189 = arith.minsi %shift_right_arithmetic3A_187, %min3A_188 : i32
      %mul3A_190 = arith.constant 128 : i32
      %mul3A_191 = arith.muli %min3A_189, %mul3A_190 : i32
      %multiple_of3A_192 = tpu.assume_multiple %mul3A_191, 128 : i32
      %dma_start3A_193 = arith.constant 0 : i32
      %dma_start3A_194 = arith.constant 0 : i32
      %dma_start3A_195 = tpu.memref_slice %arg3[%dma_start3A_193, %dma_start3A_194, %multiple_of3A_192] : memref<8x8x1000000xf32, #tpu.memory_space<hbm>> -> memref<8x8x128xf32, #tpu.memory_space<hbm>>
      %dma_start3A_196 = arith.constant 0 : i32
      %dma_start3A_197 = arith.constant 0 : i32
      %dma_start3A_198 = tpu.memref_slice %arg3[%dma_start3A_196, %dma_start3A_197, %multiple_of3A_192] : memref<8x8x1000000xf32, #tpu.memory_space<hbm>> -> memref<8x8x128xf32, #tpu.memory_space<hbm>>
      tpu.enqueue_dma source(%dma_start3A_198 : memref<8x8x128xf32, #tpu.memory_space<hbm>>) target(%arg13 : memref<8x8x128xf32, #tpu.memory_space<vmem>>) target_semaphore(%arg21 : memref<!tpu.dma_semaphore, #tpu.memory_space<semaphore_mem>>)
      %mul3A_199 = arith.constant 8 : i32
      %mul3A_200 = arith.muli %scan3A_54, %mul3A_199 : i32
      %add3A_201 = arith.constant 5 : i32
      %add3A_202 = arith.addi %mul3A_200, %add3A_201 : i32
      %broadcast_in_dim3A_203 = arith.constant 0 : i32
      %broadcast_in_dim3A_204 = vector.broadcast %broadcast_in_dim3A_203 : i32 to vector<16xi32>
      %add3A_205 = vector.broadcast %add3A_202 : i32 to vector<16xi32>
      %add3A_206 = arith.addi %broadcast_in_dim3A_204, %add3A_205 : vector<16xi32>
      %gather3A_207 = tpu.vector_load_idx %arg6[%add3A_206] : memref<512xi32, #tpu.memory_space<vmem>>[vector<16xi32>], vector<16xi32>,
      %reduce_max3A_208 = arith.constant true
      %reduce_max3A_209 = vector.broadcast %reduce_max3A_208 : i1 to vector<16xi1>
      %reduce_max3A_210 = arith.constant -2147483648 : i32
      %reduce_max3A_211 = vector.broadcast %reduce_max3A_210 : i32 to vector<16xi32>
      %reduce_max3A_212 = arith.xori %gather3A_207, %reduce_max3A_211 : vector<16xi32>
      %reduce_max3A_213 = tpu.scan <max>, %reduce_max3A_212 masked %reduce_max3A_209 : vector<16xi32>, vector<16xi1> -> vector<16xi32>
      %reduce_max3A_214 = arith.xori %reduce_max3A_213, %reduce_max3A_211 : vector<16xi32>
      %reduce_max3A_215 = vector.extract %reduce_max3A_214[15] : i32 from vector<16xi32>
      %shift_right_arithmetic3A_216 = arith.constant 7 : i32
      %shift_right_arithmetic3A_217 = arith.shrsi %reduce_max3A_215, %shift_right_arithmetic3A_216 : i32
      %min3A_218 = arith.constant 7811 : i32
      %min3A_219 = arith.minsi %shift_right_arithmetic3A_217, %min3A_218 : i32
      %mul3A_220 = arith.constant 128 : i32
      %mul3A_221 = arith.muli %min3A_219, %mul3A_220 : i32
      %multiple_of3A_222 = tpu.assume_multiple %mul3A_221, 128 : i32
      %dma_start3A_223 = arith.constant 0 : i32
      %dma_start3A_224 = arith.constant 0 : i32
      %dma_start3A_225 = tpu.memref_slice %arg3[%dma_start3A_223, %dma_start3A_224, %multiple_of3A_222] : memref<8x8x1000000xf32, #tpu.memory_space<hbm>> -> memref<8x8x128xf32, #tpu.memory_space<hbm>>
      %dma_start3A_226 = arith.constant 0 : i32
      %dma_start3A_227 = arith.constant 0 : i32
      %dma_start3A_228 = tpu.memref_slice %arg3[%dma_start3A_226, %dma_start3A_227, %multiple_of3A_222] : memref<8x8x1000000xf32, #tpu.memory_space<hbm>> -> memref<8x8x128xf32, #tpu.memory_space<hbm>>
      tpu.enqueue_dma source(%dma_start3A_228 : memref<8x8x128xf32, #tpu.memory_space<hbm>>) target(%arg14 : memref<8x8x128xf32, #tpu.memory_space<vmem>>) target_semaphore(%arg22 : memref<!tpu.dma_semaphore, #tpu.memory_space<semaphore_mem>>)
      %mul3A_229 = arith.constant 8 : i32
      %mul3A_230 = arith.muli %scan3A_54, %mul3A_229 : i32
      %add3A_231 = arith.constant 6 : i32
      %add3A_232 = arith.addi %mul3A_230, %add3A_231 : i32
      %broadcast_in_dim3A_233 = arith.constant 0 : i32
      %broadcast_in_dim3A_234 = vector.broadcast %broadcast_in_dim3A_233 : i32 to vector<16xi32>
      %add3A_235 = vector.broadcast %add3A_232 : i32 to vector<16xi32>
      %add3A_236 = arith.addi %broadcast_in_dim3A_234, %add3A_235 : vector<16xi32>
      %gather3A_237 = tpu.vector_load_idx %arg6[%add3A_236] : memref<512xi32, #tpu.memory_space<vmem>>[vector<16xi32>], vector<16xi32>,
      %reduce_max3A_238 = arith.constant true
      %reduce_max3A_239 = vector.broadcast %reduce_max3A_238 : i1 to vector<16xi1>
      %reduce_max3A_240 = arith.constant -2147483648 : i32
      %reduce_max3A_241 = vector.broadcast %reduce_max3A_240 : i32 to vector<16xi32>
      %reduce_max3A_242 = arith.xori %gather3A_237, %reduce_max3A_241 : vector<16xi32>
      %reduce_max3A_243 = tpu.scan <max>, %reduce_max3A_242 masked %reduce_max3A_239 : vector<16xi32>, vector<16xi1> -> vector<16xi32>
      %reduce_max3A_244 = arith.xori %reduce_max3A_243, %reduce_max3A_241 : vector<16xi32>
      %reduce_max3A_245 = vector.extract %reduce_max3A_244[15] : i32 from vector<16xi32>
      %shift_right_arithmetic3A_246 = arith.constant 7 : i32
      %shift_right_arithmetic3A_247 = arith.shrsi %reduce_max3A_245, %shift_right_arithmetic3A_246 : i32
      %min3A_248 = arith.constant 7811 : i32
      %min3A_249 = arith.minsi %shift_right_arithmetic3A_247, %min3A_248 : i32
      %mul3A_250 = arith.constant 128 : i32
      %mul3A_251 = arith.muli %min3A_249, %mul3A_250 : i32
      %multiple_of3A_252 = tpu.assume_multiple %mul3A_251, 128 : i32
      %dma_start3A_253 = arith.constant 0 : i32
      %dma_start3A_254 = arith.constant 0 : i32
      %dma_start3A_255 = tpu.memref_slice %arg3[%dma_start3A_253, %dma_start3A_254, %multiple_of3A_252] : memref<8x8x1000000xf32, #tpu.memory_space<hbm>> -> memref<8x8x128xf32, #tpu.memory_space<hbm>>
      %dma_start3A_256 = arith.constant 0 : i32
      %dma_start3A_257 = arith.constant 0 : i32
      %dma_start3A_258 = tpu.memref_slice %arg3[%dma_start3A_256, %dma_start3A_257, %multiple_of3A_252] : memref<8x8x1000000xf32, #tpu.memory_space<hbm>> -> memref<8x8x128xf32, #tpu.memory_space<hbm>>
      tpu.enqueue_dma source(%dma_start3A_258 : memref<8x8x128xf32, #tpu.memory_space<hbm>>) target(%arg15 : memref<8x8x128xf32, #tpu.memory_space<vmem>>) target_semaphore(%arg23 : memref<!tpu.dma_semaphore, #tpu.memory_space<semaphore_mem>>)
      %mul3A_259 = arith.constant 8 : i32
      %mul3A_260 = arith.muli %scan3A_54, %mul3A_259 : i32
      %add3A_261 = arith.constant 7 : i32
      %add3A_262 = arith.addi %mul3A_260, %add3A_261 : i32
      %broadcast_in_dim3A_263 = arith.constant 0 : i32
      %broadcast_in_dim3A_264 = vector.broadcast %broadcast_in_dim3A_263 : i32 to vector<16xi32>
      %add3A_265 = vector.broadcast %add3A_262 : i32 to vector<16xi32>
      %add3A_266 = arith.addi %broadcast_in_dim3A_264, %add3A_265 : vector<16xi32>
      %gather3A_267 = tpu.vector_load_idx %arg6[%add3A_266] : memref<512xi32, #tpu.memory_space<vmem>>[vector<16xi32>], vector<16xi32>,
      %reduce_max3A_268 = arith.constant true
      %reduce_max3A_269 = vector.broadcast %reduce_max3A_268 : i1 to vector<16xi1>
      %reduce_max3A_270 = arith.constant -2147483648 : i32
      %reduce_max3A_271 = vector.broadcast %reduce_max3A_270 : i32 to vector<16xi32>
      %reduce_max3A_272 = arith.xori %gather3A_267, %reduce_max3A_271 : vector<16xi32>
      %reduce_max3A_273 = tpu.scan <max>, %reduce_max3A_272 masked %reduce_max3A_269 : vector<16xi32>, vector<16xi1> -> vector<16xi32>
      %reduce_max3A_274 = arith.xori %reduce_max3A_273, %reduce_max3A_271 : vector<16xi32>
      %reduce_max3A_275 = vector.extract %reduce_max3A_274[15] : i32 from vector<16xi32>
      %shift_right_arithmetic3A_276 = arith.constant 7 : i32
      %shift_right_arithmetic3A_277 = arith.shrsi %reduce_max3A_275, %shift_right_arithmetic3A_276 : i32
      %min3A_278 = arith.constant 7811 : i32
      %min3A_279 = arith.minsi %shift_right_arithmetic3A_277, %min3A_278 : i32
      %mul3A_280 = arith.constant 128 : i32
      %mul3A_281 = arith.muli %min3A_279, %mul3A_280 : i32
      %multiple_of3A_282 = tpu.assume_multiple %mul3A_281, 128 : i32
      %dma_start3A_283 = arith.constant 0 : i32
      %dma_start3A_284 = arith.constant 0 : i32
      %dma_start3A_285 = tpu.memref_slice %arg3[%dma_start3A_283, %dma_start3A_284, %multiple_of3A_282] : memref<8x8x1000000xf32, #tpu.memory_space<hbm>> -> memref<8x8x128xf32, #tpu.memory_space<hbm>>
      %dma_start3A_286 = arith.constant 0 : i32
      %dma_start3A_287 = arith.constant 0 : i32
      %dma_start3A_288 = tpu.memref_slice %arg3[%dma_start3A_286, %dma_start3A_287, %multiple_of3A_282] : memref<8x8x1000000xf32, #tpu.memory_space<hbm>> -> memref<8x8x128xf32, #tpu.memory_space<hbm>>
      tpu.enqueue_dma source(%dma_start3A_288 : memref<8x8x128xf32, #tpu.memory_space<hbm>>) target(%arg16 : memref<8x8x128xf32, #tpu.memory_space<vmem>>) target_semaphore(%arg24 : memref<!tpu.dma_semaphore, #tpu.memory_space<semaphore_mem>>)
      %dma_wait3A = arith.constant 0 : i32
      %dma_wait3A_289 = arith.constant 0 : i32
      %dma_wait3A_290 = arith.constant 0 : i32
      %dma_wait3A_291 = tpu.memref_slice %arg3[%dma_wait3A, %dma_wait3A_289, %dma_wait3A_290] : memref<8x8x1000000xf32, #tpu.memory_space<hbm>> -> memref<8x8x128xf32, #tpu.memory_space<hbm>>
      %dma_wait3A_292 = arith.constant 0 : i32
      %dma_wait3A_293 = arith.constant 0 : i32
      %dma_wait3A_294 = arith.constant 0 : i32
      %dma_wait3A_295 = tpu.memref_slice %arg3[%dma_wait3A_292, %dma_wait3A_293, %dma_wait3A_294] : memref<8x8x1000000xf32, #tpu.memory_space<hbm>> -> memref<8x8x128xf32, #tpu.memory_space<hbm>>
      tpu.wait_dma2 semaphore(%arg17 : memref<!tpu.dma_semaphore, #tpu.memory_space<semaphore_mem>>) src(%dma_wait3A_295 : memref<8x8x128xf32, #tpu.memory_space<hbm>>) dst(%arg9 : memref<8x8x128xf32, #tpu.memory_space<vmem>>)
      %mul3A_296 = arith.constant 8 : i32
      %mul3A_297 = arith.muli %scan3A_54, %mul3A_296 : i32
      %add3A_298 = arith.constant 0 : i32
      %add3A_299 = arith.addi %mul3A_297, %add3A_298 : i32
      %broadcast_in_dim3A_300 = arith.constant 0 : i32
      %broadcast_in_dim3A_301 = vector.broadcast %broadcast_in_dim3A_300 : i32 to vector<16xi32>
      %add3A_302 = vector.broadcast %add3A_299 : i32 to vector<16xi32>
      %add3A_303 = arith.addi %broadcast_in_dim3A_301, %add3A_302 : vector<16xi32>
      %gather3A_304 = tpu.vector_load_idx %arg6[%add3A_303] : memref<512xi32, #tpu.memory_space<vmem>>[vector<16xi32>], vector<16xi32>,
      %reduce_max3A_305 = arith.constant true
      %reduce_max3A_306 = vector.broadcast %reduce_max3A_305 : i1 to vector<16xi1>
      %reduce_max3A_307 = arith.constant -2147483648 : i32
      %reduce_max3A_308 = vector.broadcast %reduce_max3A_307 : i32 to vector<16xi32>
      %reduce_max3A_309 = arith.xori %gather3A_304, %reduce_max3A_308 : vector<16xi32>
      %reduce_max3A_310 = tpu.scan <max>, %reduce_max3A_309 masked %reduce_max3A_306 : vector<16xi32>, vector<16xi1> -> vector<16xi32>
      %reduce_max3A_311 = arith.xori %reduce_max3A_310, %reduce_max3A_308 : vector<16xi32>
      %reduce_max3A_312 = vector.extract %reduce_max3A_311[15] : i32 from vector<16xi32>
      %shift_right_arithmetic3A_313 = arith.constant 7 : i32
      %shift_right_arithmetic3A_314 = arith.shrsi %reduce_max3A_312, %shift_right_arithmetic3A_313 : i32
      %min3A_315 = arith.constant 7811 : i32
      %min3A_316 = arith.minsi %shift_right_arithmetic3A_314, %min3A_315 : i32
      %mul3A_317 = arith.constant 128 : i32
      %mul3A_318 = arith.muli %min3A_316, %mul3A_317 : i32
      %sub3A = vector.broadcast %mul3A_318 : i32 to vector<16xi32>
      %sub3A_319 = arith.subi %gather3A_304, %sub3A : vector<16xi32>
      %min3A_320 = arith.constant 127 : i32
      %min3A_321 = vector.broadcast %min3A_320 : i32 to vector<16xi32>
      %min3A_322 = arith.minsi %sub3A_319, %min3A_321 : vector<16xi32>
      %ge3A = arith.constant 999936 : i32
      %ge3A_323 = vector.broadcast %ge3A : i32 to vector<16xi32>
      %ge3A_324 = arith.cmpi sge, %gather3A_304, %ge3A_323 : vector<16xi32>
      %sub3A_325 = arith.constant 999936 : i32
      %sub3A_326 = arith.subi %reduce_max3A_312, %sub3A_325 : i32
      %jit3A = arith.constant 0 : i32
      %jit3A_327 = arith.constant 63 : i32
      %max3A = arith.maxsi %jit3A, %sub3A_326 : i32
      %min3A_328 = arith.minsi %jit3A_327, %max3A : i32
      %and3A_329 = arith.constant 127 : i32
      %and3A_330 = arith.andi %add3A_299, %and3A_329 : i32
      %gather3A_331 = tpu.vector_load_idx %arg9[%shift_right_arithmetic3A_7, %and3A_30, %min3A_322] : memref<8x8x128xf32, #tpu.memory_space<vmem>>[vector<16xi32>, vector<16xi32>, vector<16xi32>], vector<16xf32>,
      %get3A = arith.index_cast %min3A_328 : i32 to index
      %get3A_332 = arith.constant 0 : index
      %get3A_333 = tpu.vector_load %arg7[%get3A, %get3A_332] {strides = array<i32>} : memref<64x64xf32, #tpu.memory_space<vmem>>, vector<16xf32>,
      %select_n3A = arith.select %ge3A_324, %get3A_333, %gather3A_331 : vector<16xi1>, vector<16xf32>
      %abs3A = math.absf %select_n3A : vector<16xf32>
      %neg3A = arith.constant 0.000000e+00 : f32
      %neg3A_334 = vector.broadcast %neg3A : f32 to vector<16xf32>
      %neg3A_335 = arith.subf %neg3A_334, %abs3A : vector<16xf32>
      %exp3A = math.exp %neg3A_335 : vector<16xf32>
      %broadcast_in_dim3A_336 = arith.constant 0.0101189017 : f32
      %broadcast_in_dim3A_337 = vector.broadcast %broadcast_in_dim3A_336 : f32 to vector<16xf32>
      %mul3A_338 = arith.mulf %broadcast_in_dim3A_337, %exp3A : vector<16xf32>
      %add3A_339 = arith.constant -0.0526239537 : f32
      %add3A_340 = vector.broadcast %add3A_339 : f32 to vector<16xf32>
      %add3A_341 = arith.addf %mul3A_338, %add3A_340 : vector<16xf32>
      %mul3A_342 = arith.mulf %add3A_341, %exp3A : vector<16xf32>
      %add3A_343 = arith.constant 0.130763352 : f32
      %add3A_344 = vector.broadcast %add3A_343 : f32 to vector<16xf32>
      %add3A_345 = arith.addf %mul3A_342, %add3A_344 : vector<16xf32>
      %mul3A_346 = arith.mulf %add3A_345, %exp3A : vector<16xf32>
      %add3A_347 = arith.constant -0.222834721 : f32
      %add3A_348 = vector.broadcast %add3A_347 : f32 to vector<16xf32>
      %add3A_349 = arith.addf %mul3A_346, %add3A_348 : vector<16xf32>
      %mul3A_350 = arith.mulf %add3A_349, %exp3A : vector<16xf32>
      %add3A_351 = arith.constant 0.326972365 : f32
      %add3A_352 = vector.broadcast %add3A_351 : f32 to vector<16xf32>
      %add3A_353 = arith.addf %mul3A_350, %add3A_352 : vector<16xf32>
      %mul3A_354 = arith.mulf %add3A_353, %exp3A : vector<16xf32>
      %add3A_355 = arith.constant -0.499206394 : f32
      %add3A_356 = vector.broadcast %add3A_355 : f32 to vector<16xf32>
      %add3A_357 = arith.addf %mul3A_354, %add3A_356 : vector<16xf32>
      %mul3A_358 = arith.mulf %add3A_357, %exp3A : vector<16xf32>
      %add3A_359 = arith.constant 0.999957442 : f32
      %add3A_360 = vector.broadcast %add3A_359 : f32 to vector<16xf32>
      %add3A_361 = arith.addf %mul3A_358, %add3A_360 : vector<16xf32>
      %mul3A_362 = arith.mulf %add3A_361, %exp3A : vector<16xf32>
      %add3A_363 = arith.constant 5.62932996E-7 : f32
      %add3A_364 = vector.broadcast %add3A_363 : f32 to vector<16xf32>
      %add3A_365 = arith.addf %mul3A_362, %add3A_364 : vector<16xf32>
      %max3A_366 = arith.constant 0.000000e+00 : f32
      %max3A_367 = vector.broadcast %max3A_366 : f32 to vector<16xf32>
      %max3A_368 = arith.maximumf %select_n3A, %max3A_367 : vector<16xf32>
      %add3A_369 = arith.addf %max3A_368, %add3A_365 : vector<16xf32>
      %swap3A = arith.index_cast %and3A_330 : i32 to index
      %swap3A_370 = arith.constant 0 : index
      %swap3A_371 = tpu.vector_load %arg8[%swap3A, %swap3A_370] {strides = array<i32>} : memref<128x64xf32, #tpu.memory_space<vmem>>, vector<16xf32>,
      tpu.vector_store %arg8[%swap3A, %swap3A_370], %add3A_369 {strides = array<i32>} : memref<128x64xf32, #tpu.memory_space<vmem>>, vector<16xf32>,
      %gather3A_372 = tpu.vector_load_idx %arg9[%shift_right_arithmetic3A_13, %and3A_36, %min3A_322] : memref<8x8x128xf32, #tpu.memory_space<vmem>>[vector<16xi32>, vector<16xi32>, vector<16xi32>], vector<16xf32>,
      %get3A_373 = arith.index_cast %min3A_328 : i32 to index
      %get3A_374 = arith.constant 16 : index
      %get3A_375 = tpu.vector_load %arg7[%get3A_373, %get3A_374] {strides = array<i32>} : memref<64x64xf32, #tpu.memory_space<vmem>>, vector<16xf32>,
      %select_n3A_376 = arith.select %ge3A_324, %get3A_375, %gather3A_372 : vector<16xi1>, vector<16xf32>
      %abs3A_377 = math.absf %select_n3A_376 : vector<16xf32>
      %neg3A_378 = arith.constant 0.000000e+00 : f32
      %neg3A_379 = vector.broadcast %neg3A_378 : f32 to vector<16xf32>
      %neg3A_380 = arith.subf %neg3A_379, %abs3A_377 : vector<16xf32>
      %exp3A_381 = math.exp %neg3A_380 : vector<16xf32>
      %broadcast_in_dim3A_382 = arith.constant 0.0101189017 : f32
      %broadcast_in_dim3A_383 = vector.broadcast %broadcast_in_dim3A_382 : f32 to vector<16xf32>
      %mul3A_384 = arith.mulf %broadcast_in_dim3A_383, %exp3A_381 : vector<16xf32>
      %add3A_385 = arith.constant -0.0526239537 : f32
      %add3A_386 = vector.broadcast %add3A_385 : f32 to vector<16xf32>
      %add3A_387 = arith.addf %mul3A_384, %add3A_386 : vector<16xf32>
      %mul3A_388 = arith.mulf %add3A_387, %exp3A_381 : vector<16xf32>
      %add3A_389 = arith.constant 0.130763352 : f32
      %add3A_390 = vector.broadcast %add3A_389 : f32 to vector<16xf32>
      %add3A_391 = arith.addf %mul3A_388, %add3A_390 : vector<16xf32>
      %mul3A_392 = arith.mulf %add3A_391, %exp3A_381 : vector<16xf32>
      %add3A_393 = arith.constant -0.222834721 : f32
      %add3A_394 = vector.broadcast %add3A_393 : f32 to vector<16xf32>
      %add3A_395 = arith.addf %mul3A_392, %add3A_394 : vector<16xf32>
      %mul3A_396 = arith.mulf %add3A_395, %exp3A_381 : vector<16xf32>
      %add3A_397 = arith.constant 0.326972365 : f32
      %add3A_398 = vector.broadcast %add3A_397 : f32 to vector<16xf32>
      %add3A_399 = arith.addf %mul3A_396, %add3A_398 : vector<16xf32>
      %mul3A_400 = arith.mulf %add3A_399, %exp3A_381 : vector<16xf32>
      %add3A_401 = arith.constant -0.499206394 : f32
      %add3A_402 = vector.broadcast %add3A_401 : f32 to vector<16xf32>
      %add3A_403 = arith.addf %mul3A_400, %add3A_402 : vector<16xf32>
      %mul3A_404 = arith.mulf %add3A_403, %exp3A_381 : vector<16xf32>
      %add3A_405 = arith.constant 0.999957442 : f32
      %add3A_406 = vector.broadcast %add3A_405 : f32 to vector<16xf32>
      %add3A_407 = arith.addf %mul3A_404, %add3A_406 : vector<16xf32>
      %mul3A_408 = arith.mulf %add3A_407, %exp3A_381 : vector<16xf32>
      %add3A_409 = arith.constant 5.62932996E-7 : f32
      %add3A_410 = vector.broadcast %add3A_409 : f32 to vector<16xf32>
      %add3A_411 = arith.addf %mul3A_408, %add3A_410 : vector<16xf32>
      %max3A_412 = arith.constant 0.000000e+00 : f32
      %max3A_413 = vector.broadcast %max3A_412 : f32 to vector<16xf32>
      %max3A_414 = arith.maximumf %select_n3A_376, %max3A_413 : vector<16xf32>
      %add3A_415 = arith.addf %max3A_414, %add3A_411 : vector<16xf32>
      %swap3A_416 = arith.index_cast %and3A_330 : i32 to index
      %swap3A_417 = arith.constant 16 : index
      %swap3A_418 = tpu.vector_load %arg8[%swap3A_416, %swap3A_417] {strides = array<i32>} : memref<128x64xf32, #tpu.memory_space<vmem>>, vector<16xf32>,
      tpu.vector_store %arg8[%swap3A_416, %swap3A_417], %add3A_415 {strides = array<i32>} : memref<128x64xf32, #tpu.memory_space<vmem>>, vector<16xf32>,
      %gather3A_419 = tpu.vector_load_idx %arg9[%shift_right_arithmetic3A_19, %and3A_42, %min3A_322] : memref<8x8x128xf32, #tpu.memory_space<vmem>>[vector<16xi32>, vector<16xi32>, vector<16xi32>], vector<16xf32>,
      %get3A_420 = arith.index_cast %min3A_328 : i32 to index
      %get3A_421 = arith.constant 32 : index
      %get3A_422 = tpu.vector_load %arg7[%get3A_420, %get3A_421] {strides = array<i32>} : memref<64x64xf32, #tpu.memory_space<vmem>>, vector<16xf32>,
      %select_n3A_423 = arith.select %ge3A_324, %get3A_422, %gather3A_419 : vector<16xi1>, vector<16xf32>
      %abs3A_424 = math.absf %select_n3A_423 : vector<16xf32>
      %neg3A_425 = arith.constant 0.000000e+00 : f32
      %neg3A_426 = vector.broadcast %neg3A_425 : f32 to vector<16xf32>
      %neg3A_427 = arith.subf %neg3A_426, %abs3A_424 : vector<16xf32>
      %exp3A_428 = math.exp %neg3A_427 : vector<16xf32>
      %broadcast_in_dim3A_429 = arith.constant 0.0101189017 : f32
      %broadcast_in_dim3A_430 = vector.broadcast %broadcast_in_dim3A_429 : f32 to vector<16xf32>
      %mul3A_431 = arith.mulf %broadcast_in_dim3A_430, %exp3A_428 : vector<16xf32>
      %add3A_432 = arith.constant -0.0526239537 : f32
      %add3A_433 = vector.broadcast %add3A_432 : f32 to vector<16xf32>
      %add3A_434 = arith.addf %mul3A_431, %add3A_433 : vector<16xf32>
      %mul3A_435 = arith.mulf %add3A_434, %exp3A_428 : vector<16xf32>
      %add3A_436 = arith.constant 0.130763352 : f32
      %add3A_437 = vector.broadcast %add3A_436 : f32 to vector<16xf32>
      %add3A_438 = arith.addf %mul3A_435, %add3A_437 : vector<16xf32>
      %mul3A_439 = arith.mulf %add3A_438, %exp3A_428 : vector<16xf32>
      %add3A_440 = arith.constant -0.222834721 : f32
      %add3A_441 = vector.broadcast %add3A_440 : f32 to vector<16xf32>
      %add3A_442 = arith.addf %mul3A_439, %add3A_441 : vector<16xf32>
      %mul3A_443 = arith.mulf %add3A_442, %exp3A_428 : vector<16xf32>
      %add3A_444 = arith.constant 0.326972365 : f32
      %add3A_445 = vector.broadcast %add3A_444 : f32 to vector<16xf32>
      %add3A_446 = arith.addf %mul3A_443, %add3A_445 : vector<16xf32>
      %mul3A_447 = arith.mulf %add3A_446, %exp3A_428 : vector<16xf32>
      %add3A_448 = arith.constant -0.499206394 : f32
      %add3A_449 = vector.broadcast %add3A_448 : f32 to vector<16xf32>
      %add3A_450 = arith.addf %mul3A_447, %add3A_449 : vector<16xf32>
      %mul3A_451 = arith.mulf %add3A_450, %exp3A_428 : vector<16xf32>
      %add3A_452 = arith.constant 0.999957442 : f32
      %add3A_453 = vector.broadcast %add3A_452 : f32 to vector<16xf32>
      %add3A_454 = arith.addf %mul3A_451, %add3A_453 : vector<16xf32>
      %mul3A_455 = arith.mulf %add3A_454, %exp3A_428 : vector<16xf32>
      %add3A_456 = arith.constant 5.62932996E-7 : f32
      %add3A_457 = vector.broadcast %add3A_456 : f32 to vector<16xf32>
      %add3A_458 = arith.addf %mul3A_455, %add3A_457 : vector<16xf32>
      %max3A_459 = arith.constant 0.000000e+00 : f32
      %max3A_460 = vector.broadcast %max3A_459 : f32 to vector<16xf32>
      %max3A_461 = arith.maximumf %select_n3A_423, %max3A_460 : vector<16xf32>
      %add3A_462 = arith.addf %max3A_461, %add3A_458 : vector<16xf32>
      %swap3A_463 = arith.index_cast %and3A_330 : i32 to index
      %swap3A_464 = arith.constant 32 : index
      %swap3A_465 = tpu.vector_load %arg8[%swap3A_463, %swap3A_464] {strides = array<i32>} : memref<128x64xf32, #tpu.memory_space<vmem>>, vector<16xf32>,
      tpu.vector_store %arg8[%swap3A_463, %swap3A_464], %add3A_462 {strides = array<i32>} : memref<128x64xf32, #tpu.memory_space<vmem>>, vector<16xf32>,
      %gather3A_466 = tpu.vector_load_idx %arg9[%shift_right_arithmetic3A_25, %and3A_48, %min3A_322] : memref<8x8x128xf32, #tpu.memory_space<vmem>>[vector<16xi32>, vector<16xi32>, vector<16xi32>], vector<16xf32>,
      %get3A_467 = arith.index_cast %min3A_328 : i32 to index
      %get3A_468 = arith.constant 48 : index
      %get3A_469 = tpu.vector_load %arg7[%get3A_467, %get3A_468] {strides = array<i32>} : memref<64x64xf32, #tpu.memory_space<vmem>>, vector<16xf32>,
      %select_n3A_470 = arith.select %ge3A_324, %get3A_469, %gather3A_466 : vector<16xi1>, vector<16xf32>
      %abs3A_471 = math.absf %select_n3A_470 : vector<16xf32>
      %neg3A_472 = arith.constant 0.000000e+00 : f32
      %neg3A_473 = vector.broadcast %neg3A_472 : f32 to vector<16xf32>
      %neg3A_474 = arith.subf %neg3A_473, %abs3A_471 : vector<16xf32>
      %exp3A_475 = math.exp %neg3A_474 : vector<16xf32>
      %broadcast_in_dim3A_476 = arith.constant 0.0101189017 : f32
      %broadcast_in_dim3A_477 = vector.broadcast %broadcast_in_dim3A_476 : f32 to vector<16xf32>
      %mul3A_478 = arith.mulf %broadcast_in_dim3A_477, %exp3A_475 : vector<16xf32>
      %add3A_479 = arith.constant -0.0526239537 : f32
      %add3A_480 = vector.broadcast %add3A_479 : f32 to vector<16xf32>
      %add3A_481 = arith.addf %mul3A_478, %add3A_480 : vector<16xf32>
      %mul3A_482 = arith.mulf %add3A_481, %exp3A_475 : vector<16xf32>
      %add3A_483 = arith.constant 0.130763352 : f32
      %add3A_484 = vector.broadcast %add3A_483 : f32 to vector<16xf32>
      %add3A_485 = arith.addf %mul3A_482, %add3A_484 : vector<16xf32>
      %mul3A_486 = arith.mulf %add3A_485, %exp3A_475 : vector<16xf32>
      %add3A_487 = arith.constant -0.222834721 : f32
      %add3A_488 = vector.broadcast %add3A_487 : f32 to vector<16xf32>
      %add3A_489 = arith.addf %mul3A_486, %add3A_488 : vector<16xf32>
      %mul3A_490 = arith.mulf %add3A_489, %exp3A_475 : vector<16xf32>
      %add3A_491 = arith.constant 0.326972365 : f32
      %add3A_492 = vector.broadcast %add3A_491 : f32 to vector<16xf32>
      %add3A_493 = arith.addf %mul3A_490, %add3A_492 : vector<16xf32>
      %mul3A_494 = arith.mulf %add3A_493, %exp3A_475 : vector<16xf32>
      %add3A_495 = arith.constant -0.499206394 : f32
      %add3A_496 = vector.broadcast %add3A_495 : f32 to vector<16xf32>
      %add3A_497 = arith.addf %mul3A_494, %add3A_496 : vector<16xf32>
      %mul3A_498 = arith.mulf %add3A_497, %exp3A_475 : vector<16xf32>
      %add3A_499 = arith.constant 0.999957442 : f32
      %add3A_500 = vector.broadcast %add3A_499 : f32 to vector<16xf32>
      %add3A_501 = arith.addf %mul3A_498, %add3A_500 : vector<16xf32>
      %mul3A_502 = arith.mulf %add3A_501, %exp3A_475 : vector<16xf32>
      %add3A_503 = arith.constant 5.62932996E-7 : f32
      %add3A_504 = vector.broadcast %add3A_503 : f32 to vector<16xf32>
      %add3A_505 = arith.addf %mul3A_502, %add3A_504 : vector<16xf32>
      %max3A_506 = arith.constant 0.000000e+00 : f32
      %max3A_507 = vector.broadcast %max3A_506 : f32 to vector<16xf32>
      %max3A_508 = arith.maximumf %select_n3A_470, %max3A_507 : vector<16xf32>
      %add3A_509 = arith.addf %max3A_508, %add3A_505 : vector<16xf32>
      %swap3A_510 = arith.index_cast %and3A_330 : i32 to index
      %swap3A_511 = arith.constant 48 : index
      %swap3A_512 = tpu.vector_load %arg8[%swap3A_510, %swap3A_511] {strides = array<i32>} : memref<128x64xf32, #tpu.memory_space<vmem>>, vector<16xf32>,
      tpu.vector_store %arg8[%swap3A_510, %swap3A_511], %add3A_509 {strides = array<i32>} : memref<128x64xf32, #tpu.memory_space<vmem>>, vector<16xf32>,
      %dma_wait3A_513 = arith.constant 0 : i32
      %dma_wait3A_514 = arith.constant 0 : i32
      %dma_wait3A_515 = arith.constant 0 : i32
      %dma_wait3A_516 = tpu.memref_slice %arg3[%dma_wait3A_513, %dma_wait3A_514, %dma_wait3A_515] : memref<8x8x1000000xf32, #tpu.memory_space<hbm>> -> memref<8x8x128xf32, #tpu.memory_space<hbm>>
      %dma_wait3A_517 = arith.constant 0 : i32
      %dma_wait3A_518 = arith.constant 0 : i32
      %dma_wait3A_519 = arith.constant 0 : i32
      %dma_wait3A_520 = tpu.memref_slice %arg3[%dma_wait3A_517, %dma_wait3A_518, %dma_wait3A_519] : memref<8x8x1000000xf32, #tpu.memory_space<hbm>> -> memref<8x8x128xf32, #tpu.memory_space<hbm>>
      tpu.wait_dma2 semaphore(%arg18 : memref<!tpu.dma_semaphore, #tpu.memory_space<semaphore_mem>>) src(%dma_wait3A_520 : memref<8x8x128xf32, #tpu.memory_space<hbm>>) dst(%arg10 : memref<8x8x128xf32, #tpu.memory_space<vmem>>)
      %mul3A_521 = arith.constant 8 : i32
      %mul3A_522 = arith.muli %scan3A_54, %mul3A_521 : i32
      %add3A_523 = arith.constant 1 : i32
      %add3A_524 = arith.addi %mul3A_522, %add3A_523 : i32
      %broadcast_in_dim3A_525 = arith.constant 0 : i32
      %broadcast_in_dim3A_526 = vector.broadcast %broadcast_in_dim3A_525 : i32 to vector<16xi32>
      %add3A_527 = vector.broadcast %add3A_524 : i32 to vector<16xi32>
      %add3A_528 = arith.addi %broadcast_in_dim3A_526, %add3A_527 : vector<16xi32>
      %gather3A_529 = tpu.vector_load_idx %arg6[%add3A_528] : memref<512xi32, #tpu.memory_space<vmem>>[vector<16xi32>], vector<16xi32>,
      %reduce_max3A_530 = arith.constant true
      %reduce_max3A_531 = vector.broadcast %reduce_max3A_530 : i1 to vector<16xi1>
      %reduce_max3A_532 = arith.constant -2147483648 : i32
      %reduce_max3A_533 = vector.broadcast %reduce_max3A_532 : i32 to vector<16xi32>
      %reduce_max3A_534 = arith.xori %gather3A_529, %reduce_max3A_533 : vector<16xi32>
      %reduce_max3A_535 = tpu.scan <max>, %reduce_max3A_534 masked %reduce_max3A_531 : vector<16xi32>, vector<16xi1> -> vector<16xi32>
      %reduce_max3A_536 = arith.xori %reduce_max3A_535, %reduce_max3A_533 : vector<16xi32>
      %reduce_max3A_537 = vector.extract %reduce_max3A_536[15] : i32 from vector<16xi32>
      %shift_right_arithmetic3A_538 = arith.constant 7 : i32
      %shift_right_arithmetic3A_539 = arith.shrsi %reduce_max3A_537, %shift_right_arithmetic3A_538 : i32
      %min3A_540 = arith.constant 7811 : i32
      %min3A_541 = arith.minsi %shift_right_arithmetic3A_539, %min3A_540 : i32
      %mul3A_542 = arith.constant 128 : i32
      %mul3A_543 = arith.muli %min3A_541, %mul3A_542 : i32
      %sub3A_544 = vector.broadcast %mul3A_543 : i32 to vector<16xi32>
      %sub3A_545 = arith.subi %gather3A_529, %sub3A_544 : vector<16xi32>
      %min3A_546 = arith.constant 127 : i32
      %min3A_547 = vector.broadcast %min3A_546 : i32 to vector<16xi32>
      %min3A_548 = arith.minsi %sub3A_545, %min3A_547 : vector<16xi32>
      %ge3A_549 = arith.constant 999936 : i32
      %ge3A_550 = vector.broadcast %ge3A_549 : i32 to vector<16xi32>
      %ge3A_551 = arith.cmpi sge, %gather3A_529, %ge3A_550 : vector<16xi32>
      %sub3A_552 = arith.constant 999936 : i32
      %sub3A_553 = arith.subi %reduce_max3A_537, %sub3A_552 : i32
      %jit3A_554 = arith.constant 0 : i32
      %jit3A_555 = arith.constant 63 : i32
      %max3A_556 = arith.maxsi %jit3A_554, %sub3A_553 : i32
      %min3A_557 = arith.minsi %jit3A_555, %max3A_556 : i32
      %and3A_558 = arith.constant 127 : i32
      %and3A_559 = arith.andi %add3A_524, %and3A_558 : i32
      %gather3A_560 = tpu.vector_load_idx %arg10[%shift_right_arithmetic3A_7, %and3A_30, %min3A_548] : memref<8x8x128xf32, #tpu.memory_space<vmem>>[vector<16xi32>, vector<16xi32>, vector<16xi32>], vector<16xf32>,
      %get3A_561 = arith.index_cast %min3A_557 : i32 to index
      %get3A_562 = arith.constant 0 : index
      %get3A_563 = tpu.vector_load %arg7[%get3A_561, %get3A_562] {strides = array<i32>} : memref<64x64xf32, #tpu.memory_space<vmem>>, vector<16xf32>,
      %select_n3A_564 = arith.select %ge3A_551, %get3A_563, %gather3A_560 : vector<16xi1>, vector<16xf32>
      %abs3A_565 = math.absf %select_n3A_564 : vector<16xf32>
      %neg3A_566 = arith.constant 0.000000e+00 : f32
      %neg3A_567 = vector.broadcast %neg3A_566 : f32 to vector<16xf32>
      %neg3A_568 = arith.subf %neg3A_567, %abs3A_565 : vector<16xf32>
      %exp3A_569 = math.exp %neg3A_568 : vector<16xf32>
      %broadcast_in_dim3A_570 = arith.constant 0.0101189017 : f32
      %broadcast_in_dim3A_571 = vector.broadcast %broadcast_in_dim3A_570 : f32 to vector<16xf32>
      %mul3A_572 = arith.mulf %broadcast_in_dim3A_571, %exp3A_569 : vector<16xf32>
      %add3A_573 = arith.constant -0.0526239537 : f32
      %add3A_574 = vector.broadcast %add3A_573 : f32 to vector<16xf32>
      %add3A_575 = arith.addf %mul3A_572, %add3A_574 : vector<16xf32>
      %mul3A_576 = arith.mulf %add3A_575, %exp3A_569 : vector<16xf32>
      %add3A_577 = arith.constant 0.130763352 : f32
      %add3A_578 = vector.broadcast %add3A_577 : f32 to vector<16xf32>
      %add3A_579 = arith.addf %mul3A_576, %add3A_578 : vector<16xf32>
      %mul3A_580 = arith.mulf %add3A_579, %exp3A_569 : vector<16xf32>
      %add3A_581 = arith.constant -0.222834721 : f32
      %add3A_582 = vector.broadcast %add3A_581 : f32 to vector<16xf32>
      %add3A_583 = arith.addf %mul3A_580, %add3A_582 : vector<16xf32>
      %mul3A_584 = arith.mulf %add3A_583, %exp3A_569 : vector<16xf32>
      %add3A_585 = arith.constant 0.326972365 : f32
      %add3A_586 = vector.broadcast %add3A_585 : f32 to vector<16xf32>
      %add3A_587 = arith.addf %mul3A_584, %add3A_586 : vector<16xf32>
      %mul3A_588 = arith.mulf %add3A_587, %exp3A_569 : vector<16xf32>
      %add3A_589 = arith.constant -0.499206394 : f32
      %add3A_590 = vector.broadcast %add3A_589 : f32 to vector<16xf32>
      %add3A_591 = arith.addf %mul3A_588, %add3A_590 : vector<16xf32>
      %mul3A_592 = arith.mulf %add3A_591, %exp3A_569 : vector<16xf32>
      %add3A_593 = arith.constant 0.999957442 : f32
      %add3A_594 = vector.broadcast %add3A_593 : f32 to vector<16xf32>
      %add3A_595 = arith.addf %mul3A_592, %add3A_594 : vector<16xf32>
      %mul3A_596 = arith.mulf %add3A_595, %exp3A_569 : vector<16xf32>
      %add3A_597 = arith.constant 5.62932996E-7 : f32
      %add3A_598 = vector.broadcast %add3A_597 : f32 to vector<16xf32>
      %add3A_599 = arith.addf %mul3A_596, %add3A_598 : vector<16xf32>
      %max3A_600 = arith.constant 0.000000e+00 : f32
      %max3A_601 = vector.broadcast %max3A_600 : f32 to vector<16xf32>
      %max3A_602 = arith.maximumf %select_n3A_564, %max3A_601 : vector<16xf32>
      %add3A_603 = arith.addf %max3A_602, %add3A_599 : vector<16xf32>
      %swap3A_604 = arith.index_cast %and3A_559 : i32 to index
      %swap3A_605 = arith.constant 0 : index
      %swap3A_606 = tpu.vector_load %arg8[%swap3A_604, %swap3A_605] {strides = array<i32>} : memref<128x64xf32, #tpu.memory_space<vmem>>, vector<16xf32>,
      tpu.vector_store %arg8[%swap3A_604, %swap3A_605], %add3A_603 {strides = array<i32>} : memref<128x64xf32, #tpu.memory_space<vmem>>, vector<16xf32>,
      %gather3A_607 = tpu.vector_load_idx %arg10[%shift_right_arithmetic3A_13, %and3A_36, %min3A_548] : memref<8x8x128xf32, #tpu.memory_space<vmem>>[vector<16xi32>, vector<16xi32>, vector<16xi32>], vector<16xf32>,
      %get3A_608 = arith.index_cast %min3A_557 : i32 to index
      %get3A_609 = arith.constant 16 : index
      %get3A_610 = tpu.vector_load %arg7[%get3A_608, %get3A_609] {strides = array<i32>} : memref<64x64xf32, #tpu.memory_space<vmem>>, vector<16xf32>,
      %select_n3A_611 = arith.select %ge3A_551, %get3A_610, %gather3A_607 : vector<16xi1>, vector<16xf32>
      %abs3A_612 = math.absf %select_n3A_611 : vector<16xf32>
      %neg3A_613 = arith.constant 0.000000e+00 : f32
      %neg3A_614 = vector.broadcast %neg3A_613 : f32 to vector<16xf32>
      %neg3A_615 = arith.subf %neg3A_614, %abs3A_612 : vector<16xf32>
      %exp3A_616 = math.exp %neg3A_615 : vector<16xf32>
      %broadcast_in_dim3A_617 = arith.constant 0.0101189017 : f32
      %broadcast_in_dim3A_618 = vector.broadcast %broadcast_in_dim3A_617 : f32 to vector<16xf32>
      %mul3A_619 = arith.mulf %broadcast_in_dim3A_618, %exp3A_616 : vector<16xf32>
      %add3A_620 = arith.constant -0.0526239537 : f32
      %add3A_621 = vector.broadcast %add3A_620 : f32 to vector<16xf32>
      %add3A_622 = arith.addf %mul3A_619, %add3A_621 : vector<16xf32>
      %mul3A_623 = arith.mulf %add3A_622, %exp3A_616 : vector<16xf32>
      %add3A_624 = arith.constant 0.130763352 : f32
      %add3A_625 = vector.broadcast %add3A_624 : f32 to vector<16xf32>
      %add3A_626 = arith.addf %mul3A_623, %add3A_625 : vector<16xf32>
      %mul3A_627 = arith.mulf %add3A_626, %exp3A_616 : vector<16xf32>
      %add3A_628 = arith.constant -0.222834721 : f32
      %add3A_629 = vector.broadcast %add3A_628 : f32 to vector<16xf32>
      %add3A_630 = arith.addf %mul3A_627, %add3A_629 : vector<16xf32>
      %mul3A_631 = arith.mulf %add3A_630, %exp3A_616 : vector<16xf32>
      %add3A_632 = arith.constant 0.326972365 : f32
      %add3A_633 = vector.broadcast %add3A_632 : f32 to vector<16xf32>
      %add3A_634 = arith.addf %mul3A_631, %add3A_633 : vector<16xf32>
      %mul3A_635 = arith.mulf %add3A_634, %exp3A_616 : vector<16xf32>
      %add3A_636 = arith.constant -0.499206394 : f32
      %add3A_637 = vector.broadcast %add3A_636 : f32 to vector<16xf32>
      %add3A_638 = arith.addf %mul3A_635, %add3A_637 : vector<16xf32>
      %mul3A_639 = arith.mulf %add3A_638, %exp3A_616 : vector<16xf32>
      %add3A_640 = arith.constant 0.999957442 : f32
      %add3A_641 = vector.broadcast %add3A_640 : f32 to vector<16xf32>
      %add3A_642 = arith.addf %mul3A_639, %add3A_641 : vector<16xf32>
      %mul3A_643 = arith.mulf %add3A_642, %exp3A_616 : vector<16xf32>
      %add3A_644 = arith.constant 5.62932996E-7 : f32
      %add3A_645 = vector.broadcast %add3A_644 : f32 to vector<16xf32>
      %add3A_646 = arith.addf %mul3A_643, %add3A_645 : vector<16xf32>
      %max3A_647 = arith.constant 0.000000e+00 : f32
      %max3A_648 = vector.broadcast %max3A_647 : f32 to vector<16xf32>
      %max3A_649 = arith.maximumf %select_n3A_611, %max3A_648 : vector<16xf32>
      %add3A_650 = arith.addf %max3A_649, %add3A_646 : vector<16xf32>
      %swap3A_651 = arith.index_cast %and3A_559 : i32 to index
      %swap3A_652 = arith.constant 16 : index
      %swap3A_653 = tpu.vector_load %arg8[%swap3A_651, %swap3A_652] {strides = array<i32>} : memref<128x64xf32, #tpu.memory_space<vmem>>, vector<16xf32>,
      tpu.vector_store %arg8[%swap3A_651, %swap3A_652], %add3A_650 {strides = array<i32>} : memref<128x64xf32, #tpu.memory_space<vmem>>, vector<16xf32>,
      %gather3A_654 = tpu.vector_load_idx %arg10[%shift_right_arithmetic3A_19, %and3A_42, %min3A_548] : memref<8x8x128xf32, #tpu.memory_space<vmem>>[vector<16xi32>, vector<16xi32>, vector<16xi32>], vector<16xf32>,
      %get3A_655 = arith.index_cast %min3A_557 : i32 to index
      %get3A_656 = arith.constant 32 : index
      %get3A_657 = tpu.vector_load %arg7[%get3A_655, %get3A_656] {strides = array<i32>} : memref<64x64xf32, #tpu.memory_space<vmem>>, vector<16xf32>,
      %select_n3A_658 = arith.select %ge3A_551, %get3A_657, %gather3A_654 : vector<16xi1>, vector<16xf32>
      %abs3A_659 = math.absf %select_n3A_658 : vector<16xf32>
      %neg3A_660 = arith.constant 0.000000e+00 : f32
      %neg3A_661 = vector.broadcast %neg3A_660 : f32 to vector<16xf32>
      %neg3A_662 = arith.subf %neg3A_661, %abs3A_659 : vector<16xf32>
      %exp3A_663 = math.exp %neg3A_662 : vector<16xf32>
      %broadcast_in_dim3A_664 = arith.constant 0.0101189017 : f32
      %broadcast_in_dim3A_665 = vector.broadcast %broadcast_in_dim3A_664 : f32 to vector<16xf32>
      %mul3A_666 = arith.mulf %broadcast_in_dim3A_665, %exp3A_663 : vector<16xf32>
      %add3A_667 = arith.constant -0.0526239537 : f32
      %add3A_668 = vector.broadcast %add3A_667 : f32 to vector<16xf32>
      %add3A_669 = arith.addf %mul3A_666, %add3A_668 : vector<16xf32>
      %mul3A_670 = arith.mulf %add3A_669, %exp3A_663 : vector<16xf32>
      %add3A_671 = arith.constant 0.130763352 : f32
      %add3A_672 = vector.broadcast %add3A_671 : f32 to vector<16xf32>
      %add3A_673 = arith.addf %mul3A_670, %add3A_672 : vector<16xf32>
      %mul3A_674 = arith.mulf %add3A_673, %exp3A_663 : vector<16xf32>
      %add3A_675 = arith.constant -0.222834721 : f32
      %add3A_676 = vector.broadcast %add3A_675 : f32 to vector<16xf32>
      %add3A_677 = arith.addf %mul3A_674, %add3A_676 : vector<16xf32>
      %mul3A_678 = arith.mulf %add3A_677, %exp3A_663 : vector<16xf32>
      %add3A_679 = arith.constant 0.326972365 : f32
      %add3A_680 = vector.broadcast %add3A_679 : f32 to vector<16xf32>
      %add3A_681 = arith.addf %mul3A_678, %add3A_680 : vector<16xf32>
      %mul3A_682 = arith.mulf %add3A_681, %exp3A_663 : vector<16xf32>
      %add3A_683 = arith.constant -0.499206394 : f32
      %add3A_684 = vector.broadcast %add3A_683 : f32 to vector<16xf32>
      %add3A_685 = arith.addf %mul3A_682, %add3A_684 : vector<16xf32>
      %mul3A_686 = arith.mulf %add3A_685, %exp3A_663 : vector<16xf32>
      %add3A_687 = arith.constant 0.999957442 : f32
      %add3A_688 = vector.broadcast %add3A_687 : f32 to vector<16xf32>
      %add3A_689 = arith.addf %mul3A_686, %add3A_688 : vector<16xf32>
      %mul3A_690 = arith.mulf %add3A_689, %exp3A_663 : vector<16xf32>
      %add3A_691 = arith.constant 5.62932996E-7 : f32
      %add3A_692 = vector.broadcast %add3A_691 : f32 to vector<16xf32>
      %add3A_693 = arith.addf %mul3A_690, %add3A_692 : vector<16xf32>
      %max3A_694 = arith.constant 0.000000e+00 : f32
      %max3A_695 = vector.broadcast %max3A_694 : f32 to vector<16xf32>
      %max3A_696 = arith.maximumf %select_n3A_658, %max3A_695 : vector<16xf32>
      %add3A_697 = arith.addf %max3A_696, %add3A_693 : vector<16xf32>
      %swap3A_698 = arith.index_cast %and3A_559 : i32 to index
      %swap3A_699 = arith.constant 32 : index
      %swap3A_700 = tpu.vector_load %arg8[%swap3A_698, %swap3A_699] {strides = array<i32>} : memref<128x64xf32, #tpu.memory_space<vmem>>, vector<16xf32>,
      tpu.vector_store %arg8[%swap3A_698, %swap3A_699], %add3A_697 {strides = array<i32>} : memref<128x64xf32, #tpu.memory_space<vmem>>, vector<16xf32>,
      %gather3A_701 = tpu.vector_load_idx %arg10[%shift_right_arithmetic3A_25, %and3A_48, %min3A_548] : memref<8x8x128xf32, #tpu.memory_space<vmem>>[vector<16xi32>, vector<16xi32>, vector<16xi32>], vector<16xf32>,
      %get3A_702 = arith.index_cast %min3A_557 : i32 to index
      %get3A_703 = arith.constant 48 : index
      %get3A_704 = tpu.vector_load %arg7[%get3A_702, %get3A_703] {strides = array<i32>} : memref<64x64xf32, #tpu.memory_space<vmem>>, vector<16xf32>,
      %select_n3A_705 = arith.select %ge3A_551, %get3A_704, %gather3A_701 : vector<16xi1>, vector<16xf32>
      %abs3A_706 = math.absf %select_n3A_705 : vector<16xf32>
      %neg3A_707 = arith.constant 0.000000e+00 : f32
      %neg3A_708 = vector.broadcast %neg3A_707 : f32 to vector<16xf32>
      %neg3A_709 = arith.subf %neg3A_708, %abs3A_706 : vector<16xf32>
      %exp3A_710 = math.exp %neg3A_709 : vector<16xf32>
      %broadcast_in_dim3A_711 = arith.constant 0.0101189017 : f32
      %broadcast_in_dim3A_712 = vector.broadcast %broadcast_in_dim3A_711 : f32 to vector<16xf32>
      %mul3A_713 = arith.mulf %broadcast_in_dim3A_712, %exp3A_710 : vector<16xf32>
      %add3A_714 = arith.constant -0.0526239537 : f32
      %add3A_715 = vector.broadcast %add3A_714 : f32 to vector<16xf32>
      %add3A_716 = arith.addf %mul3A_713, %add3A_715 : vector<16xf32>
      %mul3A_717 = arith.mulf %add3A_716, %exp3A_710 : vector<16xf32>
      %add3A_718 = arith.constant 0.130763352 : f32
      %add3A_719 = vector.broadcast %add3A_718 : f32 to vector<16xf32>
      %add3A_720 = arith.addf %mul3A_717, %add3A_719 : vector<16xf32>
      %mul3A_721 = arith.mulf %add3A_720, %exp3A_710 : vector<16xf32>
      %add3A_722 = arith.constant -0.222834721 : f32
      %add3A_723 = vector.broadcast %add3A_722 : f32 to vector<16xf32>
      %add3A_724 = arith.addf %mul3A_721, %add3A_723 : vector<16xf32>
      %mul3A_725 = arith.mulf %add3A_724, %exp3A_710 : vector<16xf32>
      %add3A_726 = arith.constant 0.326972365 : f32
      %add3A_727 = vector.broadcast %add3A_726 : f32 to vector<16xf32>
      %add3A_728 = arith.addf %mul3A_725, %add3A_727 : vector<16xf32>
      %mul3A_729 = arith.mulf %add3A_728, %exp3A_710 : vector<16xf32>
      %add3A_730 = arith.constant -0.499206394 : f32
      %add3A_731 = vector.broadcast %add3A_730 : f32 to vector<16xf32>
      %add3A_732 = arith.addf %mul3A_729, %add3A_731 : vector<16xf32>
      %mul3A_733 = arith.mulf %add3A_732, %exp3A_710 : vector<16xf32>
      %add3A_734 = arith.constant 0.999957442 : f32
      %add3A_735 = vector.broadcast %add3A_734 : f32 to vector<16xf32>
      %add3A_736 = arith.addf %mul3A_733, %add3A_735 : vector<16xf32>
      %mul3A_737 = arith.mulf %add3A_736, %exp3A_710 : vector<16xf32>
      %add3A_738 = arith.constant 5.62932996E-7 : f32
      %add3A_739 = vector.broadcast %add3A_738 : f32 to vector<16xf32>
      %add3A_740 = arith.addf %mul3A_737, %add3A_739 : vector<16xf32>
      %max3A_741 = arith.constant 0.000000e+00 : f32
      %max3A_742 = vector.broadcast %max3A_741 : f32 to vector<16xf32>
      %max3A_743 = arith.maximumf %select_n3A_705, %max3A_742 : vector<16xf32>
      %add3A_744 = arith.addf %max3A_743, %add3A_740 : vector<16xf32>
      %swap3A_745 = arith.index_cast %and3A_559 : i32 to index
      %swap3A_746 = arith.constant 48 : index
      %swap3A_747 = tpu.vector_load %arg8[%swap3A_745, %swap3A_746] {strides = array<i32>} : memref<128x64xf32, #tpu.memory_space<vmem>>, vector<16xf32>,
      tpu.vector_store %arg8[%swap3A_745, %swap3A_746], %add3A_744 {strides = array<i32>} : memref<128x64xf32, #tpu.memory_space<vmem>>, vector<16xf32>,
      %dma_wait3A_748 = arith.constant 0 : i32
      %dma_wait3A_749 = arith.constant 0 : i32
      %dma_wait3A_750 = arith.constant 0 : i32
      %dma_wait3A_751 = tpu.memref_slice %arg3[%dma_wait3A_748, %dma_wait3A_749, %dma_wait3A_750] : memref<8x8x1000000xf32, #tpu.memory_space<hbm>> -> memref<8x8x128xf32, #tpu.memory_space<hbm>>
      %dma_wait3A_752 = arith.constant 0 : i32
      %dma_wait3A_753 = arith.constant 0 : i32
      %dma_wait3A_754 = arith.constant 0 : i32
      %dma_wait3A_755 = tpu.memref_slice %arg3[%dma_wait3A_752, %dma_wait3A_753, %dma_wait3A_754] : memref<8x8x1000000xf32, #tpu.memory_space<hbm>> -> memref<8x8x128xf32, #tpu.memory_space<hbm>>
      tpu.wait_dma2 semaphore(%arg19 : memref<!tpu.dma_semaphore, #tpu.memory_space<semaphore_mem>>) src(%dma_wait3A_755 : memref<8x8x128xf32, #tpu.memory_space<hbm>>) dst(%arg11 : memref<8x8x128xf32, #tpu.memory_space<vmem>>)
      %mul3A_756 = arith.constant 8 : i32
      %mul3A_757 = arith.muli %scan3A_54, %mul3A_756 : i32
      %add3A_758 = arith.constant 2 : i32
      %add3A_759 = arith.addi %mul3A_757, %add3A_758 : i32
      %broadcast_in_dim3A_760 = arith.constant 0 : i32
      %broadcast_in_dim3A_761 = vector.broadcast %broadcast_in_dim3A_760 : i32 to vector<16xi32>
      %add3A_762 = vector.broadcast %add3A_759 : i32 to vector<16xi32>
      %add3A_763 = arith.addi %broadcast_in_dim3A_761, %add3A_762 : vector<16xi32>
      %gather3A_764 = tpu.vector_load_idx %arg6[%add3A_763] : memref<512xi32, #tpu.memory_space<vmem>>[vector<16xi32>], vector<16xi32>,
      %reduce_max3A_765 = arith.constant true
      %reduce_max3A_766 = vector.broadcast %reduce_max3A_765 : i1 to vector<16xi1>
      %reduce_max3A_767 = arith.constant -2147483648 : i32
      %reduce_max3A_768 = vector.broadcast %reduce_max3A_767 : i32 to vector<16xi32>
      %reduce_max3A_769 = arith.xori %gather3A_764, %reduce_max3A_768 : vector<16xi32>
      %reduce_max3A_770 = tpu.scan <max>, %reduce_max3A_769 masked %reduce_max3A_766 : vector<16xi32>, vector<16xi1> -> vector<16xi32>
      %reduce_max3A_771 = arith.xori %reduce_max3A_770, %reduce_max3A_768 : vector<16xi32>
      %reduce_max3A_772 = vector.extract %reduce_max3A_771[15] : i32 from vector<16xi32>
      %shift_right_arithmetic3A_773 = arith.constant 7 : i32
      %shift_right_arithmetic3A_774 = arith.shrsi %reduce_max3A_772, %shift_right_arithmetic3A_773 : i32
      %min3A_775 = arith.constant 7811 : i32
      %min3A_776 = arith.minsi %shift_right_arithmetic3A_774, %min3A_775 : i32
      %mul3A_777 = arith.constant 128 : i32
      %mul3A_778 = arith.muli %min3A_776, %mul3A_777 : i32
      %sub3A_779 = vector.broadcast %mul3A_778 : i32 to vector<16xi32>
      %sub3A_780 = arith.subi %gather3A_764, %sub3A_779 : vector<16xi32>
      %min3A_781 = arith.constant 127 : i32
      %min3A_782 = vector.broadcast %min3A_781 : i32 to vector<16xi32>
      %min3A_783 = arith.minsi %sub3A_780, %min3A_782 : vector<16xi32>
      %ge3A_784 = arith.constant 999936 : i32
      %ge3A_785 = vector.broadcast %ge3A_784 : i32 to vector<16xi32>
      %ge3A_786 = arith.cmpi sge, %gather3A_764, %ge3A_785 : vector<16xi32>
      %sub3A_787 = arith.constant 999936 : i32
      %sub3A_788 = arith.subi %reduce_max3A_772, %sub3A_787 : i32
      %jit3A_789 = arith.constant 0 : i32
      %jit3A_790 = arith.constant 63 : i32
      %max3A_791 = arith.maxsi %jit3A_789, %sub3A_788 : i32
      %min3A_792 = arith.minsi %jit3A_790, %max3A_791 : i32
      %and3A_793 = arith.constant 127 : i32
      %and3A_794 = arith.andi %add3A_759, %and3A_793 : i32
      %gather3A_795 = tpu.vector_load_idx %arg11[%shift_right_arithmetic3A_7, %and3A_30, %min3A_783] : memref<8x8x128xf32, #tpu.memory_space<vmem>>[vector<16xi32>, vector<16xi32>, vector<16xi32>], vector<16xf32>,
      %get3A_796 = arith.index_cast %min3A_792 : i32 to index
      %get3A_797 = arith.constant 0 : index
      %get3A_798 = tpu.vector_load %arg7[%get3A_796, %get3A_797] {strides = array<i32>} : memref<64x64xf32, #tpu.memory_space<vmem>>, vector<16xf32>,
      %select_n3A_799 = arith.select %ge3A_786, %get3A_798, %gather3A_795 : vector<16xi1>, vector<16xf32>
      %abs3A_800 = math.absf %select_n3A_799 : vector<16xf32>
      %neg3A_801 = arith.constant 0.000000e+00 : f32
      %neg3A_802 = vector.broadcast %neg3A_801 : f32 to vector<16xf32>
      %neg3A_803 = arith.subf %neg3A_802, %abs3A_800 : vector<16xf32>
      %exp3A_804 = math.exp %neg3A_803 : vector<16xf32>
      %broadcast_in_dim3A_805 = arith.constant 0.0101189017 : f32
      %broadcast_in_dim3A_806 = vector.broadcast %broadcast_in_dim3A_805 : f32 to vector<16xf32>
      %mul3A_807 = arith.mulf %broadcast_in_dim3A_806, %exp3A_804 : vector<16xf32>
      %add3A_808 = arith.constant -0.0526239537 : f32
      %add3A_809 = vector.broadcast %add3A_808 : f32 to vector<16xf32>
      %add3A_810 = arith.addf %mul3A_807, %add3A_809 : vector<16xf32>
      %mul3A_811 = arith.mulf %add3A_810, %exp3A_804 : vector<16xf32>
      %add3A_812 = arith.constant 0.130763352 : f32
      %add3A_813 = vector.broadcast %add3A_812 : f32 to vector<16xf32>
      %add3A_814 = arith.addf %mul3A_811, %add3A_813 : vector<16xf32>
      %mul3A_815 = arith.mulf %add3A_814, %exp3A_804 : vector<16xf32>
      %add3A_816 = arith.constant -0.222834721 : f32
      %add3A_817 = vector.broadcast %add3A_816 : f32 to vector<16xf32>
      %add3A_818 = arith.addf %mul3A_815, %add3A_817 : vector<16xf32>
      %mul3A_819 = arith.mulf %add3A_818, %exp3A_804 : vector<16xf32>
      %add3A_820 = arith.constant 0.326972365 : f32
      %add3A_821 = vector.broadcast %add3A_820 : f32 to vector<16xf32>
      %add3A_822 = arith.addf %mul3A_819, %add3A_821 : vector<16xf32>
      %mul3A_823 = arith.mulf %add3A_822, %exp3A_804 : vector<16xf32>
      %add3A_824 = arith.constant -0.499206394 : f32
      %add3A_825 = vector.broadcast %add3A_824 : f32 to vector<16xf32>
      %add3A_826 = arith.addf %mul3A_823, %add3A_825 : vector<16xf32>
      %mul3A_827 = arith.mulf %add3A_826, %exp3A_804 : vector<16xf32>
      %add3A_828 = arith.constant 0.999957442 : f32
      %add3A_829 = vector.broadcast %add3A_828 : f32 to vector<16xf32>
      %add3A_830 = arith.addf %mul3A_827, %add3A_829 : vector<16xf32>
      %mul3A_831 = arith.mulf %add3A_830, %exp3A_804 : vector<16xf32>
      %add3A_832 = arith.constant 5.62932996E-7 : f32
      %add3A_833 = vector.broadcast %add3A_832 : f32 to vector<16xf32>
      %add3A_834 = arith.addf %mul3A_831, %add3A_833 : vector<16xf32>
      %max3A_835 = arith.constant 0.000000e+00 : f32
      %max3A_836 = vector.broadcast %max3A_835 : f32 to vector<16xf32>
      %max3A_837 = arith.maximumf %select_n3A_799, %max3A_836 : vector<16xf32>
      %add3A_838 = arith.addf %max3A_837, %add3A_834 : vector<16xf32>
      %swap3A_839 = arith.index_cast %and3A_794 : i32 to index
      %swap3A_840 = arith.constant 0 : index
      %swap3A_841 = tpu.vector_load %arg8[%swap3A_839, %swap3A_840] {strides = array<i32>} : memref<128x64xf32, #tpu.memory_space<vmem>>, vector<16xf32>,
      tpu.vector_store %arg8[%swap3A_839, %swap3A_840], %add3A_838 {strides = array<i32>} : memref<128x64xf32, #tpu.memory_space<vmem>>, vector<16xf32>,
      %gather3A_842 = tpu.vector_load_idx %arg11[%shift_right_arithmetic3A_13, %and3A_36, %min3A_783] : memref<8x8x128xf32, #tpu.memory_space<vmem>>[vector<16xi32>, vector<16xi32>, vector<16xi32>], vector<16xf32>,
      %get3A_843 = arith.index_cast %min3A_792 : i32 to index
      %get3A_844 = arith.constant 16 : index
      %get3A_845 = tpu.vector_load %arg7[%get3A_843, %get3A_844] {strides = array<i32>} : memref<64x64xf32, #tpu.memory_space<vmem>>, vector<16xf32>,
      %select_n3A_846 = arith.select %ge3A_786, %get3A_845, %gather3A_842 : vector<16xi1>, vector<16xf32>
      %abs3A_847 = math.absf %select_n3A_846 : vector<16xf32>
      %neg3A_848 = arith.constant 0.000000e+00 : f32
      %neg3A_849 = vector.broadcast %neg3A_848 : f32 to vector<16xf32>
      %neg3A_850 = arith.subf %neg3A_849, %abs3A_847 : vector<16xf32>
      %exp3A_851 = math.exp %neg3A_850 : vector<16xf32>
      %broadcast_in_dim3A_852 = arith.constant 0.0101189017 : f32
      %broadcast_in_dim3A_853 = vector.broadcast %broadcast_in_dim3A_852 : f32 to vector<16xf32>
      %mul3A_854 = arith.mulf %broadcast_in_dim3A_853, %exp3A_851 : vector<16xf32>
      %add3A_855 = arith.constant -0.0526239537 : f32
      %add3A_856 = vector.broadcast %add3A_855 : f32 to vector<16xf32>
      %add3A_857 = arith.addf %mul3A_854, %add3A_856 : vector<16xf32>
      %mul3A_858 = arith.mulf %add3A_857, %exp3A_851 : vector<16xf32>
      %add3A_859 = arith.constant 0.130763352 : f32
      %add3A_860 = vector.broadcast %add3A_859 : f32 to vector<16xf32>
      %add3A_861 = arith.addf %mul3A_858, %add3A_860 : vector<16xf32>
      %mul3A_862 = arith.mulf %add3A_861, %exp3A_851 : vector<16xf32>
      %add3A_863 = arith.constant -0.222834721 : f32
      %add3A_864 = vector.broadcast %add3A_863 : f32 to vector<16xf32>
      %add3A_865 = arith.addf %mul3A_862, %add3A_864 : vector<16xf32>
      %mul3A_866 = arith.mulf %add3A_865, %exp3A_851 : vector<16xf32>
      %add3A_867 = arith.constant 0.326972365 : f32
      %add3A_868 = vector.broadcast %add3A_867 : f32 to vector<16xf32>
      %add3A_869 = arith.addf %mul3A_866, %add3A_868 : vector<16xf32>
      %mul3A_870 = arith.mulf %add3A_869, %exp3A_851 : vector<16xf32>
      %add3A_871 = arith.constant -0.499206394 : f32
      %add3A_872 = vector.broadcast %add3A_871 : f32 to vector<16xf32>
      %add3A_873 = arith.addf %mul3A_870, %add3A_872 : vector<16xf32>
      %mul3A_874 = arith.mulf %add3A_873, %exp3A_851 : vector<16xf32>
      %add3A_875 = arith.constant 0.999957442 : f32
      %add3A_876 = vector.broadcast %add3A_875 : f32 to vector<16xf32>
      %add3A_877 = arith.addf %mul3A_874, %add3A_876 : vector<16xf32>
      %mul3A_878 = arith.mulf %add3A_877, %exp3A_851 : vector<16xf32>
      %add3A_879 = arith.constant 5.62932996E-7 : f32
      %add3A_880 = vector.broadcast %add3A_879 : f32 to vector<16xf32>
      %add3A_881 = arith.addf %mul3A_878, %add3A_880 : vector<16xf32>
      %max3A_882 = arith.constant 0.000000e+00 : f32
      %max3A_883 = vector.broadcast %max3A_882 : f32 to vector<16xf32>
      %max3A_884 = arith.maximumf %select_n3A_846, %max3A_883 : vector<16xf32>
      %add3A_885 = arith.addf %max3A_884, %add3A_881 : vector<16xf32>
      %swap3A_886 = arith.index_cast %and3A_794 : i32 to index
      %swap3A_887 = arith.constant 16 : index
      %swap3A_888 = tpu.vector_load %arg8[%swap3A_886, %swap3A_887] {strides = array<i32>} : memref<128x64xf32, #tpu.memory_space<vmem>>, vector<16xf32>,
      tpu.vector_store %arg8[%swap3A_886, %swap3A_887], %add3A_885 {strides = array<i32>} : memref<128x64xf32, #tpu.memory_space<vmem>>, vector<16xf32>,
      %gather3A_889 = tpu.vector_load_idx %arg11[%shift_right_arithmetic3A_19, %and3A_42, %min3A_783] : memref<8x8x128xf32, #tpu.memory_space<vmem>>[vector<16xi32>, vector<16xi32>, vector<16xi32>], vector<16xf32>,
      %get3A_890 = arith.index_cast %min3A_792 : i32 to index
      %get3A_891 = arith.constant 32 : index
      %get3A_892 = tpu.vector_load %arg7[%get3A_890, %get3A_891] {strides = array<i32>} : memref<64x64xf32, #tpu.memory_space<vmem>>, vector<16xf32>,
      %select_n3A_893 = arith.select %ge3A_786, %get3A_892, %gather3A_889 : vector<16xi1>, vector<16xf32>
      %abs3A_894 = math.absf %select_n3A_893 : vector<16xf32>
      %neg3A_895 = arith.constant 0.000000e+00 : f32
      %neg3A_896 = vector.broadcast %neg3A_895 : f32 to vector<16xf32>
      %neg3A_897 = arith.subf %neg3A_896, %abs3A_894 : vector<16xf32>
      %exp3A_898 = math.exp %neg3A_897 : vector<16xf32>
      %broadcast_in_dim3A_899 = arith.constant 0.0101189017 : f32
      %broadcast_in_dim3A_900 = vector.broadcast %broadcast_in_dim3A_899 : f32 to vector<16xf32>
      %mul3A_901 = arith.mulf %broadcast_in_dim3A_900, %exp3A_898 : vector<16xf32>
      %add3A_902 = arith.constant -0.0526239537 : f32
      %add3A_903 = vector.broadcast %add3A_902 : f32 to vector<16xf32>
      %add3A_904 = arith.addf %mul3A_901, %add3A_903 : vector<16xf32>
      %mul3A_905 = arith.mulf %add3A_904, %exp3A_898 : vector<16xf32>
      %add3A_906 = arith.constant 0.130763352 : f32
      %add3A_907 = vector.broadcast %add3A_906 : f32 to vector<16xf32>
      %add3A_908 = arith.addf %mul3A_905, %add3A_907 : vector<16xf32>
      %mul3A_909 = arith.mulf %add3A_908, %exp3A_898 : vector<16xf32>
      %add3A_910 = arith.constant -0.222834721 : f32
      %add3A_911 = vector.broadcast %add3A_910 : f32 to vector<16xf32>
      %add3A_912 = arith.addf %mul3A_909, %add3A_911 : vector<16xf32>
      %mul3A_913 = arith.mulf %add3A_912, %exp3A_898 : vector<16xf32>
      %add3A_914 = arith.constant 0.326972365 : f32
      %add3A_915 = vector.broadcast %add3A_914 : f32 to vector<16xf32>
      %add3A_916 = arith.addf %mul3A_913, %add3A_915 : vector<16xf32>
      %mul3A_917 = arith.mulf %add3A_916, %exp3A_898 : vector<16xf32>
      %add3A_918 = arith.constant -0.499206394 : f32
      %add3A_919 = vector.broadcast %add3A_918 : f32 to vector<16xf32>
      %add3A_920 = arith.addf %mul3A_917, %add3A_919 : vector<16xf32>
      %mul3A_921 = arith.mulf %add3A_920, %exp3A_898 : vector<16xf32>
      %add3A_922 = arith.constant 0.999957442 : f32
      %add3A_923 = vector.broadcast %add3A_922 : f32 to vector<16xf32>
      %add3A_924 = arith.addf %mul3A_921, %add3A_923 : vector<16xf32>
      %mul3A_925 = arith.mulf %add3A_924, %exp3A_898 : vector<16xf32>
      %add3A_926 = arith.constant 5.62932996E-7 : f32
      %add3A_927 = vector.broadcast %add3A_926 : f32 to vector<16xf32>
      %add3A_928 = arith.addf %mul3A_925, %add3A_927 : vector<16xf32>
      %max3A_929 = arith.constant 0.000000e+00 : f32
      %max3A_930 = vector.broadcast %max3A_929 : f32 to vector<16xf32>
      %max3A_931 = arith.maximumf %select_n3A_893, %max3A_930 : vector<16xf32>
      %add3A_932 = arith.addf %max3A_931, %add3A_928 : vector<16xf32>
      %swap3A_933 = arith.index_cast %and3A_794 : i32 to index
      %swap3A_934 = arith.constant 32 : index
      %swap3A_935 = tpu.vector_load %arg8[%swap3A_933, %swap3A_934] {strides = array<i32>} : memref<128x64xf32, #tpu.memory_space<vmem>>, vector<16xf32>,
      tpu.vector_store %arg8[%swap3A_933, %swap3A_934], %add3A_932 {strides = array<i32>} : memref<128x64xf32, #tpu.memory_space<vmem>>, vector<16xf32>,
      %gather3A_936 = tpu.vector_load_idx %arg11[%shift_right_arithmetic3A_25, %and3A_48, %min3A_783] : memref<8x8x128xf32, #tpu.memory_space<vmem>>[vector<16xi32>, vector<16xi32>, vector<16xi32>], vector<16xf32>,
      %get3A_937 = arith.index_cast %min3A_792 : i32 to index
      %get3A_938 = arith.constant 48 : index
      %get3A_939 = tpu.vector_load %arg7[%get3A_937, %get3A_938] {strides = array<i32>} : memref<64x64xf32, #tpu.memory_space<vmem>>, vector<16xf32>,
      %select_n3A_940 = arith.select %ge3A_786, %get3A_939, %gather3A_936 : vector<16xi1>, vector<16xf32>
      %abs3A_941 = math.absf %select_n3A_940 : vector<16xf32>
      %neg3A_942 = arith.constant 0.000000e+00 : f32
      %neg3A_943 = vector.broadcast %neg3A_942 : f32 to vector<16xf32>
      %neg3A_944 = arith.subf %neg3A_943, %abs3A_941 : vector<16xf32>
      %exp3A_945 = math.exp %neg3A_944 : vector<16xf32>
      %broadcast_in_dim3A_946 = arith.constant 0.0101189017 : f32
      %broadcast_in_dim3A_947 = vector.broadcast %broadcast_in_dim3A_946 : f32 to vector<16xf32>
      %mul3A_948 = arith.mulf %broadcast_in_dim3A_947, %exp3A_945 : vector<16xf32>
      %add3A_949 = arith.constant -0.0526239537 : f32
      %add3A_950 = vector.broadcast %add3A_949 : f32 to vector<16xf32>
      %add3A_951 = arith.addf %mul3A_948, %add3A_950 : vector<16xf32>
      %mul3A_952 = arith.mulf %add3A_951, %exp3A_945 : vector<16xf32>
      %add3A_953 = arith.constant 0.130763352 : f32
      %add3A_954 = vector.broadcast %add3A_953 : f32 to vector<16xf32>
      %add3A_955 = arith.addf %mul3A_952, %add3A_954 : vector<16xf32>
      %mul3A_956 = arith.mulf %add3A_955, %exp3A_945 : vector<16xf32>
      %add3A_957 = arith.constant -0.222834721 : f32
      %add3A_958 = vector.broadcast %add3A_957 : f32 to vector<16xf32>
      %add3A_959 = arith.addf %mul3A_956, %add3A_958 : vector<16xf32>
      %mul3A_960 = arith.mulf %add3A_959, %exp3A_945 : vector<16xf32>
      %add3A_961 = arith.constant 0.326972365 : f32
      %add3A_962 = vector.broadcast %add3A_961 : f32 to vector<16xf32>
      %add3A_963 = arith.addf %mul3A_960, %add3A_962 : vector<16xf32>
      %mul3A_964 = arith.mulf %add3A_963, %exp3A_945 : vector<16xf32>
      %add3A_965 = arith.constant -0.499206394 : f32
      %add3A_966 = vector.broadcast %add3A_965 : f32 to vector<16xf32>
      %add3A_967 = arith.addf %mul3A_964, %add3A_966 : vector<16xf32>
      %mul3A_968 = arith.mulf %add3A_967, %exp3A_945 : vector<16xf32>
      %add3A_969 = arith.constant 0.999957442 : f32
      %add3A_970 = vector.broadcast %add3A_969 : f32 to vector<16xf32>
      %add3A_971 = arith.addf %mul3A_968, %add3A_970 : vector<16xf32>
      %mul3A_972 = arith.mulf %add3A_971, %exp3A_945 : vector<16xf32>
      %add3A_973 = arith.constant 5.62932996E-7 : f32
      %add3A_974 = vector.broadcast %add3A_973 : f32 to vector<16xf32>
      %add3A_975 = arith.addf %mul3A_972, %add3A_974 : vector<16xf32>
      %max3A_976 = arith.constant 0.000000e+00 : f32
      %max3A_977 = vector.broadcast %max3A_976 : f32 to vector<16xf32>
      %max3A_978 = arith.maximumf %select_n3A_940, %max3A_977 : vector<16xf32>
      %add3A_979 = arith.addf %max3A_978, %add3A_975 : vector<16xf32>
      %swap3A_980 = arith.index_cast %and3A_794 : i32 to index
      %swap3A_981 = arith.constant 48 : index
      %swap3A_982 = tpu.vector_load %arg8[%swap3A_980, %swap3A_981] {strides = array<i32>} : memref<128x64xf32, #tpu.memory_space<vmem>>, vector<16xf32>,
      tpu.vector_store %arg8[%swap3A_980, %swap3A_981], %add3A_979 {strides = array<i32>} : memref<128x64xf32, #tpu.memory_space<vmem>>, vector<16xf32>,
      %dma_wait3A_983 = arith.constant 0 : i32
      %dma_wait3A_984 = arith.constant 0 : i32
      %dma_wait3A_985 = arith.constant 0 : i32
      %dma_wait3A_986 = tpu.memref_slice %arg3[%dma_wait3A_983, %dma_wait3A_984, %dma_wait3A_985] : memref<8x8x1000000xf32, #tpu.memory_space<hbm>> -> memref<8x8x128xf32, #tpu.memory_space<hbm>>
      %dma_wait3A_987 = arith.constant 0 : i32
      %dma_wait3A_988 = arith.constant 0 : i32
      %dma_wait3A_989 = arith.constant 0 : i32
      %dma_wait3A_990 = tpu.memref_slice %arg3[%dma_wait3A_987, %dma_wait3A_988, %dma_wait3A_989] : memref<8x8x1000000xf32, #tpu.memory_space<hbm>> -> memref<8x8x128xf32, #tpu.memory_space<hbm>>
      tpu.wait_dma2 semaphore(%arg20 : memref<!tpu.dma_semaphore, #tpu.memory_space<semaphore_mem>>) src(%dma_wait3A_990 : memref<8x8x128xf32, #tpu.memory_space<hbm>>) dst(%arg12 : memref<8x8x128xf32, #tpu.memory_space<vmem>>)
      %mul3A_991 = arith.constant 8 : i32
      %mul3A_992 = arith.muli %scan3A_54, %mul3A_991 : i32
      %add3A_993 = arith.constant 3 : i32
      %add3A_994 = arith.addi %mul3A_992, %add3A_993 : i32
      %broadcast_in_dim3A_995 = arith.constant 0 : i32
      %broadcast_in_dim3A_996 = vector.broadcast %broadcast_in_dim3A_995 : i32 to vector<16xi32>
      %add3A_997 = vector.broadcast %add3A_994 : i32 to vector<16xi32>
      %add3A_998 = arith.addi %broadcast_in_dim3A_996, %add3A_997 : vector<16xi32>
      %gather3A_999 = tpu.vector_load_idx %arg6[%add3A_998] : memref<512xi32, #tpu.memory_space<vmem>>[vector<16xi32>], vector<16xi32>,
      %reduce_max3A_1000 = arith.constant true
      %reduce_max3A_1001 = vector.broadcast %reduce_max3A_1000 : i1 to vector<16xi1>
      %reduce_max3A_1002 = arith.constant -2147483648 : i32
      %reduce_max3A_1003 = vector.broadcast %reduce_max3A_1002 : i32 to vector<16xi32>
      %reduce_max3A_1004 = arith.xori %gather3A_999, %reduce_max3A_1003 : vector<16xi32>
      %reduce_max3A_1005 = tpu.scan <max>, %reduce_max3A_1004 masked %reduce_max3A_1001 : vector<16xi32>, vector<16xi1> -> vector<16xi32>
      %reduce_max3A_1006 = arith.xori %reduce_max3A_1005, %reduce_max3A_1003 : vector<16xi32>
      %reduce_max3A_1007 = vector.extract %reduce_max3A_1006[15] : i32 from vector<16xi32>
      %shift_right_arithmetic3A_1008 = arith.constant 7 : i32
      %shift_right_arithmetic3A_1009 = arith.shrsi %reduce_max3A_1007, %shift_right_arithmetic3A_1008 : i32
      %min3A_1010 = arith.constant 7811 : i32
      %min3A_1011 = arith.minsi %shift_right_arithmetic3A_1009, %min3A_1010 : i32
      %mul3A_1012 = arith.constant 128 : i32
      %mul3A_1013 = arith.muli %min3A_1011, %mul3A_1012 : i32
      %sub3A_1014 = vector.broadcast %mul3A_1013 : i32 to vector<16xi32>
      %sub3A_1015 = arith.subi %gather3A_999, %sub3A_1014 : vector<16xi32>
      %min3A_1016 = arith.constant 127 : i32
      %min3A_1017 = vector.broadcast %min3A_1016 : i32 to vector<16xi32>
      %min3A_1018 = arith.minsi %sub3A_1015, %min3A_1017 : vector<16xi32>
      %ge3A_1019 = arith.constant 999936 : i32
      %ge3A_1020 = vector.broadcast %ge3A_1019 : i32 to vector<16xi32>
      %ge3A_1021 = arith.cmpi sge, %gather3A_999, %ge3A_1020 : vector<16xi32>
      %sub3A_1022 = arith.constant 999936 : i32
      %sub3A_1023 = arith.subi %reduce_max3A_1007, %sub3A_1022 : i32
      %jit3A_1024 = arith.constant 0 : i32
      %jit3A_1025 = arith.constant 63 : i32
      %max3A_1026 = arith.maxsi %jit3A_1024, %sub3A_1023 : i32
      %min3A_1027 = arith.minsi %jit3A_1025, %max3A_1026 : i32
      %and3A_1028 = arith.constant 127 : i32
      %and3A_1029 = arith.andi %add3A_994, %and3A_1028 : i32
      %gather3A_1030 = tpu.vector_load_idx %arg12[%shift_right_arithmetic3A_7, %and3A_30, %min3A_1018] : memref<8x8x128xf32, #tpu.memory_space<vmem>>[vector<16xi32>, vector<16xi32>, vector<16xi32>], vector<16xf32>,
      %get3A_1031 = arith.index_cast %min3A_1027 : i32 to index
      %get3A_1032 = arith.constant 0 : index
      %get3A_1033 = tpu.vector_load %arg7[%get3A_1031, %get3A_1032] {strides = array<i32>} : memref<64x64xf32, #tpu.memory_space<vmem>>, vector<16xf32>,
      %select_n3A_1034 = arith.select %ge3A_1021, %get3A_1033, %gather3A_1030 : vector<16xi1>, vector<16xf32>
      %abs3A_1035 = math.absf %select_n3A_1034 : vector<16xf32>
      %neg3A_1036 = arith.constant 0.000000e+00 : f32
      %neg3A_1037 = vector.broadcast %neg3A_1036 : f32 to vector<16xf32>
      %neg3A_1038 = arith.subf %neg3A_1037, %abs3A_1035 : vector<16xf32>
      %exp3A_1039 = math.exp %neg3A_1038 : vector<16xf32>
      %broadcast_in_dim3A_1040 = arith.constant 0.0101189017 : f32
      %broadcast_in_dim3A_1041 = vector.broadcast %broadcast_in_dim3A_1040 : f32 to vector<16xf32>
      %mul3A_1042 = arith.mulf %broadcast_in_dim3A_1041, %exp3A_1039 : vector<16xf32>
      %add3A_1043 = arith.constant -0.0526239537 : f32
      %add3A_1044 = vector.broadcast %add3A_1043 : f32 to vector<16xf32>
      %add3A_1045 = arith.addf %mul3A_1042, %add3A_1044 : vector<16xf32>
      %mul3A_1046 = arith.mulf %add3A_1045, %exp3A_1039 : vector<16xf32>
      %add3A_1047 = arith.constant 0.130763352 : f32
      %add3A_1048 = vector.broadcast %add3A_1047 : f32 to vector<16xf32>
      %add3A_1049 = arith.addf %mul3A_1046, %add3A_1048 : vector<16xf32>
      %mul3A_1050 = arith.mulf %add3A_1049, %exp3A_1039 : vector<16xf32>
      %add3A_1051 = arith.constant -0.222834721 : f32
      %add3A_1052 = vector.broadcast %add3A_1051 : f32 to vector<16xf32>
      %add3A_1053 = arith.addf %mul3A_1050, %add3A_1052 : vector<16xf32>
      %mul3A_1054 = arith.mulf %add3A_1053, %exp3A_1039 : vector<16xf32>
      %add3A_1055 = arith.constant 0.326972365 : f32
      %add3A_1056 = vector.broadcast %add3A_1055 : f32 to vector<16xf32>
      %add3A_1057 = arith.addf %mul3A_1054, %add3A_1056 : vector<16xf32>
      %mul3A_1058 = arith.mulf %add3A_1057, %exp3A_1039 : vector<16xf32>
      %add3A_1059 = arith.constant -0.499206394 : f32
      %add3A_1060 = vector.broadcast %add3A_1059 : f32 to vector<16xf32>
      %add3A_1061 = arith.addf %mul3A_1058, %add3A_1060 : vector<16xf32>
      %mul3A_1062 = arith.mulf %add3A_1061, %exp3A_1039 : vector<16xf32>
      %add3A_1063 = arith.constant 0.999957442 : f32
      %add3A_1064 = vector.broadcast %add3A_1063 : f32 to vector<16xf32>
      %add3A_1065 = arith.addf %mul3A_1062, %add3A_1064 : vector<16xf32>
      %mul3A_1066 = arith.mulf %add3A_1065, %exp3A_1039 : vector<16xf32>
      %add3A_1067 = arith.constant 5.62932996E-7 : f32
      %add3A_1068 = vector.broadcast %add3A_1067 : f32 to vector<16xf32>
      %add3A_1069 = arith.addf %mul3A_1066, %add3A_1068 : vector<16xf32>
      %max3A_1070 = arith.constant 0.000000e+00 : f32
      %max3A_1071 = vector.broadcast %max3A_1070 : f32 to vector<16xf32>
      %max3A_1072 = arith.maximumf %select_n3A_1034, %max3A_1071 : vector<16xf32>
      %add3A_1073 = arith.addf %max3A_1072, %add3A_1069 : vector<16xf32>
      %swap3A_1074 = arith.index_cast %and3A_1029 : i32 to index
      %swap3A_1075 = arith.constant 0 : index
      %swap3A_1076 = tpu.vector_load %arg8[%swap3A_1074, %swap3A_1075] {strides = array<i32>} : memref<128x64xf32, #tpu.memory_space<vmem>>, vector<16xf32>,
      tpu.vector_store %arg8[%swap3A_1074, %swap3A_1075], %add3A_1073 {strides = array<i32>} : memref<128x64xf32, #tpu.memory_space<vmem>>, vector<16xf32>,
      %gather3A_1077 = tpu.vector_load_idx %arg12[%shift_right_arithmetic3A_13, %and3A_36, %min3A_1018] : memref<8x8x128xf32, #tpu.memory_space<vmem>>[vector<16xi32>, vector<16xi32>, vector<16xi32>], vector<16xf32>,
      %get3A_1078 = arith.index_cast %min3A_1027 : i32 to index
      %get3A_1079 = arith.constant 16 : index
      %get3A_1080 = tpu.vector_load %arg7[%get3A_1078, %get3A_1079] {strides = array<i32>} : memref<64x64xf32, #tpu.memory_space<vmem>>, vector<16xf32>,
      %select_n3A_1081 = arith.select %ge3A_1021, %get3A_1080, %gather3A_1077 : vector<16xi1>, vector<16xf32>
      %abs3A_1082 = math.absf %select_n3A_1081 : vector<16xf32>
      %neg3A_1083 = arith.constant 0.000000e+00 : f32
      %neg3A_1084 = vector.broadcast %neg3A_1083 : f32 to vector<16xf32>
      %neg3A_1085 = arith.subf %neg3A_1084, %abs3A_1082 : vector<16xf32>
      %exp3A_1086 = math.exp %neg3A_1085 : vector<16xf32>
      %broadcast_in_dim3A_1087 = arith.constant 0.0101189017 : f32
      %broadcast_in_dim3A_1088 = vector.broadcast %broadcast_in_dim3A_1087 : f32 to vector<16xf32>
      %mul3A_1089 = arith.mulf %broadcast_in_dim3A_1088, %exp3A_1086 : vector<16xf32>
      %add3A_1090 = arith.constant -0.0526239537 : f32
      %add3A_1091 = vector.broadcast %add3A_1090 : f32 to vector<16xf32>
      %add3A_1092 = arith.addf %mul3A_1089, %add3A_1091 : vector<16xf32>
      %mul3A_1093 = arith.mulf %add3A_1092, %exp3A_1086 : vector<16xf32>
      %add3A_1094 = arith.constant 0.130763352 : f32
      %add3A_1095 = vector.broadcast %add3A_1094 : f32 to vector<16xf32>
      %add3A_1096 = arith.addf %mul3A_1093, %add3A_1095 : vector<16xf32>
      %mul3A_1097 = arith.mulf %add3A_1096, %exp3A_1086 : vector<16xf32>
      %add3A_1098 = arith.constant -0.222834721 : f32
      %add3A_1099 = vector.broadcast %add3A_1098 : f32 to vector<16xf32>
      %add3A_1100 = arith.addf %mul3A_1097, %add3A_1099 : vector<16xf32>
      %mul3A_1101 = arith.mulf %add3A_1100, %exp3A_1086 : vector<16xf32>
      %add3A_1102 = arith.constant 0.326972365 : f32
      %add3A_1103 = vector.broadcast %add3A_1102 : f32 to vector<16xf32>
      %add3A_1104 = arith.addf %mul3A_1101, %add3A_1103 : vector<16xf32>
      %mul3A_1105 = arith.mulf %add3A_1104, %exp3A_1086 : vector<16xf32>
      %add3A_1106 = arith.constant -0.499206394 : f32
      %add3A_1107 = vector.broadcast %add3A_1106 : f32 to vector<16xf32>
      %add3A_1108 = arith.addf %mul3A_1105, %add3A_1107 : vector<16xf32>
      %mul3A_1109 = arith.mulf %add3A_1108, %exp3A_1086 : vector<16xf32>
      %add3A_1110 = arith.constant 0.999957442 : f32
      %add3A_1111 = vector.broadcast %add3A_1110 : f32 to vector<16xf32>
      %add3A_1112 = arith.addf %mul3A_1109, %add3A_1111 : vector<16xf32>
      %mul3A_1113 = arith.mulf %add3A_1112, %exp3A_1086 : vector<16xf32>
      %add3A_1114 = arith.constant 5.62932996E-7 : f32
      %add3A_1115 = vector.broadcast %add3A_1114 : f32 to vector<16xf32>
      %add3A_1116 = arith.addf %mul3A_1113, %add3A_1115 : vector<16xf32>
      %max3A_1117 = arith.constant 0.000000e+00 : f32
      %max3A_1118 = vector.broadcast %max3A_1117 : f32 to vector<16xf32>
      %max3A_1119 = arith.maximumf %select_n3A_1081, %max3A_1118 : vector<16xf32>
      %add3A_1120 = arith.addf %max3A_1119, %add3A_1116 : vector<16xf32>
      %swap3A_1121 = arith.index_cast %and3A_1029 : i32 to index
      %swap3A_1122 = arith.constant 16 : index
      %swap3A_1123 = tpu.vector_load %arg8[%swap3A_1121, %swap3A_1122] {strides = array<i32>} : memref<128x64xf32, #tpu.memory_space<vmem>>, vector<16xf32>,
      tpu.vector_store %arg8[%swap3A_1121, %swap3A_1122], %add3A_1120 {strides = array<i32>} : memref<128x64xf32, #tpu.memory_space<vmem>>, vector<16xf32>,
      %gather3A_1124 = tpu.vector_load_idx %arg12[%shift_right_arithmetic3A_19, %and3A_42, %min3A_1018] : memref<8x8x128xf32, #tpu.memory_space<vmem>>[vector<16xi32>, vector<16xi32>, vector<16xi32>], vector<16xf32>,
      %get3A_1125 = arith.index_cast %min3A_1027 : i32 to index
      %get3A_1126 = arith.constant 32 : index
      %get3A_1127 = tpu.vector_load %arg7[%get3A_1125, %get3A_1126] {strides = array<i32>} : memref<64x64xf32, #tpu.memory_space<vmem>>, vector<16xf32>,
      %select_n3A_1128 = arith.select %ge3A_1021, %get3A_1127, %gather3A_1124 : vector<16xi1>, vector<16xf32>
      %abs3A_1129 = math.absf %select_n3A_1128 : vector<16xf32>
      %neg3A_1130 = arith.constant 0.000000e+00 : f32
      %neg3A_1131 = vector.broadcast %neg3A_1130 : f32 to vector<16xf32>
      %neg3A_1132 = arith.subf %neg3A_1131, %abs3A_1129 : vector<16xf32>
      %exp3A_1133 = math.exp %neg3A_1132 : vector<16xf32>
      %broadcast_in_dim3A_1134 = arith.constant 0.0101189017 : f32
      %broadcast_in_dim3A_1135 = vector.broadcast %broadcast_in_dim3A_1134 : f32 to vector<16xf32>
      %mul3A_1136 = arith.mulf %broadcast_in_dim3A_1135, %exp3A_1133 : vector<16xf32>
      %add3A_1137 = arith.constant -0.0526239537 : f32
      %add3A_1138 = vector.broadcast %add3A_1137 : f32 to vector<16xf32>
      %add3A_1139 = arith.addf %mul3A_1136, %add3A_1138 : vector<16xf32>
      %mul3A_1140 = arith.mulf %add3A_1139, %exp3A_1133 : vector<16xf32>
      %add3A_1141 = arith.constant 0.130763352 : f32
      %add3A_1142 = vector.broadcast %add3A_1141 : f32 to vector<16xf32>
      %add3A_1143 = arith.addf %mul3A_1140, %add3A_1142 : vector<16xf32>
      %mul3A_1144 = arith.mulf %add3A_1143, %exp3A_1133 : vector<16xf32>
      %add3A_1145 = arith.constant -0.222834721 : f32
      %add3A_1146 = vector.broadcast %add3A_1145 : f32 to vector<16xf32>
      %add3A_1147 = arith.addf %mul3A_1144, %add3A_1146 : vector<16xf32>
      %mul3A_1148 = arith.mulf %add3A_1147, %exp3A_1133 : vector<16xf32>
      %add3A_1149 = arith.constant 0.326972365 : f32
      %add3A_1150 = vector.broadcast %add3A_1149 : f32 to vector<16xf32>
      %add3A_1151 = arith.addf %mul3A_1148, %add3A_1150 : vector<16xf32>
      %mul3A_1152 = arith.mulf %add3A_1151, %exp3A_1133 : vector<16xf32>
      %add3A_1153 = arith.constant -0.499206394 : f32
      %add3A_1154 = vector.broadcast %add3A_1153 : f32 to vector<16xf32>
      %add3A_1155 = arith.addf %mul3A_1152, %add3A_1154 : vector<16xf32>
      %mul3A_1156 = arith.mulf %add3A_1155, %exp3A_1133 : vector<16xf32>
      %add3A_1157 = arith.constant 0.999957442 : f32
      %add3A_1158 = vector.broadcast %add3A_1157 : f32 to vector<16xf32>
      %add3A_1159 = arith.addf %mul3A_1156, %add3A_1158 : vector<16xf32>
      %mul3A_1160 = arith.mulf %add3A_1159, %exp3A_1133 : vector<16xf32>
      %add3A_1161 = arith.constant 5.62932996E-7 : f32
      %add3A_1162 = vector.broadcast %add3A_1161 : f32 to vector<16xf32>
      %add3A_1163 = arith.addf %mul3A_1160, %add3A_1162 : vector<16xf32>
      %max3A_1164 = arith.constant 0.000000e+00 : f32
      %max3A_1165 = vector.broadcast %max3A_1164 : f32 to vector<16xf32>
      %max3A_1166 = arith.maximumf %select_n3A_1128, %max3A_1165 : vector<16xf32>
      %add3A_1167 = arith.addf %max3A_1166, %add3A_1163 : vector<16xf32>
      %swap3A_1168 = arith.index_cast %and3A_1029 : i32 to index
      %swap3A_1169 = arith.constant 32 : index
      %swap3A_1170 = tpu.vector_load %arg8[%swap3A_1168, %swap3A_1169] {strides = array<i32>} : memref<128x64xf32, #tpu.memory_space<vmem>>, vector<16xf32>,
      tpu.vector_store %arg8[%swap3A_1168, %swap3A_1169], %add3A_1167 {strides = array<i32>} : memref<128x64xf32, #tpu.memory_space<vmem>>, vector<16xf32>,
      %gather3A_1171 = tpu.vector_load_idx %arg12[%shift_right_arithmetic3A_25, %and3A_48, %min3A_1018] : memref<8x8x128xf32, #tpu.memory_space<vmem>>[vector<16xi32>, vector<16xi32>, vector<16xi32>], vector<16xf32>,
      %get3A_1172 = arith.index_cast %min3A_1027 : i32 to index
      %get3A_1173 = arith.constant 48 : index
      %get3A_1174 = tpu.vector_load %arg7[%get3A_1172, %get3A_1173] {strides = array<i32>} : memref<64x64xf32, #tpu.memory_space<vmem>>, vector<16xf32>,
      %select_n3A_1175 = arith.select %ge3A_1021, %get3A_1174, %gather3A_1171 : vector<16xi1>, vector<16xf32>
      %abs3A_1176 = math.absf %select_n3A_1175 : vector<16xf32>
      %neg3A_1177 = arith.constant 0.000000e+00 : f32
      %neg3A_1178 = vector.broadcast %neg3A_1177 : f32 to vector<16xf32>
      %neg3A_1179 = arith.subf %neg3A_1178, %abs3A_1176 : vector<16xf32>
      %exp3A_1180 = math.exp %neg3A_1179 : vector<16xf32>
      %broadcast_in_dim3A_1181 = arith.constant 0.0101189017 : f32
      %broadcast_in_dim3A_1182 = vector.broadcast %broadcast_in_dim3A_1181 : f32 to vector<16xf32>
      %mul3A_1183 = arith.mulf %broadcast_in_dim3A_1182, %exp3A_1180 : vector<16xf32>
      %add3A_1184 = arith.constant -0.0526239537 : f32
      %add3A_1185 = vector.broadcast %add3A_1184 : f32 to vector<16xf32>
      %add3A_1186 = arith.addf %mul3A_1183, %add3A_1185 : vector<16xf32>
      %mul3A_1187 = arith.mulf %add3A_1186, %exp3A_1180 : vector<16xf32>
      %add3A_1188 = arith.constant 0.130763352 : f32
      %add3A_1189 = vector.broadcast %add3A_1188 : f32 to vector<16xf32>
      %add3A_1190 = arith.addf %mul3A_1187, %add3A_1189 : vector<16xf32>
      %mul3A_1191 = arith.mulf %add3A_1190, %exp3A_1180 : vector<16xf32>
      %add3A_1192 = arith.constant -0.222834721 : f32
      %add3A_1193 = vector.broadcast %add3A_1192 : f32 to vector<16xf32>
      %add3A_1194 = arith.addf %mul3A_1191, %add3A_1193 : vector<16xf32>
      %mul3A_1195 = arith.mulf %add3A_1194, %exp3A_1180 : vector<16xf32>
      %add3A_1196 = arith.constant 0.326972365 : f32
      %add3A_1197 = vector.broadcast %add3A_1196 : f32 to vector<16xf32>
      %add3A_1198 = arith.addf %mul3A_1195, %add3A_1197 : vector<16xf32>
      %mul3A_1199 = arith.mulf %add3A_1198, %exp3A_1180 : vector<16xf32>
      %add3A_1200 = arith.constant -0.499206394 : f32
      %add3A_1201 = vector.broadcast %add3A_1200 : f32 to vector<16xf32>
      %add3A_1202 = arith.addf %mul3A_1199, %add3A_1201 : vector<16xf32>
      %mul3A_1203 = arith.mulf %add3A_1202, %exp3A_1180 : vector<16xf32>
      %add3A_1204 = arith.constant 0.999957442 : f32
      %add3A_1205 = vector.broadcast %add3A_1204 : f32 to vector<16xf32>
      %add3A_1206 = arith.addf %mul3A_1203, %add3A_1205 : vector<16xf32>
      %mul3A_1207 = arith.mulf %add3A_1206, %exp3A_1180 : vector<16xf32>
      %add3A_1208 = arith.constant 5.62932996E-7 : f32
      %add3A_1209 = vector.broadcast %add3A_1208 : f32 to vector<16xf32>
      %add3A_1210 = arith.addf %mul3A_1207, %add3A_1209 : vector<16xf32>
      %max3A_1211 = arith.constant 0.000000e+00 : f32
      %max3A_1212 = vector.broadcast %max3A_1211 : f32 to vector<16xf32>
      %max3A_1213 = arith.maximumf %select_n3A_1175, %max3A_1212 : vector<16xf32>
      %add3A_1214 = arith.addf %max3A_1213, %add3A_1210 : vector<16xf32>
      %swap3A_1215 = arith.index_cast %and3A_1029 : i32 to index
      %swap3A_1216 = arith.constant 48 : index
      %swap3A_1217 = tpu.vector_load %arg8[%swap3A_1215, %swap3A_1216] {strides = array<i32>} : memref<128x64xf32, #tpu.memory_space<vmem>>, vector<16xf32>,
      tpu.vector_store %arg8[%swap3A_1215, %swap3A_1216], %add3A_1214 {strides = array<i32>} : memref<128x64xf32, #tpu.memory_space<vmem>>, vector<16xf32>,
      %dma_wait3A_1218 = arith.constant 0 : i32
      %dma_wait3A_1219 = arith.constant 0 : i32
      %dma_wait3A_1220 = arith.constant 0 : i32
      %dma_wait3A_1221 = tpu.memref_slice %arg3[%dma_wait3A_1218, %dma_wait3A_1219, %dma_wait3A_1220] : memref<8x8x1000000xf32, #tpu.memory_space<hbm>> -> memref<8x8x128xf32, #tpu.memory_space<hbm>>
      %dma_wait3A_1222 = arith.constant 0 : i32
      %dma_wait3A_1223 = arith.constant 0 : i32
      %dma_wait3A_1224 = arith.constant 0 : i32
      %dma_wait3A_1225 = tpu.memref_slice %arg3[%dma_wait3A_1222, %dma_wait3A_1223, %dma_wait3A_1224] : memref<8x8x1000000xf32, #tpu.memory_space<hbm>> -> memref<8x8x128xf32, #tpu.memory_space<hbm>>
      tpu.wait_dma2 semaphore(%arg21 : memref<!tpu.dma_semaphore, #tpu.memory_space<semaphore_mem>>) src(%dma_wait3A_1225 : memref<8x8x128xf32, #tpu.memory_space<hbm>>) dst(%arg13 : memref<8x8x128xf32, #tpu.memory_space<vmem>>)
      %mul3A_1226 = arith.constant 8 : i32
      %mul3A_1227 = arith.muli %scan3A_54, %mul3A_1226 : i32
      %add3A_1228 = arith.constant 4 : i32
      %add3A_1229 = arith.addi %mul3A_1227, %add3A_1228 : i32
      %broadcast_in_dim3A_1230 = arith.constant 0 : i32
      %broadcast_in_dim3A_1231 = vector.broadcast %broadcast_in_dim3A_1230 : i32 to vector<16xi32>
      %add3A_1232 = vector.broadcast %add3A_1229 : i32 to vector<16xi32>
      %add3A_1233 = arith.addi %broadcast_in_dim3A_1231, %add3A_1232 : vector<16xi32>
      %gather3A_1234 = tpu.vector_load_idx %arg6[%add3A_1233] : memref<512xi32, #tpu.memory_space<vmem>>[vector<16xi32>], vector<16xi32>,
      %reduce_max3A_1235 = arith.constant true
      %reduce_max3A_1236 = vector.broadcast %reduce_max3A_1235 : i1 to vector<16xi1>
      %reduce_max3A_1237 = arith.constant -2147483648 : i32
      %reduce_max3A_1238 = vector.broadcast %reduce_max3A_1237 : i32 to vector<16xi32>
      %reduce_max3A_1239 = arith.xori %gather3A_1234, %reduce_max3A_1238 : vector<16xi32>
      %reduce_max3A_1240 = tpu.scan <max>, %reduce_max3A_1239 masked %reduce_max3A_1236 : vector<16xi32>, vector<16xi1> -> vector<16xi32>
      %reduce_max3A_1241 = arith.xori %reduce_max3A_1240, %reduce_max3A_1238 : vector<16xi32>
      %reduce_max3A_1242 = vector.extract %reduce_max3A_1241[15] : i32 from vector<16xi32>
      %shift_right_arithmetic3A_1243 = arith.constant 7 : i32
      %shift_right_arithmetic3A_1244 = arith.shrsi %reduce_max3A_1242, %shift_right_arithmetic3A_1243 : i32
      %min3A_1245 = arith.constant 7811 : i32
      %min3A_1246 = arith.minsi %shift_right_arithmetic3A_1244, %min3A_1245 : i32
      %mul3A_1247 = arith.constant 128 : i32
      %mul3A_1248 = arith.muli %min3A_1246, %mul3A_1247 : i32
      %sub3A_1249 = vector.broadcast %mul3A_1248 : i32 to vector<16xi32>
      %sub3A_1250 = arith.subi %gather3A_1234, %sub3A_1249 : vector<16xi32>
      %min3A_1251 = arith.constant 127 : i32
      %min3A_1252 = vector.broadcast %min3A_1251 : i32 to vector<16xi32>
      %min3A_1253 = arith.minsi %sub3A_1250, %min3A_1252 : vector<16xi32>
      %ge3A_1254 = arith.constant 999936 : i32
      %ge3A_1255 = vector.broadcast %ge3A_1254 : i32 to vector<16xi32>
      %ge3A_1256 = arith.cmpi sge, %gather3A_1234, %ge3A_1255 : vector<16xi32>
      %sub3A_1257 = arith.constant 999936 : i32
      %sub3A_1258 = arith.subi %reduce_max3A_1242, %sub3A_1257 : i32
      %jit3A_1259 = arith.constant 0 : i32
      %jit3A_1260 = arith.constant 63 : i32
      %max3A_1261 = arith.maxsi %jit3A_1259, %sub3A_1258 : i32
      %min3A_1262 = arith.minsi %jit3A_1260, %max3A_1261 : i32
      %and3A_1263 = arith.constant 127 : i32
      %and3A_1264 = arith.andi %add3A_1229, %and3A_1263 : i32
      %gather3A_1265 = tpu.vector_load_idx %arg13[%shift_right_arithmetic3A_7, %and3A_30, %min3A_1253] : memref<8x8x128xf32, #tpu.memory_space<vmem>>[vector<16xi32>, vector<16xi32>, vector<16xi32>], vector<16xf32>,
      %get3A_1266 = arith.index_cast %min3A_1262 : i32 to index
      %get3A_1267 = arith.constant 0 : index
      %get3A_1268 = tpu.vector_load %arg7[%get3A_1266, %get3A_1267] {strides = array<i32>} : memref<64x64xf32, #tpu.memory_space<vmem>>, vector<16xf32>,
      %select_n3A_1269 = arith.select %ge3A_1256, %get3A_1268, %gather3A_1265 : vector<16xi1>, vector<16xf32>
      %abs3A_1270 = math.absf %select_n3A_1269 : vector<16xf32>
      %neg3A_1271 = arith.constant 0.000000e+00 : f32
      %neg3A_1272 = vector.broadcast %neg3A_1271 : f32 to vector<16xf32>
      %neg3A_1273 = arith.subf %neg3A_1272, %abs3A_1270 : vector<16xf32>
      %exp3A_1274 = math.exp %neg3A_1273 : vector<16xf32>
      %broadcast_in_dim3A_1275 = arith.constant 0.0101189017 : f32
      %broadcast_in_dim3A_1276 = vector.broadcast %broadcast_in_dim3A_1275 : f32 to vector<16xf32>
      %mul3A_1277 = arith.mulf %broadcast_in_dim3A_1276, %exp3A_1274 : vector<16xf32>
      %add3A_1278 = arith.constant -0.0526239537 : f32
      %add3A_1279 = vector.broadcast %add3A_1278 : f32 to vector<16xf32>
      %add3A_1280 = arith.addf %mul3A_1277, %add3A_1279 : vector<16xf32>
      %mul3A_1281 = arith.mulf %add3A_1280, %exp3A_1274 : vector<16xf32>
      %add3A_1282 = arith.constant 0.130763352 : f32
      %add3A_1283 = vector.broadcast %add3A_1282 : f32 to vector<16xf32>
      %add3A_1284 = arith.addf %mul3A_1281, %add3A_1283 : vector<16xf32>
      %mul3A_1285 = arith.mulf %add3A_1284, %exp3A_1274 : vector<16xf32>
      %add3A_1286 = arith.constant -0.222834721 : f32
      %add3A_1287 = vector.broadcast %add3A_1286 : f32 to vector<16xf32>
      %add3A_1288 = arith.addf %mul3A_1285, %add3A_1287 : vector<16xf32>
      %mul3A_1289 = arith.mulf %add3A_1288, %exp3A_1274 : vector<16xf32>
      %add3A_1290 = arith.constant 0.326972365 : f32
      %add3A_1291 = vector.broadcast %add3A_1290 : f32 to vector<16xf32>
      %add3A_1292 = arith.addf %mul3A_1289, %add3A_1291 : vector<16xf32>
      %mul3A_1293 = arith.mulf %add3A_1292, %exp3A_1274 : vector<16xf32>
      %add3A_1294 = arith.constant -0.499206394 : f32
      %add3A_1295 = vector.broadcast %add3A_1294 : f32 to vector<16xf32>
      %add3A_1296 = arith.addf %mul3A_1293, %add3A_1295 : vector<16xf32>
      %mul3A_1297 = arith.mulf %add3A_1296, %exp3A_1274 : vector<16xf32>
      %add3A_1298 = arith.constant 0.999957442 : f32
      %add3A_1299 = vector.broadcast %add3A_1298 : f32 to vector<16xf32>
      %add3A_1300 = arith.addf %mul3A_1297, %add3A_1299 : vector<16xf32>
      %mul3A_1301 = arith.mulf %add3A_1300, %exp3A_1274 : vector<16xf32>
      %add3A_1302 = arith.constant 5.62932996E-7 : f32
      %add3A_1303 = vector.broadcast %add3A_1302 : f32 to vector<16xf32>
      %add3A_1304 = arith.addf %mul3A_1301, %add3A_1303 : vector<16xf32>
      %max3A_1305 = arith.constant 0.000000e+00 : f32
      %max3A_1306 = vector.broadcast %max3A_1305 : f32 to vector<16xf32>
      %max3A_1307 = arith.maximumf %select_n3A_1269, %max3A_1306 : vector<16xf32>
      %add3A_1308 = arith.addf %max3A_1307, %add3A_1304 : vector<16xf32>
      %swap3A_1309 = arith.index_cast %and3A_1264 : i32 to index
      %swap3A_1310 = arith.constant 0 : index
      %swap3A_1311 = tpu.vector_load %arg8[%swap3A_1309, %swap3A_1310] {strides = array<i32>} : memref<128x64xf32, #tpu.memory_space<vmem>>, vector<16xf32>,
      tpu.vector_store %arg8[%swap3A_1309, %swap3A_1310], %add3A_1308 {strides = array<i32>} : memref<128x64xf32, #tpu.memory_space<vmem>>, vector<16xf32>,
      %gather3A_1312 = tpu.vector_load_idx %arg13[%shift_right_arithmetic3A_13, %and3A_36, %min3A_1253] : memref<8x8x128xf32, #tpu.memory_space<vmem>>[vector<16xi32>, vector<16xi32>, vector<16xi32>], vector<16xf32>,
      %get3A_1313 = arith.index_cast %min3A_1262 : i32 to index
      %get3A_1314 = arith.constant 16 : index
      %get3A_1315 = tpu.vector_load %arg7[%get3A_1313, %get3A_1314] {strides = array<i32>} : memref<64x64xf32, #tpu.memory_space<vmem>>, vector<16xf32>,
      %select_n3A_1316 = arith.select %ge3A_1256, %get3A_1315, %gather3A_1312 : vector<16xi1>, vector<16xf32>
      %abs3A_1317 = math.absf %select_n3A_1316 : vector<16xf32>
      %neg3A_1318 = arith.constant 0.000000e+00 : f32
      %neg3A_1319 = vector.broadcast %neg3A_1318 : f32 to vector<16xf32>
      %neg3A_1320 = arith.subf %neg3A_1319, %abs3A_1317 : vector<16xf32>
      %exp3A_1321 = math.exp %neg3A_1320 : vector<16xf32>
      %broadcast_in_dim3A_1322 = arith.constant 0.0101189017 : f32
      %broadcast_in_dim3A_1323 = vector.broadcast %broadcast_in_dim3A_1322 : f32 to vector<16xf32>
      %mul3A_1324 = arith.mulf %broadcast_in_dim3A_1323, %exp3A_1321 : vector<16xf32>
      %add3A_1325 = arith.constant -0.0526239537 : f32
      %add3A_1326 = vector.broadcast %add3A_1325 : f32 to vector<16xf32>
      %add3A_1327 = arith.addf %mul3A_1324, %add3A_1326 : vector<16xf32>
      %mul3A_1328 = arith.mulf %add3A_1327, %exp3A_1321 : vector<16xf32>
      %add3A_1329 = arith.constant 0.130763352 : f32
      %add3A_1330 = vector.broadcast %add3A_1329 : f32 to vector<16xf32>
      %add3A_1331 = arith.addf %mul3A_1328, %add3A_1330 : vector<16xf32>
      %mul3A_1332 = arith.mulf %add3A_1331, %exp3A_1321 : vector<16xf32>
      %add3A_1333 = arith.constant -0.222834721 : f32
      %add3A_1334 = vector.broadcast %add3A_1333 : f32 to vector<16xf32>
      %add3A_1335 = arith.addf %mul3A_1332, %add3A_1334 : vector<16xf32>
      %mul3A_1336 = arith.mulf %add3A_1335, %exp3A_1321 : vector<16xf32>
      %add3A_1337 = arith.constant 0.326972365 : f32
      %add3A_1338 = vector.broadcast %add3A_1337 : f32 to vector<16xf32>
      %add3A_1339 = arith.addf %mul3A_1336, %add3A_1338 : vector<16xf32>
      %mul3A_1340 = arith.mulf %add3A_1339, %exp3A_1321 : vector<16xf32>
      %add3A_1341 = arith.constant -0.499206394 : f32
      %add3A_1342 = vector.broadcast %add3A_1341 : f32 to vector<16xf32>
      %add3A_1343 = arith.addf %mul3A_1340, %add3A_1342 : vector<16xf32>
      %mul3A_1344 = arith.mulf %add3A_1343, %exp3A_1321 : vector<16xf32>
      %add3A_1345 = arith.constant 0.999957442 : f32
      %add3A_1346 = vector.broadcast %add3A_1345 : f32 to vector<16xf32>
      %add3A_1347 = arith.addf %mul3A_1344, %add3A_1346 : vector<16xf32>
      %mul3A_1348 = arith.mulf %add3A_1347, %exp3A_1321 : vector<16xf32>
      %add3A_1349 = arith.constant 5.62932996E-7 : f32
      %add3A_1350 = vector.broadcast %add3A_1349 : f32 to vector<16xf32>
      %add3A_1351 = arith.addf %mul3A_1348, %add3A_1350 : vector<16xf32>
      %max3A_1352 = arith.constant 0.000000e+00 : f32
      %max3A_1353 = vector.broadcast %max3A_1352 : f32 to vector<16xf32>
      %max3A_1354 = arith.maximumf %select_n3A_1316, %max3A_1353 : vector<16xf32>
      %add3A_1355 = arith.addf %max3A_1354, %add3A_1351 : vector<16xf32>
      %swap3A_1356 = arith.index_cast %and3A_1264 : i32 to index
      %swap3A_1357 = arith.constant 16 : index
      %swap3A_1358 = tpu.vector_load %arg8[%swap3A_1356, %swap3A_1357] {strides = array<i32>} : memref<128x64xf32, #tpu.memory_space<vmem>>, vector<16xf32>,
      tpu.vector_store %arg8[%swap3A_1356, %swap3A_1357], %add3A_1355 {strides = array<i32>} : memref<128x64xf32, #tpu.memory_space<vmem>>, vector<16xf32>,
      %gather3A_1359 = tpu.vector_load_idx %arg13[%shift_right_arithmetic3A_19, %and3A_42, %min3A_1253] : memref<8x8x128xf32, #tpu.memory_space<vmem>>[vector<16xi32>, vector<16xi32>, vector<16xi32>], vector<16xf32>,
      %get3A_1360 = arith.index_cast %min3A_1262 : i32 to index
      %get3A_1361 = arith.constant 32 : index
      %get3A_1362 = tpu.vector_load %arg7[%get3A_1360, %get3A_1361] {strides = array<i32>} : memref<64x64xf32, #tpu.memory_space<vmem>>, vector<16xf32>,
      %select_n3A_1363 = arith.select %ge3A_1256, %get3A_1362, %gather3A_1359 : vector<16xi1>, vector<16xf32>
      %abs3A_1364 = math.absf %select_n3A_1363 : vector<16xf32>
      %neg3A_1365 = arith.constant 0.000000e+00 : f32
      %neg3A_1366 = vector.broadcast %neg3A_1365 : f32 to vector<16xf32>
      %neg3A_1367 = arith.subf %neg3A_1366, %abs3A_1364 : vector<16xf32>
      %exp3A_1368 = math.exp %neg3A_1367 : vector<16xf32>
      %broadcast_in_dim3A_1369 = arith.constant 0.0101189017 : f32
      %broadcast_in_dim3A_1370 = vector.broadcast %broadcast_in_dim3A_1369 : f32 to vector<16xf32>
      %mul3A_1371 = arith.mulf %broadcast_in_dim3A_1370, %exp3A_1368 : vector<16xf32>
      %add3A_1372 = arith.constant -0.0526239537 : f32
      %add3A_1373 = vector.broadcast %add3A_1372 : f32 to vector<16xf32>
      %add3A_1374 = arith.addf %mul3A_1371, %add3A_1373 : vector<16xf32>
      %mul3A_1375 = arith.mulf %add3A_1374, %exp3A_1368 : vector<16xf32>
      %add3A_1376 = arith.constant 0.130763352 : f32
      %add3A_1377 = vector.broadcast %add3A_1376 : f32 to vector<16xf32>
      %add3A_1378 = arith.addf %mul3A_1375, %add3A_1377 : vector<16xf32>
      %mul3A_1379 = arith.mulf %add3A_1378, %exp3A_1368 : vector<16xf32>
      %add3A_1380 = arith.constant -0.222834721 : f32
      %add3A_1381 = vector.broadcast %add3A_1380 : f32 to vector<16xf32>
      %add3A_1382 = arith.addf %mul3A_1379, %add3A_1381 : vector<16xf32>
      %mul3A_1383 = arith.mulf %add3A_1382, %exp3A_1368 : vector<16xf32>
      %add3A_1384 = arith.constant 0.326972365 : f32
      %add3A_1385 = vector.broadcast %add3A_1384 : f32 to vector<16xf32>
      %add3A_1386 = arith.addf %mul3A_1383, %add3A_1385 : vector<16xf32>
      %mul3A_1387 = arith.mulf %add3A_1386, %exp3A_1368 : vector<16xf32>
      %add3A_1388 = arith.constant -0.499206394 : f32
      %add3A_1389 = vector.broadcast %add3A_1388 : f32 to vector<16xf32>
      %add3A_1390 = arith.addf %mul3A_1387, %add3A_1389 : vector<16xf32>
      %mul3A_1391 = arith.mulf %add3A_1390, %exp3A_1368 : vector<16xf32>
      %add3A_1392 = arith.constant 0.999957442 : f32
      %add3A_1393 = vector.broadcast %add3A_1392 : f32 to vector<16xf32>
      %add3A_1394 = arith.addf %mul3A_1391, %add3A_1393 : vector<16xf32>
      %mul3A_1395 = arith.mulf %add3A_1394, %exp3A_1368 : vector<16xf32>
      %add3A_1396 = arith.constant 5.62932996E-7 : f32
      %add3A_1397 = vector.broadcast %add3A_1396 : f32 to vector<16xf32>
      %add3A_1398 = arith.addf %mul3A_1395, %add3A_1397 : vector<16xf32>
      %max3A_1399 = arith.constant 0.000000e+00 : f32
      %max3A_1400 = vector.broadcast %max3A_1399 : f32 to vector<16xf32>
      %max3A_1401 = arith.maximumf %select_n3A_1363, %max3A_1400 : vector<16xf32>
      %add3A_1402 = arith.addf %max3A_1401, %add3A_1398 : vector<16xf32>
      %swap3A_1403 = arith.index_cast %and3A_1264 : i32 to index
      %swap3A_1404 = arith.constant 32 : index
      %swap3A_1405 = tpu.vector_load %arg8[%swap3A_1403, %swap3A_1404] {strides = array<i32>} : memref<128x64xf32, #tpu.memory_space<vmem>>, vector<16xf32>,
      tpu.vector_store %arg8[%swap3A_1403, %swap3A_1404], %add3A_1402 {strides = array<i32>} : memref<128x64xf32, #tpu.memory_space<vmem>>, vector<16xf32>,
      %gather3A_1406 = tpu.vector_load_idx %arg13[%shift_right_arithmetic3A_25, %and3A_48, %min3A_1253] : memref<8x8x128xf32, #tpu.memory_space<vmem>>[vector<16xi32>, vector<16xi32>, vector<16xi32>], vector<16xf32>,
      %get3A_1407 = arith.index_cast %min3A_1262 : i32 to index
      %get3A_1408 = arith.constant 48 : index
      %get3A_1409 = tpu.vector_load %arg7[%get3A_1407, %get3A_1408] {strides = array<i32>} : memref<64x64xf32, #tpu.memory_space<vmem>>, vector<16xf32>,
      %select_n3A_1410 = arith.select %ge3A_1256, %get3A_1409, %gather3A_1406 : vector<16xi1>, vector<16xf32>
      %abs3A_1411 = math.absf %select_n3A_1410 : vector<16xf32>
      %neg3A_1412 = arith.constant 0.000000e+00 : f32
      %neg3A_1413 = vector.broadcast %neg3A_1412 : f32 to vector<16xf32>
      %neg3A_1414 = arith.subf %neg3A_1413, %abs3A_1411 : vector<16xf32>
      %exp3A_1415 = math.exp %neg3A_1414 : vector<16xf32>
      %broadcast_in_dim3A_1416 = arith.constant 0.0101189017 : f32
      %broadcast_in_dim3A_1417 = vector.broadcast %broadcast_in_dim3A_1416 : f32 to vector<16xf32>
      %mul3A_1418 = arith.mulf %broadcast_in_dim3A_1417, %exp3A_1415 : vector<16xf32>
      %add3A_1419 = arith.constant -0.0526239537 : f32
      %add3A_1420 = vector.broadcast %add3A_1419 : f32 to vector<16xf32>
      %add3A_1421 = arith.addf %mul3A_1418, %add3A_1420 : vector<16xf32>
      %mul3A_1422 = arith.mulf %add3A_1421, %exp3A_1415 : vector<16xf32>
      %add3A_1423 = arith.constant 0.130763352 : f32
      %add3A_1424 = vector.broadcast %add3A_1423 : f32 to vector<16xf32>
      %add3A_1425 = arith.addf %mul3A_1422, %add3A_1424 : vector<16xf32>
      %mul3A_1426 = arith.mulf %add3A_1425, %exp3A_1415 : vector<16xf32>
      %add3A_1427 = arith.constant -0.222834721 : f32
      %add3A_1428 = vector.broadcast %add3A_1427 : f32 to vector<16xf32>
      %add3A_1429 = arith.addf %mul3A_1426, %add3A_1428 : vector<16xf32>
      %mul3A_1430 = arith.mulf %add3A_1429, %exp3A_1415 : vector<16xf32>
      %add3A_1431 = arith.constant 0.326972365 : f32
      %add3A_1432 = vector.broadcast %add3A_1431 : f32 to vector<16xf32>
      %add3A_1433 = arith.addf %mul3A_1430, %add3A_1432 : vector<16xf32>
      %mul3A_1434 = arith.mulf %add3A_1433, %exp3A_1415 : vector<16xf32>
      %add3A_1435 = arith.constant -0.499206394 : f32
      %add3A_1436 = vector.broadcast %add3A_1435 : f32 to vector<16xf32>
      %add3A_1437 = arith.addf %mul3A_1434, %add3A_1436 : vector<16xf32>
      %mul3A_1438 = arith.mulf %add3A_1437, %exp3A_1415 : vector<16xf32>
      %add3A_1439 = arith.constant 0.999957442 : f32
      %add3A_1440 = vector.broadcast %add3A_1439 : f32 to vector<16xf32>
      %add3A_1441 = arith.addf %mul3A_1438, %add3A_1440 : vector<16xf32>
      %mul3A_1442 = arith.mulf %add3A_1441, %exp3A_1415 : vector<16xf32>
      %add3A_1443 = arith.constant 5.62932996E-7 : f32
      %add3A_1444 = vector.broadcast %add3A_1443 : f32 to vector<16xf32>
      %add3A_1445 = arith.addf %mul3A_1442, %add3A_1444 : vector<16xf32>
      %max3A_1446 = arith.constant 0.000000e+00 : f32
      %max3A_1447 = vector.broadcast %max3A_1446 : f32 to vector<16xf32>
      %max3A_1448 = arith.maximumf %select_n3A_1410, %max3A_1447 : vector<16xf32>
      %add3A_1449 = arith.addf %max3A_1448, %add3A_1445 : vector<16xf32>
      %swap3A_1450 = arith.index_cast %and3A_1264 : i32 to index
      %swap3A_1451 = arith.constant 48 : index
      %swap3A_1452 = tpu.vector_load %arg8[%swap3A_1450, %swap3A_1451] {strides = array<i32>} : memref<128x64xf32, #tpu.memory_space<vmem>>, vector<16xf32>,
      tpu.vector_store %arg8[%swap3A_1450, %swap3A_1451], %add3A_1449 {strides = array<i32>} : memref<128x64xf32, #tpu.memory_space<vmem>>, vector<16xf32>,
      %dma_wait3A_1453 = arith.constant 0 : i32
      %dma_wait3A_1454 = arith.constant 0 : i32
      %dma_wait3A_1455 = arith.constant 0 : i32
      %dma_wait3A_1456 = tpu.memref_slice %arg3[%dma_wait3A_1453, %dma_wait3A_1454, %dma_wait3A_1455] : memref<8x8x1000000xf32, #tpu.memory_space<hbm>> -> memref<8x8x128xf32, #tpu.memory_space<hbm>>
      %dma_wait3A_1457 = arith.constant 0 : i32
      %dma_wait3A_1458 = arith.constant 0 : i32
      %dma_wait3A_1459 = arith.constant 0 : i32
      %dma_wait3A_1460 = tpu.memref_slice %arg3[%dma_wait3A_1457, %dma_wait3A_1458, %dma_wait3A_1459] : memref<8x8x1000000xf32, #tpu.memory_space<hbm>> -> memref<8x8x128xf32, #tpu.memory_space<hbm>>
      tpu.wait_dma2 semaphore(%arg22 : memref<!tpu.dma_semaphore, #tpu.memory_space<semaphore_mem>>) src(%dma_wait3A_1460 : memref<8x8x128xf32, #tpu.memory_space<hbm>>) dst(%arg14 : memref<8x8x128xf32, #tpu.memory_space<vmem>>)
      %mul3A_1461 = arith.constant 8 : i32
      %mul3A_1462 = arith.muli %scan3A_54, %mul3A_1461 : i32
      %add3A_1463 = arith.constant 5 : i32
      %add3A_1464 = arith.addi %mul3A_1462, %add3A_1463 : i32
      %broadcast_in_dim3A_1465 = arith.constant 0 : i32
      %broadcast_in_dim3A_1466 = vector.broadcast %broadcast_in_dim3A_1465 : i32 to vector<16xi32>
      %add3A_1467 = vector.broadcast %add3A_1464 : i32 to vector<16xi32>
      %add3A_1468 = arith.addi %broadcast_in_dim3A_1466, %add3A_1467 : vector<16xi32>
      %gather3A_1469 = tpu.vector_load_idx %arg6[%add3A_1468] : memref<512xi32, #tpu.memory_space<vmem>>[vector<16xi32>], vector<16xi32>,
      %reduce_max3A_1470 = arith.constant true
      %reduce_max3A_1471 = vector.broadcast %reduce_max3A_1470 : i1 to vector<16xi1>
      %reduce_max3A_1472 = arith.constant -2147483648 : i32
      %reduce_max3A_1473 = vector.broadcast %reduce_max3A_1472 : i32 to vector<16xi32>
      %reduce_max3A_1474 = arith.xori %gather3A_1469, %reduce_max3A_1473 : vector<16xi32>
      %reduce_max3A_1475 = tpu.scan <max>, %reduce_max3A_1474 masked %reduce_max3A_1471 : vector<16xi32>, vector<16xi1> -> vector<16xi32>
      %reduce_max3A_1476 = arith.xori %reduce_max3A_1475, %reduce_max3A_1473 : vector<16xi32>
      %reduce_max3A_1477 = vector.extract %reduce_max3A_1476[15] : i32 from vector<16xi32>
      %shift_right_arithmetic3A_1478 = arith.constant 7 : i32
      %shift_right_arithmetic3A_1479 = arith.shrsi %reduce_max3A_1477, %shift_right_arithmetic3A_1478 : i32
      %min3A_1480 = arith.constant 7811 : i32
      %min3A_1481 = arith.minsi %shift_right_arithmetic3A_1479, %min3A_1480 : i32
      %mul3A_1482 = arith.constant 128 : i32
      %mul3A_1483 = arith.muli %min3A_1481, %mul3A_1482 : i32
      %sub3A_1484 = vector.broadcast %mul3A_1483 : i32 to vector<16xi32>
      %sub3A_1485 = arith.subi %gather3A_1469, %sub3A_1484 : vector<16xi32>
      %min3A_1486 = arith.constant 127 : i32
      %min3A_1487 = vector.broadcast %min3A_1486 : i32 to vector<16xi32>
      %min3A_1488 = arith.minsi %sub3A_1485, %min3A_1487 : vector<16xi32>
      %ge3A_1489 = arith.constant 999936 : i32
      %ge3A_1490 = vector.broadcast %ge3A_1489 : i32 to vector<16xi32>
      %ge3A_1491 = arith.cmpi sge, %gather3A_1469, %ge3A_1490 : vector<16xi32>
      %sub3A_1492 = arith.constant 999936 : i32
      %sub3A_1493 = arith.subi %reduce_max3A_1477, %sub3A_1492 : i32
      %jit3A_1494 = arith.constant 0 : i32
      %jit3A_1495 = arith.constant 63 : i32
      %max3A_1496 = arith.maxsi %jit3A_1494, %sub3A_1493 : i32
      %min3A_1497 = arith.minsi %jit3A_1495, %max3A_1496 : i32
      %and3A_1498 = arith.constant 127 : i32
      %and3A_1499 = arith.andi %add3A_1464, %and3A_1498 : i32
      %gather3A_1500 = tpu.vector_load_idx %arg14[%shift_right_arithmetic3A_7, %and3A_30, %min3A_1488] : memref<8x8x128xf32, #tpu.memory_space<vmem>>[vector<16xi32>, vector<16xi32>, vector<16xi32>], vector<16xf32>,
      %get3A_1501 = arith.index_cast %min3A_1497 : i32 to index
      %get3A_1502 = arith.constant 0 : index
      %get3A_1503 = tpu.vector_load %arg7[%get3A_1501, %get3A_1502] {strides = array<i32>} : memref<64x64xf32, #tpu.memory_space<vmem>>, vector<16xf32>,
      %select_n3A_1504 = arith.select %ge3A_1491, %get3A_1503, %gather3A_1500 : vector<16xi1>, vector<16xf32>
      %abs3A_1505 = math.absf %select_n3A_1504 : vector<16xf32>
      %neg3A_1506 = arith.constant 0.000000e+00 : f32
      %neg3A_1507 = vector.broadcast %neg3A_1506 : f32 to vector<16xf32>
      %neg3A_1508 = arith.subf %neg3A_1507, %abs3A_1505 : vector<16xf32>
      %exp3A_1509 = math.exp %neg3A_1508 : vector<16xf32>
      %broadcast_in_dim3A_1510 = arith.constant 0.0101189017 : f32
      %broadcast_in_dim3A_1511 = vector.broadcast %broadcast_in_dim3A_1510 : f32 to vector<16xf32>
      %mul3A_1512 = arith.mulf %broadcast_in_dim3A_1511, %exp3A_1509 : vector<16xf32>
      %add3A_1513 = arith.constant -0.0526239537 : f32
      %add3A_1514 = vector.broadcast %add3A_1513 : f32 to vector<16xf32>
      %add3A_1515 = arith.addf %mul3A_1512, %add3A_1514 : vector<16xf32>
      %mul3A_1516 = arith.mulf %add3A_1515, %exp3A_1509 : vector<16xf32>
      %add3A_1517 = arith.constant 0.130763352 : f32
      %add3A_1518 = vector.broadcast %add3A_1517 : f32 to vector<16xf32>
      %add3A_1519 = arith.addf %mul3A_1516, %add3A_1518 : vector<16xf32>
      %mul3A_1520 = arith.mulf %add3A_1519, %exp3A_1509 : vector<16xf32>
      %add3A_1521 = arith.constant -0.222834721 : f32
      %add3A_1522 = vector.broadcast %add3A_1521 : f32 to vector<16xf32>
      %add3A_1523 = arith.addf %mul3A_1520, %add3A_1522 : vector<16xf32>
      %mul3A_1524 = arith.mulf %add3A_1523, %exp3A_1509 : vector<16xf32>
      %add3A_1525 = arith.constant 0.326972365 : f32
      %add3A_1526 = vector.broadcast %add3A_1525 : f32 to vector<16xf32>
      %add3A_1527 = arith.addf %mul3A_1524, %add3A_1526 : vector<16xf32>
      %mul3A_1528 = arith.mulf %add3A_1527, %exp3A_1509 : vector<16xf32>
      %add3A_1529 = arith.constant -0.499206394 : f32
      %add3A_1530 = vector.broadcast %add3A_1529 : f32 to vector<16xf32>
      %add3A_1531 = arith.addf %mul3A_1528, %add3A_1530 : vector<16xf32>
      %mul3A_1532 = arith.mulf %add3A_1531, %exp3A_1509 : vector<16xf32>
      %add3A_1533 = arith.constant 0.999957442 : f32
      %add3A_1534 = vector.broadcast %add3A_1533 : f32 to vector<16xf32>
      %add3A_1535 = arith.addf %mul3A_1532, %add3A_1534 : vector<16xf32>
      %mul3A_1536 = arith.mulf %add3A_1535, %exp3A_1509 : vector<16xf32>
      %add3A_1537 = arith.constant 5.62932996E-7 : f32
      %add3A_1538 = vector.broadcast %add3A_1537 : f32 to vector<16xf32>
      %add3A_1539 = arith.addf %mul3A_1536, %add3A_1538 : vector<16xf32>
      %max3A_1540 = arith.constant 0.000000e+00 : f32
      %max3A_1541 = vector.broadcast %max3A_1540 : f32 to vector<16xf32>
      %max3A_1542 = arith.maximumf %select_n3A_1504, %max3A_1541 : vector<16xf32>
      %add3A_1543 = arith.addf %max3A_1542, %add3A_1539 : vector<16xf32>
      %swap3A_1544 = arith.index_cast %and3A_1499 : i32 to index
      %swap3A_1545 = arith.constant 0 : index
      %swap3A_1546 = tpu.vector_load %arg8[%swap3A_1544, %swap3A_1545] {strides = array<i32>} : memref<128x64xf32, #tpu.memory_space<vmem>>, vector<16xf32>,
      tpu.vector_store %arg8[%swap3A_1544, %swap3A_1545], %add3A_1543 {strides = array<i32>} : memref<128x64xf32, #tpu.memory_space<vmem>>, vector<16xf32>,
      %gather3A_1547 = tpu.vector_load_idx %arg14[%shift_right_arithmetic3A_13, %and3A_36, %min3A_1488] : memref<8x8x128xf32, #tpu.memory_space<vmem>>[vector<16xi32>, vector<16xi32>, vector<16xi32>], vector<16xf32>,
      %get3A_1548 = arith.index_cast %min3A_1497 : i32 to index
      %get3A_1549 = arith.constant 16 : index
      %get3A_1550 = tpu.vector_load %arg7[%get3A_1548, %get3A_1549] {strides = array<i32>} : memref<64x64xf32, #tpu.memory_space<vmem>>, vector<16xf32>,
      %select_n3A_1551 = arith.select %ge3A_1491, %get3A_1550, %gather3A_1547 : vector<16xi1>, vector<16xf32>
      %abs3A_1552 = math.absf %select_n3A_1551 : vector<16xf32>
      %neg3A_1553 = arith.constant 0.000000e+00 : f32
      %neg3A_1554 = vector.broadcast %neg3A_1553 : f32 to vector<16xf32>
      %neg3A_1555 = arith.subf %neg3A_1554, %abs3A_1552 : vector<16xf32>
      %exp3A_1556 = math.exp %neg3A_1555 : vector<16xf32>
      %broadcast_in_dim3A_1557 = arith.constant 0.0101189017 : f32
      %broadcast_in_dim3A_1558 = vector.broadcast %broadcast_in_dim3A_1557 : f32 to vector<16xf32>
      %mul3A_1559 = arith.mulf %broadcast_in_dim3A_1558, %exp3A_1556 : vector<16xf32>
      %add3A_1560 = arith.constant -0.0526239537 : f32
      %add3A_1561 = vector.broadcast %add3A_1560 : f32 to vector<16xf32>
      %add3A_1562 = arith.addf %mul3A_1559, %add3A_1561 : vector<16xf32>
      %mul3A_1563 = arith.mulf %add3A_1562, %exp3A_1556 : vector<16xf32>
      %add3A_1564 = arith.constant 0.130763352 : f32
      %add3A_1565 = vector.broadcast %add3A_1564 : f32 to vector<16xf32>
      %add3A_1566 = arith.addf %mul3A_1563, %add3A_1565 : vector<16xf32>
      %mul3A_1567 = arith.mulf %add3A_1566, %exp3A_1556 : vector<16xf32>
      %add3A_1568 = arith.constant -0.222834721 : f32
      %add3A_1569 = vector.broadcast %add3A_1568 : f32 to vector<16xf32>
      %add3A_1570 = arith.addf %mul3A_1567, %add3A_1569 : vector<16xf32>
      %mul3A_1571 = arith.mulf %add3A_1570, %exp3A_1556 : vector<16xf32>
      %add3A_1572 = arith.constant 0.326972365 : f32
      %add3A_1573 = vector.broadcast %add3A_1572 : f32 to vector<16xf32>
      %add3A_1574 = arith.addf %mul3A_1571, %add3A_1573 : vector<16xf32>
      %mul3A_1575 = arith.mulf %add3A_1574, %exp3A_1556 : vector<16xf32>
      %add3A_1576 = arith.constant -0.499206394 : f32
      %add3A_1577 = vector.broadcast %add3A_1576 : f32 to vector<16xf32>
      %add3A_1578 = arith.addf %mul3A_1575, %add3A_1577 : vector<16xf32>
      %mul3A_1579 = arith.mulf %add3A_1578, %exp3A_1556 : vector<16xf32>
      %add3A_1580 = arith.constant 0.999957442 : f32
      %add3A_1581 = vector.broadcast %add3A_1580 : f32 to vector<16xf32>
      %add3A_1582 = arith.addf %mul3A_1579, %add3A_1581 : vector<16xf32>
      %mul3A_1583 = arith.mulf %add3A_1582, %exp3A_1556 : vector<16xf32>
      %add3A_1584 = arith.constant 5.62932996E-7 : f32
      %add3A_1585 = vector.broadcast %add3A_1584 : f32 to vector<16xf32>
      %add3A_1586 = arith.addf %mul3A_1583, %add3A_1585 : vector<16xf32>
      %max3A_1587 = arith.constant 0.000000e+00 : f32
      %max3A_1588 = vector.broadcast %max3A_1587 : f32 to vector<16xf32>
      %max3A_1589 = arith.maximumf %select_n3A_1551, %max3A_1588 : vector<16xf32>
      %add3A_1590 = arith.addf %max3A_1589, %add3A_1586 : vector<16xf32>
      %swap3A_1591 = arith.index_cast %and3A_1499 : i32 to index
      %swap3A_1592 = arith.constant 16 : index
      %swap3A_1593 = tpu.vector_load %arg8[%swap3A_1591, %swap3A_1592] {strides = array<i32>} : memref<128x64xf32, #tpu.memory_space<vmem>>, vector<16xf32>,
      tpu.vector_store %arg8[%swap3A_1591, %swap3A_1592], %add3A_1590 {strides = array<i32>} : memref<128x64xf32, #tpu.memory_space<vmem>>, vector<16xf32>,
      %gather3A_1594 = tpu.vector_load_idx %arg14[%shift_right_arithmetic3A_19, %and3A_42, %min3A_1488] : memref<8x8x128xf32, #tpu.memory_space<vmem>>[vector<16xi32>, vector<16xi32>, vector<16xi32>], vector<16xf32>,
      %get3A_1595 = arith.index_cast %min3A_1497 : i32 to index
      %get3A_1596 = arith.constant 32 : index
      %get3A_1597 = tpu.vector_load %arg7[%get3A_1595, %get3A_1596] {strides = array<i32>} : memref<64x64xf32, #tpu.memory_space<vmem>>, vector<16xf32>,
      %select_n3A_1598 = arith.select %ge3A_1491, %get3A_1597, %gather3A_1594 : vector<16xi1>, vector<16xf32>
      %abs3A_1599 = math.absf %select_n3A_1598 : vector<16xf32>
      %neg3A_1600 = arith.constant 0.000000e+00 : f32
      %neg3A_1601 = vector.broadcast %neg3A_1600 : f32 to vector<16xf32>
      %neg3A_1602 = arith.subf %neg3A_1601, %abs3A_1599 : vector<16xf32>
      %exp3A_1603 = math.exp %neg3A_1602 : vector<16xf32>
      %broadcast_in_dim3A_1604 = arith.constant 0.0101189017 : f32
      %broadcast_in_dim3A_1605 = vector.broadcast %broadcast_in_dim3A_1604 : f32 to vector<16xf32>
      %mul3A_1606 = arith.mulf %broadcast_in_dim3A_1605, %exp3A_1603 : vector<16xf32>
      %add3A_1607 = arith.constant -0.0526239537 : f32
      %add3A_1608 = vector.broadcast %add3A_1607 : f32 to vector<16xf32>
      %add3A_1609 = arith.addf %mul3A_1606, %add3A_1608 : vector<16xf32>
      %mul3A_1610 = arith.mulf %add3A_1609, %exp3A_1603 : vector<16xf32>
      %add3A_1611 = arith.constant 0.130763352 : f32
      %add3A_1612 = vector.broadcast %add3A_1611 : f32 to vector<16xf32>
      %add3A_1613 = arith.addf %mul3A_1610, %add3A_1612 : vector<16xf32>
      %mul3A_1614 = arith.mulf %add3A_1613, %exp3A_1603 : vector<16xf32>
      %add3A_1615 = arith.constant -0.222834721 : f32
      %add3A_1616 = vector.broadcast %add3A_1615 : f32 to vector<16xf32>
      %add3A_1617 = arith.addf %mul3A_1614, %add3A_1616 : vector<16xf32>
      %mul3A_1618 = arith.mulf %add3A_1617, %exp3A_1603 : vector<16xf32>
      %add3A_1619 = arith.constant 0.326972365 : f32
      %add3A_1620 = vector.broadcast %add3A_1619 : f32 to vector<16xf32>
      %add3A_1621 = arith.addf %mul3A_1618, %add3A_1620 : vector<16xf32>
      %mul3A_1622 = arith.mulf %add3A_1621, %exp3A_1603 : vector<16xf32>
      %add3A_1623 = arith.constant -0.499206394 : f32
      %add3A_1624 = vector.broadcast %add3A_1623 : f32 to vector<16xf32>
      %add3A_1625 = arith.addf %mul3A_1622, %add3A_1624 : vector<16xf32>
      %mul3A_1626 = arith.mulf %add3A_1625, %exp3A_1603 : vector<16xf32>
      %add3A_1627 = arith.constant 0.999957442 : f32
      %add3A_1628 = vector.broadcast %add3A_1627 : f32 to vector<16xf32>
      %add3A_1629 = arith.addf %mul3A_1626, %add3A_1628 : vector<16xf32>
      %mul3A_1630 = arith.mulf %add3A_1629, %exp3A_1603 : vector<16xf32>
      %add3A_1631 = arith.constant 5.62932996E-7 : f32
      %add3A_1632 = vector.broadcast %add3A_1631 : f32 to vector<16xf32>
      %add3A_1633 = arith.addf %mul3A_1630, %add3A_1632 : vector<16xf32>
      %max3A_1634 = arith.constant 0.000000e+00 : f32
      %max3A_1635 = vector.broadcast %max3A_1634 : f32 to vector<16xf32>
      %max3A_1636 = arith.maximumf %select_n3A_1598, %max3A_1635 : vector<16xf32>
      %add3A_1637 = arith.addf %max3A_1636, %add3A_1633 : vector<16xf32>
      %swap3A_1638 = arith.index_cast %and3A_1499 : i32 to index
      %swap3A_1639 = arith.constant 32 : index
      %swap3A_1640 = tpu.vector_load %arg8[%swap3A_1638, %swap3A_1639] {strides = array<i32>} : memref<128x64xf32, #tpu.memory_space<vmem>>, vector<16xf32>,
      tpu.vector_store %arg8[%swap3A_1638, %swap3A_1639], %add3A_1637 {strides = array<i32>} : memref<128x64xf32, #tpu.memory_space<vmem>>, vector<16xf32>,
      %gather3A_1641 = tpu.vector_load_idx %arg14[%shift_right_arithmetic3A_25, %and3A_48, %min3A_1488] : memref<8x8x128xf32, #tpu.memory_space<vmem>>[vector<16xi32>, vector<16xi32>, vector<16xi32>], vector<16xf32>,
      %get3A_1642 = arith.index_cast %min3A_1497 : i32 to index
      %get3A_1643 = arith.constant 48 : index
      %get3A_1644 = tpu.vector_load %arg7[%get3A_1642, %get3A_1643] {strides = array<i32>} : memref<64x64xf32, #tpu.memory_space<vmem>>, vector<16xf32>,
      %select_n3A_1645 = arith.select %ge3A_1491, %get3A_1644, %gather3A_1641 : vector<16xi1>, vector<16xf32>
      %abs3A_1646 = math.absf %select_n3A_1645 : vector<16xf32>
      %neg3A_1647 = arith.constant 0.000000e+00 : f32
      %neg3A_1648 = vector.broadcast %neg3A_1647 : f32 to vector<16xf32>
      %neg3A_1649 = arith.subf %neg3A_1648, %abs3A_1646 : vector<16xf32>
      %exp3A_1650 = math.exp %neg3A_1649 : vector<16xf32>
      %broadcast_in_dim3A_1651 = arith.constant 0.0101189017 : f32
      %broadcast_in_dim3A_1652 = vector.broadcast %broadcast_in_dim3A_1651 : f32 to vector<16xf32>
      %mul3A_1653 = arith.mulf %broadcast_in_dim3A_1652, %exp3A_1650 : vector<16xf32>
      %add3A_1654 = arith.constant -0.0526239537 : f32
      %add3A_1655 = vector.broadcast %add3A_1654 : f32 to vector<16xf32>
      %add3A_1656 = arith.addf %mul3A_1653, %add3A_1655 : vector<16xf32>
      %mul3A_1657 = arith.mulf %add3A_1656, %exp3A_1650 : vector<16xf32>
      %add3A_1658 = arith.constant 0.130763352 : f32
      %add3A_1659 = vector.broadcast %add3A_1658 : f32 to vector<16xf32>
      %add3A_1660 = arith.addf %mul3A_1657, %add3A_1659 : vector<16xf32>
      %mul3A_1661 = arith.mulf %add3A_1660, %exp3A_1650 : vector<16xf32>
      %add3A_1662 = arith.constant -0.222834721 : f32
      %add3A_1663 = vector.broadcast %add3A_1662 : f32 to vector<16xf32>
      %add3A_1664 = arith.addf %mul3A_1661, %add3A_1663 : vector<16xf32>
      %mul3A_1665 = arith.mulf %add3A_1664, %exp3A_1650 : vector<16xf32>
      %add3A_1666 = arith.constant 0.326972365 : f32
      %add3A_1667 = vector.broadcast %add3A_1666 : f32 to vector<16xf32>
      %add3A_1668 = arith.addf %mul3A_1665, %add3A_1667 : vector<16xf32>
      %mul3A_1669 = arith.mulf %add3A_1668, %exp3A_1650 : vector<16xf32>
      %add3A_1670 = arith.constant -0.499206394 : f32
      %add3A_1671 = vector.broadcast %add3A_1670 : f32 to vector<16xf32>
      %add3A_1672 = arith.addf %mul3A_1669, %add3A_1671 : vector<16xf32>
      %mul3A_1673 = arith.mulf %add3A_1672, %exp3A_1650 : vector<16xf32>
      %add3A_1674 = arith.constant 0.999957442 : f32
      %add3A_1675 = vector.broadcast %add3A_1674 : f32 to vector<16xf32>
      %add3A_1676 = arith.addf %mul3A_1673, %add3A_1675 : vector<16xf32>
      %mul3A_1677 = arith.mulf %add3A_1676, %exp3A_1650 : vector<16xf32>
      %add3A_1678 = arith.constant 5.62932996E-7 : f32
      %add3A_1679 = vector.broadcast %add3A_1678 : f32 to vector<16xf32>
      %add3A_1680 = arith.addf %mul3A_1677, %add3A_1679 : vector<16xf32>
      %max3A_1681 = arith.constant 0.000000e+00 : f32
      %max3A_1682 = vector.broadcast %max3A_1681 : f32 to vector<16xf32>
      %max3A_1683 = arith.maximumf %select_n3A_1645, %max3A_1682 : vector<16xf32>
      %add3A_1684 = arith.addf %max3A_1683, %add3A_1680 : vector<16xf32>
      %swap3A_1685 = arith.index_cast %and3A_1499 : i32 to index
      %swap3A_1686 = arith.constant 48 : index
      %swap3A_1687 = tpu.vector_load %arg8[%swap3A_1685, %swap3A_1686] {strides = array<i32>} : memref<128x64xf32, #tpu.memory_space<vmem>>, vector<16xf32>,
      tpu.vector_store %arg8[%swap3A_1685, %swap3A_1686], %add3A_1684 {strides = array<i32>} : memref<128x64xf32, #tpu.memory_space<vmem>>, vector<16xf32>,
      %dma_wait3A_1688 = arith.constant 0 : i32
      %dma_wait3A_1689 = arith.constant 0 : i32
      %dma_wait3A_1690 = arith.constant 0 : i32
      %dma_wait3A_1691 = tpu.memref_slice %arg3[%dma_wait3A_1688, %dma_wait3A_1689, %dma_wait3A_1690] : memref<8x8x1000000xf32, #tpu.memory_space<hbm>> -> memref<8x8x128xf32, #tpu.memory_space<hbm>>
      %dma_wait3A_1692 = arith.constant 0 : i32
      %dma_wait3A_1693 = arith.constant 0 : i32
      %dma_wait3A_1694 = arith.constant 0 : i32
      %dma_wait3A_1695 = tpu.memref_slice %arg3[%dma_wait3A_1692, %dma_wait3A_1693, %dma_wait3A_1694] : memref<8x8x1000000xf32, #tpu.memory_space<hbm>> -> memref<8x8x128xf32, #tpu.memory_space<hbm>>
      tpu.wait_dma2 semaphore(%arg23 : memref<!tpu.dma_semaphore, #tpu.memory_space<semaphore_mem>>) src(%dma_wait3A_1695 : memref<8x8x128xf32, #tpu.memory_space<hbm>>) dst(%arg15 : memref<8x8x128xf32, #tpu.memory_space<vmem>>)
      %mul3A_1696 = arith.constant 8 : i32
      %mul3A_1697 = arith.muli %scan3A_54, %mul3A_1696 : i32
      %add3A_1698 = arith.constant 6 : i32
      %add3A_1699 = arith.addi %mul3A_1697, %add3A_1698 : i32
      %broadcast_in_dim3A_1700 = arith.constant 0 : i32
      %broadcast_in_dim3A_1701 = vector.broadcast %broadcast_in_dim3A_1700 : i32 to vector<16xi32>
      %add3A_1702 = vector.broadcast %add3A_1699 : i32 to vector<16xi32>
      %add3A_1703 = arith.addi %broadcast_in_dim3A_1701, %add3A_1702 : vector<16xi32>
      %gather3A_1704 = tpu.vector_load_idx %arg6[%add3A_1703] : memref<512xi32, #tpu.memory_space<vmem>>[vector<16xi32>], vector<16xi32>,
      %reduce_max3A_1705 = arith.constant true
      %reduce_max3A_1706 = vector.broadcast %reduce_max3A_1705 : i1 to vector<16xi1>
      %reduce_max3A_1707 = arith.constant -2147483648 : i32
      %reduce_max3A_1708 = vector.broadcast %reduce_max3A_1707 : i32 to vector<16xi32>
      %reduce_max3A_1709 = arith.xori %gather3A_1704, %reduce_max3A_1708 : vector<16xi32>
      %reduce_max3A_1710 = tpu.scan <max>, %reduce_max3A_1709 masked %reduce_max3A_1706 : vector<16xi32>, vector<16xi1> -> vector<16xi32>
      %reduce_max3A_1711 = arith.xori %reduce_max3A_1710, %reduce_max3A_1708 : vector<16xi32>
      %reduce_max3A_1712 = vector.extract %reduce_max3A_1711[15] : i32 from vector<16xi32>
      %shift_right_arithmetic3A_1713 = arith.constant 7 : i32
      %shift_right_arithmetic3A_1714 = arith.shrsi %reduce_max3A_1712, %shift_right_arithmetic3A_1713 : i32
      %min3A_1715 = arith.constant 7811 : i32
      %min3A_1716 = arith.minsi %shift_right_arithmetic3A_1714, %min3A_1715 : i32
      %mul3A_1717 = arith.constant 128 : i32
      %mul3A_1718 = arith.muli %min3A_1716, %mul3A_1717 : i32
      %sub3A_1719 = vector.broadcast %mul3A_1718 : i32 to vector<16xi32>
      %sub3A_1720 = arith.subi %gather3A_1704, %sub3A_1719 : vector<16xi32>
      %min3A_1721 = arith.constant 127 : i32
      %min3A_1722 = vector.broadcast %min3A_1721 : i32 to vector<16xi32>
      %min3A_1723 = arith.minsi %sub3A_1720, %min3A_1722 : vector<16xi32>
      %ge3A_1724 = arith.constant 999936 : i32
      %ge3A_1725 = vector.broadcast %ge3A_1724 : i32 to vector<16xi32>
      %ge3A_1726 = arith.cmpi sge, %gather3A_1704, %ge3A_1725 : vector<16xi32>
      %sub3A_1727 = arith.constant 999936 : i32
      %sub3A_1728 = arith.subi %reduce_max3A_1712, %sub3A_1727 : i32
      %jit3A_1729 = arith.constant 0 : i32
      %jit3A_1730 = arith.constant 63 : i32
      %max3A_1731 = arith.maxsi %jit3A_1729, %sub3A_1728 : i32
      %min3A_1732 = arith.minsi %jit3A_1730, %max3A_1731 : i32
      %and3A_1733 = arith.constant 127 : i32
      %and3A_1734 = arith.andi %add3A_1699, %and3A_1733 : i32
      %gather3A_1735 = tpu.vector_load_idx %arg15[%shift_right_arithmetic3A_7, %and3A_30, %min3A_1723] : memref<8x8x128xf32, #tpu.memory_space<vmem>>[vector<16xi32>, vector<16xi32>, vector<16xi32>], vector<16xf32>,
      %get3A_1736 = arith.index_cast %min3A_1732 : i32 to index
      %get3A_1737 = arith.constant 0 : index
      %get3A_1738 = tpu.vector_load %arg7[%get3A_1736, %get3A_1737] {strides = array<i32>} : memref<64x64xf32, #tpu.memory_space<vmem>>, vector<16xf32>,
      %select_n3A_1739 = arith.select %ge3A_1726, %get3A_1738, %gather3A_1735 : vector<16xi1>, vector<16xf32>
      %abs3A_1740 = math.absf %select_n3A_1739 : vector<16xf32>
      %neg3A_1741 = arith.constant 0.000000e+00 : f32
      %neg3A_1742 = vector.broadcast %neg3A_1741 : f32 to vector<16xf32>
      %neg3A_1743 = arith.subf %neg3A_1742, %abs3A_1740 : vector<16xf32>
      %exp3A_1744 = math.exp %neg3A_1743 : vector<16xf32>
      %broadcast_in_dim3A_1745 = arith.constant 0.0101189017 : f32
      %broadcast_in_dim3A_1746 = vector.broadcast %broadcast_in_dim3A_1745 : f32 to vector<16xf32>
      %mul3A_1747 = arith.mulf %broadcast_in_dim3A_1746, %exp3A_1744 : vector<16xf32>
      %add3A_1748 = arith.constant -0.0526239537 : f32
      %add3A_1749 = vector.broadcast %add3A_1748 : f32 to vector<16xf32>
      %add3A_1750 = arith.addf %mul3A_1747, %add3A_1749 : vector<16xf32>
      %mul3A_1751 = arith.mulf %add3A_1750, %exp3A_1744 : vector<16xf32>
      %add3A_1752 = arith.constant 0.130763352 : f32
      %add3A_1753 = vector.broadcast %add3A_1752 : f32 to vector<16xf32>
      %add3A_1754 = arith.addf %mul3A_1751, %add3A_1753 : vector<16xf32>
      %mul3A_1755 = arith.mulf %add3A_1754, %exp3A_1744 : vector<16xf32>
      %add3A_1756 = arith.constant -0.222834721 : f32
      %add3A_1757 = vector.broadcast %add3A_1756 : f32 to vector<16xf32>
      %add3A_1758 = arith.addf %mul3A_1755, %add3A_1757 : vector<16xf32>
      %mul3A_1759 = arith.mulf %add3A_1758, %exp3A_1744 : vector<16xf32>
      %add3A_1760 = arith.constant 0.326972365 : f32
      %add3A_1761 = vector.broadcast %add3A_1760 : f32 to vector<16xf32>
      %add3A_1762 = arith.addf %mul3A_1759, %add3A_1761 : vector<16xf32>
      %mul3A_1763 = arith.mulf %add3A_1762, %exp3A_1744 : vector<16xf32>
      %add3A_1764 = arith.constant -0.499206394 : f32
      %add3A_1765 = vector.broadcast %add3A_1764 : f32 to vector<16xf32>
      %add3A_1766 = arith.addf %mul3A_1763, %add3A_1765 : vector<16xf32>
      %mul3A_1767 = arith.mulf %add3A_1766, %exp3A_1744 : vector<16xf32>
      %add3A_1768 = arith.constant 0.999957442 : f32
      %add3A_1769 = vector.broadcast %add3A_1768 : f32 to vector<16xf32>
      %add3A_1770 = arith.addf %mul3A_1767, %add3A_1769 : vector<16xf32>
      %mul3A_1771 = arith.mulf %add3A_1770, %exp3A_1744 : vector<16xf32>
      %add3A_1772 = arith.constant 5.62932996E-7 : f32
      %add3A_1773 = vector.broadcast %add3A_1772 : f32 to vector<16xf32>
      %add3A_1774 = arith.addf %mul3A_1771, %add3A_1773 : vector<16xf32>
      %max3A_1775 = arith.constant 0.000000e+00 : f32
      %max3A_1776 = vector.broadcast %max3A_1775 : f32 to vector<16xf32>
      %max3A_1777 = arith.maximumf %select_n3A_1739, %max3A_1776 : vector<16xf32>
      %add3A_1778 = arith.addf %max3A_1777, %add3A_1774 : vector<16xf32>
      %swap3A_1779 = arith.index_cast %and3A_1734 : i32 to index
      %swap3A_1780 = arith.constant 0 : index
      %swap3A_1781 = tpu.vector_load %arg8[%swap3A_1779, %swap3A_1780] {strides = array<i32>} : memref<128x64xf32, #tpu.memory_space<vmem>>, vector<16xf32>,
      tpu.vector_store %arg8[%swap3A_1779, %swap3A_1780], %add3A_1778 {strides = array<i32>} : memref<128x64xf32, #tpu.memory_space<vmem>>, vector<16xf32>,
      %gather3A_1782 = tpu.vector_load_idx %arg15[%shift_right_arithmetic3A_13, %and3A_36, %min3A_1723] : memref<8x8x128xf32, #tpu.memory_space<vmem>>[vector<16xi32>, vector<16xi32>, vector<16xi32>], vector<16xf32>,
      %get3A_1783 = arith.index_cast %min3A_1732 : i32 to index
      %get3A_1784 = arith.constant 16 : index
      %get3A_1785 = tpu.vector_load %arg7[%get3A_1783, %get3A_1784] {strides = array<i32>} : memref<64x64xf32, #tpu.memory_space<vmem>>, vector<16xf32>,
      %select_n3A_1786 = arith.select %ge3A_1726, %get3A_1785, %gather3A_1782 : vector<16xi1>, vector<16xf32>
      %abs3A_1787 = math.absf %select_n3A_1786 : vector<16xf32>
      %neg3A_1788 = arith.constant 0.000000e+00 : f32
      %neg3A_1789 = vector.broadcast %neg3A_1788 : f32 to vector<16xf32>
      %neg3A_1790 = arith.subf %neg3A_1789, %abs3A_1787 : vector<16xf32>
      %exp3A_1791 = math.exp %neg3A_1790 : vector<16xf32>
      %broadcast_in_dim3A_1792 = arith.constant 0.0101189017 : f32
      %broadcast_in_dim3A_1793 = vector.broadcast %broadcast_in_dim3A_1792 : f32 to vector<16xf32>
      %mul3A_1794 = arith.mulf %broadcast_in_dim3A_1793, %exp3A_1791 : vector<16xf32>
      %add3A_1795 = arith.constant -0.0526239537 : f32
      %add3A_1796 = vector.broadcast %add3A_1795 : f32 to vector<16xf32>
      %add3A_1797 = arith.addf %mul3A_1794, %add3A_1796 : vector<16xf32>
      %mul3A_1798 = arith.mulf %add3A_1797, %exp3A_1791 : vector<16xf32>
      %add3A_1799 = arith.constant 0.130763352 : f32
      %add3A_1800 = vector.broadcast %add3A_1799 : f32 to vector<16xf32>
      %add3A_1801 = arith.addf %mul3A_1798, %add3A_1800 : vector<16xf32>
      %mul3A_1802 = arith.mulf %add3A_1801, %exp3A_1791 : vector<16xf32>
      %add3A_1803 = arith.constant -0.222834721 : f32
      %add3A_1804 = vector.broadcast %add3A_1803 : f32 to vector<16xf32>
      %add3A_1805 = arith.addf %mul3A_1802, %add3A_1804 : vector<16xf32>
      %mul3A_1806 = arith.mulf %add3A_1805, %exp3A_1791 : vector<16xf32>
      %add3A_1807 = arith.constant 0.326972365 : f32
      %add3A_1808 = vector.broadcast %add3A_1807 : f32 to vector<16xf32>
      %add3A_1809 = arith.addf %mul3A_1806, %add3A_1808 : vector<16xf32>
      %mul3A_1810 = arith.mulf %add3A_1809, %exp3A_1791 : vector<16xf32>
      %add3A_1811 = arith.constant -0.499206394 : f32
      %add3A_1812 = vector.broadcast %add3A_1811 : f32 to vector<16xf32>
      %add3A_1813 = arith.addf %mul3A_1810, %add3A_1812 : vector<16xf32>
      %mul3A_1814 = arith.mulf %add3A_1813, %exp3A_1791 : vector<16xf32>
      %add3A_1815 = arith.constant 0.999957442 : f32
      %add3A_1816 = vector.broadcast %add3A_1815 : f32 to vector<16xf32>
      %add3A_1817 = arith.addf %mul3A_1814, %add3A_1816 : vector<16xf32>
      %mul3A_1818 = arith.mulf %add3A_1817, %exp3A_1791 : vector<16xf32>
      %add3A_1819 = arith.constant 5.62932996E-7 : f32
      %add3A_1820 = vector.broadcast %add3A_1819 : f32 to vector<16xf32>
      %add3A_1821 = arith.addf %mul3A_1818, %add3A_1820 : vector<16xf32>
      %max3A_1822 = arith.constant 0.000000e+00 : f32
      %max3A_1823 = vector.broadcast %max3A_1822 : f32 to vector<16xf32>
      %max3A_1824 = arith.maximumf %select_n3A_1786, %max3A_1823 : vector<16xf32>
      %add3A_1825 = arith.addf %max3A_1824, %add3A_1821 : vector<16xf32>
      %swap3A_1826 = arith.index_cast %and3A_1734 : i32 to index
      %swap3A_1827 = arith.constant 16 : index
      %swap3A_1828 = tpu.vector_load %arg8[%swap3A_1826, %swap3A_1827] {strides = array<i32>} : memref<128x64xf32, #tpu.memory_space<vmem>>, vector<16xf32>,
      tpu.vector_store %arg8[%swap3A_1826, %swap3A_1827], %add3A_1825 {strides = array<i32>} : memref<128x64xf32, #tpu.memory_space<vmem>>, vector<16xf32>,
      %gather3A_1829 = tpu.vector_load_idx %arg15[%shift_right_arithmetic3A_19, %and3A_42, %min3A_1723] : memref<8x8x128xf32, #tpu.memory_space<vmem>>[vector<16xi32>, vector<16xi32>, vector<16xi32>], vector<16xf32>,
      %get3A_1830 = arith.index_cast %min3A_1732 : i32 to index
      %get3A_1831 = arith.constant 32 : index
      %get3A_1832 = tpu.vector_load %arg7[%get3A_1830, %get3A_1831] {strides = array<i32>} : memref<64x64xf32, #tpu.memory_space<vmem>>, vector<16xf32>,
      %select_n3A_1833 = arith.select %ge3A_1726, %get3A_1832, %gather3A_1829 : vector<16xi1>, vector<16xf32>
      %abs3A_1834 = math.absf %select_n3A_1833 : vector<16xf32>
      %neg3A_1835 = arith.constant 0.000000e+00 : f32
      %neg3A_1836 = vector.broadcast %neg3A_1835 : f32 to vector<16xf32>
      %neg3A_1837 = arith.subf %neg3A_1836, %abs3A_1834 : vector<16xf32>
      %exp3A_1838 = math.exp %neg3A_1837 : vector<16xf32>
      %broadcast_in_dim3A_1839 = arith.constant 0.0101189017 : f32
      %broadcast_in_dim3A_1840 = vector.broadcast %broadcast_in_dim3A_1839 : f32 to vector<16xf32>
      %mul3A_1841 = arith.mulf %broadcast_in_dim3A_1840, %exp3A_1838 : vector<16xf32>
      %add3A_1842 = arith.constant -0.0526239537 : f32
      %add3A_1843 = vector.broadcast %add3A_1842 : f32 to vector<16xf32>
      %add3A_1844 = arith.addf %mul3A_1841, %add3A_1843 : vector<16xf32>
      %mul3A_1845 = arith.mulf %add3A_1844, %exp3A_1838 : vector<16xf32>
      %add3A_1846 = arith.constant 0.130763352 : f32
      %add3A_1847 = vector.broadcast %add3A_1846 : f32 to vector<16xf32>
      %add3A_1848 = arith.addf %mul3A_1845, %add3A_1847 : vector<16xf32>
      %mul3A_1849 = arith.mulf %add3A_1848, %exp3A_1838 : vector<16xf32>
      %add3A_1850 = arith.constant -0.222834721 : f32
      %add3A_1851 = vector.broadcast %add3A_1850 : f32 to vector<16xf32>
      %add3A_1852 = arith.addf %mul3A_1849, %add3A_1851 : vector<16xf32>
      %mul3A_1853 = arith.mulf %add3A_1852, %exp3A_1838 : vector<16xf32>
      %add3A_1854 = arith.constant 0.326972365 : f32
      %add3A_1855 = vector.broadcast %add3A_1854 : f32 to vector<16xf32>
      %add3A_1856 = arith.addf %mul3A_1853, %add3A_1855 : vector<16xf32>
      %mul3A_1857 = arith.mulf %add3A_1856, %exp3A_1838 : vector<16xf32>
      %add3A_1858 = arith.constant -0.499206394 : f32
      %add3A_1859 = vector.broadcast %add3A_1858 : f32 to vector<16xf32>
      %add3A_1860 = arith.addf %mul3A_1857, %add3A_1859 : vector<16xf32>
      %mul3A_1861 = arith.mulf %add3A_1860, %exp3A_1838 : vector<16xf32>
      %add3A_1862 = arith.constant 0.999957442 : f32
      %add3A_1863 = vector.broadcast %add3A_1862 : f32 to vector<16xf32>
      %add3A_1864 = arith.addf %mul3A_1861, %add3A_1863 : vector<16xf32>
      %mul3A_1865 = arith.mulf %add3A_1864, %exp3A_1838 : vector<16xf32>
      %add3A_1866 = arith.constant 5.62932996E-7 : f32
      %add3A_1867 = vector.broadcast %add3A_1866 : f32 to vector<16xf32>
      %add3A_1868 = arith.addf %mul3A_1865, %add3A_1867 : vector<16xf32>
      %max3A_1869 = arith.constant 0.000000e+00 : f32
      %max3A_1870 = vector.broadcast %max3A_1869 : f32 to vector<16xf32>
      %max3A_1871 = arith.maximumf %select_n3A_1833, %max3A_1870 : vector<16xf32>
      %add3A_1872 = arith.addf %max3A_1871, %add3A_1868 : vector<16xf32>
      %swap3A_1873 = arith.index_cast %and3A_1734 : i32 to index
      %swap3A_1874 = arith.constant 32 : index
      %swap3A_1875 = tpu.vector_load %arg8[%swap3A_1873, %swap3A_1874] {strides = array<i32>} : memref<128x64xf32, #tpu.memory_space<vmem>>, vector<16xf32>,
      tpu.vector_store %arg8[%swap3A_1873, %swap3A_1874], %add3A_1872 {strides = array<i32>} : memref<128x64xf32, #tpu.memory_space<vmem>>, vector<16xf32>,
      %gather3A_1876 = tpu.vector_load_idx %arg15[%shift_right_arithmetic3A_25, %and3A_48, %min3A_1723] : memref<8x8x128xf32, #tpu.memory_space<vmem>>[vector<16xi32>, vector<16xi32>, vector<16xi32>], vector<16xf32>,
      %get3A_1877 = arith.index_cast %min3A_1732 : i32 to index
      %get3A_1878 = arith.constant 48 : index
      %get3A_1879 = tpu.vector_load %arg7[%get3A_1877, %get3A_1878] {strides = array<i32>} : memref<64x64xf32, #tpu.memory_space<vmem>>, vector<16xf32>,
      %select_n3A_1880 = arith.select %ge3A_1726, %get3A_1879, %gather3A_1876 : vector<16xi1>, vector<16xf32>
      %abs3A_1881 = math.absf %select_n3A_1880 : vector<16xf32>
      %neg3A_1882 = arith.constant 0.000000e+00 : f32
      %neg3A_1883 = vector.broadcast %neg3A_1882 : f32 to vector<16xf32>
      %neg3A_1884 = arith.subf %neg3A_1883, %abs3A_1881 : vector<16xf32>
      %exp3A_1885 = math.exp %neg3A_1884 : vector<16xf32>
      %broadcast_in_dim3A_1886 = arith.constant 0.0101189017 : f32
      %broadcast_in_dim3A_1887 = vector.broadcast %broadcast_in_dim3A_1886 : f32 to vector<16xf32>
      %mul3A_1888 = arith.mulf %broadcast_in_dim3A_1887, %exp3A_1885 : vector<16xf32>
      %add3A_1889 = arith.constant -0.0526239537 : f32
      %add3A_1890 = vector.broadcast %add3A_1889 : f32 to vector<16xf32>
      %add3A_1891 = arith.addf %mul3A_1888, %add3A_1890 : vector<16xf32>
      %mul3A_1892 = arith.mulf %add3A_1891, %exp3A_1885 : vector<16xf32>
      %add3A_1893 = arith.constant 0.130763352 : f32
      %add3A_1894 = vector.broadcast %add3A_1893 : f32 to vector<16xf32>
      %add3A_1895 = arith.addf %mul3A_1892, %add3A_1894 : vector<16xf32>
      %mul3A_1896 = arith.mulf %add3A_1895, %exp3A_1885 : vector<16xf32>
      %add3A_1897 = arith.constant -0.222834721 : f32
      %add3A_1898 = vector.broadcast %add3A_1897 : f32 to vector<16xf32>
      %add3A_1899 = arith.addf %mul3A_1896, %add3A_1898 : vector<16xf32>
      %mul3A_1900 = arith.mulf %add3A_1899, %exp3A_1885 : vector<16xf32>
      %add3A_1901 = arith.constant 0.326972365 : f32
      %add3A_1902 = vector.broadcast %add3A_1901 : f32 to vector<16xf32>
      %add3A_1903 = arith.addf %mul3A_1900, %add3A_1902 : vector<16xf32>
      %mul3A_1904 = arith.mulf %add3A_1903, %exp3A_1885 : vector<16xf32>
      %add3A_1905 = arith.constant -0.499206394 : f32
      %add3A_1906 = vector.broadcast %add3A_1905 : f32 to vector<16xf32>
      %add3A_1907 = arith.addf %mul3A_1904, %add3A_1906 : vector<16xf32>
      %mul3A_1908 = arith.mulf %add3A_1907, %exp3A_1885 : vector<16xf32>
      %add3A_1909 = arith.constant 0.999957442 : f32
      %add3A_1910 = vector.broadcast %add3A_1909 : f32 to vector<16xf32>
      %add3A_1911 = arith.addf %mul3A_1908, %add3A_1910 : vector<16xf32>
      %mul3A_1912 = arith.mulf %add3A_1911, %exp3A_1885 : vector<16xf32>
      %add3A_1913 = arith.constant 5.62932996E-7 : f32
      %add3A_1914 = vector.broadcast %add3A_1913 : f32 to vector<16xf32>
      %add3A_1915 = arith.addf %mul3A_1912, %add3A_1914 : vector<16xf32>
      %max3A_1916 = arith.constant 0.000000e+00 : f32
      %max3A_1917 = vector.broadcast %max3A_1916 : f32 to vector<16xf32>
      %max3A_1918 = arith.maximumf %select_n3A_1880, %max3A_1917 : vector<16xf32>
      %add3A_1919 = arith.addf %max3A_1918, %add3A_1915 : vector<16xf32>
      %swap3A_1920 = arith.index_cast %and3A_1734 : i32 to index
      %swap3A_1921 = arith.constant 48 : index
      %swap3A_1922 = tpu.vector_load %arg8[%swap3A_1920, %swap3A_1921] {strides = array<i32>} : memref<128x64xf32, #tpu.memory_space<vmem>>, vector<16xf32>,
      tpu.vector_store %arg8[%swap3A_1920, %swap3A_1921], %add3A_1919 {strides = array<i32>} : memref<128x64xf32, #tpu.memory_space<vmem>>, vector<16xf32>,
      %dma_wait3A_1923 = arith.constant 0 : i32
      %dma_wait3A_1924 = arith.constant 0 : i32
      %dma_wait3A_1925 = arith.constant 0 : i32
      %dma_wait3A_1926 = tpu.memref_slice %arg3[%dma_wait3A_1923, %dma_wait3A_1924, %dma_wait3A_1925] : memref<8x8x1000000xf32, #tpu.memory_space<hbm>> -> memref<8x8x128xf32, #tpu.memory_space<hbm>>
      %dma_wait3A_1927 = arith.constant 0 : i32
      %dma_wait3A_1928 = arith.constant 0 : i32
      %dma_wait3A_1929 = arith.constant 0 : i32
      %dma_wait3A_1930 = tpu.memref_slice %arg3[%dma_wait3A_1927, %dma_wait3A_1928, %dma_wait3A_1929] : memref<8x8x1000000xf32, #tpu.memory_space<hbm>> -> memref<8x8x128xf32, #tpu.memory_space<hbm>>
      tpu.wait_dma2 semaphore(%arg24 : memref<!tpu.dma_semaphore, #tpu.memory_space<semaphore_mem>>) src(%dma_wait3A_1930 : memref<8x8x128xf32, #tpu.memory_space<hbm>>) dst(%arg16 : memref<8x8x128xf32, #tpu.memory_space<vmem>>)
      %mul3A_1931 = arith.constant 8 : i32
      %mul3A_1932 = arith.muli %scan3A_54, %mul3A_1931 : i32
      %add3A_1933 = arith.constant 7 : i32
      %add3A_1934 = arith.addi %mul3A_1932, %add3A_1933 : i32
      %broadcast_in_dim3A_1935 = arith.constant 0 : i32
      %broadcast_in_dim3A_1936 = vector.broadcast %broadcast_in_dim3A_1935 : i32 to vector<16xi32>
      %add3A_1937 = vector.broadcast %add3A_1934 : i32 to vector<16xi32>
      %add3A_1938 = arith.addi %broadcast_in_dim3A_1936, %add3A_1937 : vector<16xi32>
      %gather3A_1939 = tpu.vector_load_idx %arg6[%add3A_1938] : memref<512xi32, #tpu.memory_space<vmem>>[vector<16xi32>], vector<16xi32>,
      %reduce_max3A_1940 = arith.constant true
      %reduce_max3A_1941 = vector.broadcast %reduce_max3A_1940 : i1 to vector<16xi1>
      %reduce_max3A_1942 = arith.constant -2147483648 : i32
      %reduce_max3A_1943 = vector.broadcast %reduce_max3A_1942 : i32 to vector<16xi32>
      %reduce_max3A_1944 = arith.xori %gather3A_1939, %reduce_max3A_1943 : vector<16xi32>
      %reduce_max3A_1945 = tpu.scan <max>, %reduce_max3A_1944 masked %reduce_max3A_1941 : vector<16xi32>, vector<16xi1> -> vector<16xi32>
      %reduce_max3A_1946 = arith.xori %reduce_max3A_1945, %reduce_max3A_1943 : vector<16xi32>
      %reduce_max3A_1947 = vector.extract %reduce_max3A_1946[15] : i32 from vector<16xi32>
      %shift_right_arithmetic3A_1948 = arith.constant 7 : i32
      %shift_right_arithmetic3A_1949 = arith.shrsi %reduce_max3A_1947, %shift_right_arithmetic3A_1948 : i32
      %min3A_1950 = arith.constant 7811 : i32
      %min3A_1951 = arith.minsi %shift_right_arithmetic3A_1949, %min3A_1950 : i32
      %mul3A_1952 = arith.constant 128 : i32
      %mul3A_1953 = arith.muli %min3A_1951, %mul3A_1952 : i32
      %sub3A_1954 = vector.broadcast %mul3A_1953 : i32 to vector<16xi32>
      %sub3A_1955 = arith.subi %gather3A_1939, %sub3A_1954 : vector<16xi32>
      %min3A_1956 = arith.constant 127 : i32
      %min3A_1957 = vector.broadcast %min3A_1956 : i32 to vector<16xi32>
      %min3A_1958 = arith.minsi %sub3A_1955, %min3A_1957 : vector<16xi32>
      %ge3A_1959 = arith.constant 999936 : i32
      %ge3A_1960 = vector.broadcast %ge3A_1959 : i32 to vector<16xi32>
      %ge3A_1961 = arith.cmpi sge, %gather3A_1939, %ge3A_1960 : vector<16xi32>
      %sub3A_1962 = arith.constant 999936 : i32
      %sub3A_1963 = arith.subi %reduce_max3A_1947, %sub3A_1962 : i32
      %jit3A_1964 = arith.constant 0 : i32
      %jit3A_1965 = arith.constant 63 : i32
      %max3A_1966 = arith.maxsi %jit3A_1964, %sub3A_1963 : i32
      %min3A_1967 = arith.minsi %jit3A_1965, %max3A_1966 : i32
      %and3A_1968 = arith.constant 127 : i32
      %and3A_1969 = arith.andi %add3A_1934, %and3A_1968 : i32
      %gather3A_1970 = tpu.vector_load_idx %arg16[%shift_right_arithmetic3A_7, %and3A_30, %min3A_1958] : memref<8x8x128xf32, #tpu.memory_space<vmem>>[vector<16xi32>, vector<16xi32>, vector<16xi32>], vector<16xf32>,
      %get3A_1971 = arith.index_cast %min3A_1967 : i32 to index
      %get3A_1972 = arith.constant 0 : index
      %get3A_1973 = tpu.vector_load %arg7[%get3A_1971, %get3A_1972] {strides = array<i32>} : memref<64x64xf32, #tpu.memory_space<vmem>>, vector<16xf32>,
      %select_n3A_1974 = arith.select %ge3A_1961, %get3A_1973, %gather3A_1970 : vector<16xi1>, vector<16xf32>
      %abs3A_1975 = math.absf %select_n3A_1974 : vector<16xf32>
      %neg3A_1976 = arith.constant 0.000000e+00 : f32
      %neg3A_1977 = vector.broadcast %neg3A_1976 : f32 to vector<16xf32>
      %neg3A_1978 = arith.subf %neg3A_1977, %abs3A_1975 : vector<16xf32>
      %exp3A_1979 = math.exp %neg3A_1978 : vector<16xf32>
      %broadcast_in_dim3A_1980 = arith.constant 0.0101189017 : f32
      %broadcast_in_dim3A_1981 = vector.broadcast %broadcast_in_dim3A_1980 : f32 to vector<16xf32>
      %mul3A_1982 = arith.mulf %broadcast_in_dim3A_1981, %exp3A_1979 : vector<16xf32>
      %add3A_1983 = arith.constant -0.0526239537 : f32
      %add3A_1984 = vector.broadcast %add3A_1983 : f32 to vector<16xf32>
      %add3A_1985 = arith.addf %mul3A_1982, %add3A_1984 : vector<16xf32>
      %mul3A_1986 = arith.mulf %add3A_1985, %exp3A_1979 : vector<16xf32>
      %add3A_1987 = arith.constant 0.130763352 : f32
      %add3A_1988 = vector.broadcast %add3A_1987 : f32 to vector<16xf32>
      %add3A_1989 = arith.addf %mul3A_1986, %add3A_1988 : vector<16xf32>
      %mul3A_1990 = arith.mulf %add3A_1989, %exp3A_1979 : vector<16xf32>
      %add3A_1991 = arith.constant -0.222834721 : f32
      %add3A_1992 = vector.broadcast %add3A_1991 : f32 to vector<16xf32>
      %add3A_1993 = arith.addf %mul3A_1990, %add3A_1992 : vector<16xf32>
      %mul3A_1994 = arith.mulf %add3A_1993, %exp3A_1979 : vector<16xf32>
      %add3A_1995 = arith.constant 0.326972365 : f32
      %add3A_1996 = vector.broadcast %add3A_1995 : f32 to vector<16xf32>
      %add3A_1997 = arith.addf %mul3A_1994, %add3A_1996 : vector<16xf32>
      %mul3A_1998 = arith.mulf %add3A_1997, %exp3A_1979 : vector<16xf32>
      %add3A_1999 = arith.constant -0.499206394 : f32
      %add3A_2000 = vector.broadcast %add3A_1999 : f32 to vector<16xf32>
      %add3A_2001 = arith.addf %mul3A_1998, %add3A_2000 : vector<16xf32>
      %mul3A_2002 = arith.mulf %add3A_2001, %exp3A_1979 : vector<16xf32>
      %add3A_2003 = arith.constant 0.999957442 : f32
      %add3A_2004 = vector.broadcast %add3A_2003 : f32 to vector<16xf32>
      %add3A_2005 = arith.addf %mul3A_2002, %add3A_2004 : vector<16xf32>
      %mul3A_2006 = arith.mulf %add3A_2005, %exp3A_1979 : vector<16xf32>
      %add3A_2007 = arith.constant 5.62932996E-7 : f32
      %add3A_2008 = vector.broadcast %add3A_2007 : f32 to vector<16xf32>
      %add3A_2009 = arith.addf %mul3A_2006, %add3A_2008 : vector<16xf32>
      %max3A_2010 = arith.constant 0.000000e+00 : f32
      %max3A_2011 = vector.broadcast %max3A_2010 : f32 to vector<16xf32>
      %max3A_2012 = arith.maximumf %select_n3A_1974, %max3A_2011 : vector<16xf32>
      %add3A_2013 = arith.addf %max3A_2012, %add3A_2009 : vector<16xf32>
      %swap3A_2014 = arith.index_cast %and3A_1969 : i32 to index
      %swap3A_2015 = arith.constant 0 : index
      %swap3A_2016 = tpu.vector_load %arg8[%swap3A_2014, %swap3A_2015] {strides = array<i32>} : memref<128x64xf32, #tpu.memory_space<vmem>>, vector<16xf32>,
      tpu.vector_store %arg8[%swap3A_2014, %swap3A_2015], %add3A_2013 {strides = array<i32>} : memref<128x64xf32, #tpu.memory_space<vmem>>, vector<16xf32>,
      %gather3A_2017 = tpu.vector_load_idx %arg16[%shift_right_arithmetic3A_13, %and3A_36, %min3A_1958] : memref<8x8x128xf32, #tpu.memory_space<vmem>>[vector<16xi32>, vector<16xi32>, vector<16xi32>], vector<16xf32>,
      %get3A_2018 = arith.index_cast %min3A_1967 : i32 to index
      %get3A_2019 = arith.constant 16 : index
      %get3A_2020 = tpu.vector_load %arg7[%get3A_2018, %get3A_2019] {strides = array<i32>} : memref<64x64xf32, #tpu.memory_space<vmem>>, vector<16xf32>,
      %select_n3A_2021 = arith.select %ge3A_1961, %get3A_2020, %gather3A_2017 : vector<16xi1>, vector<16xf32>
      %abs3A_2022 = math.absf %select_n3A_2021 : vector<16xf32>
      %neg3A_2023 = arith.constant 0.000000e+00 : f32
      %neg3A_2024 = vector.broadcast %neg3A_2023 : f32 to vector<16xf32>
      %neg3A_2025 = arith.subf %neg3A_2024, %abs3A_2022 : vector<16xf32>
      %exp3A_2026 = math.exp %neg3A_2025 : vector<16xf32>
      %broadcast_in_dim3A_2027 = arith.constant 0.0101189017 : f32
      %broadcast_in_dim3A_2028 = vector.broadcast %broadcast_in_dim3A_2027 : f32 to vector<16xf32>
      %mul3A_2029 = arith.mulf %broadcast_in_dim3A_2028, %exp3A_2026 : vector<16xf32>
      %add3A_2030 = arith.constant -0.0526239537 : f32
      %add3A_2031 = vector.broadcast %add3A_2030 : f32 to vector<16xf32>
      %add3A_2032 = arith.addf %mul3A_2029, %add3A_2031 : vector<16xf32>
      %mul3A_2033 = arith.mulf %add3A_2032, %exp3A_2026 : vector<16xf32>
      %add3A_2034 = arith.constant 0.130763352 : f32
      %add3A_2035 = vector.broadcast %add3A_2034 : f32 to vector<16xf32>
      %add3A_2036 = arith.addf %mul3A_2033, %add3A_2035 : vector<16xf32>
      %mul3A_2037 = arith.mulf %add3A_2036, %exp3A_2026 : vector<16xf32>
      %add3A_2038 = arith.constant -0.222834721 : f32
      %add3A_2039 = vector.broadcast %add3A_2038 : f32 to vector<16xf32>
      %add3A_2040 = arith.addf %mul3A_2037, %add3A_2039 : vector<16xf32>
      %mul3A_2041 = arith.mulf %add3A_2040, %exp3A_2026 : vector<16xf32>
      %add3A_2042 = arith.constant 0.326972365 : f32
      %add3A_2043 = vector.broadcast %add3A_2042 : f32 to vector<16xf32>
      %add3A_2044 = arith.addf %mul3A_2041, %add3A_2043 : vector<16xf32>
      %mul3A_2045 = arith.mulf %add3A_2044, %exp3A_2026 : vector<16xf32>
      %add3A_2046 = arith.constant -0.499206394 : f32
      %add3A_2047 = vector.broadcast %add3A_2046 : f32 to vector<16xf32>
      %add3A_2048 = arith.addf %mul3A_2045, %add3A_2047 : vector<16xf32>
      %mul3A_2049 = arith.mulf %add3A_2048, %exp3A_2026 : vector<16xf32>
      %add3A_2050 = arith.constant 0.999957442 : f32
      %add3A_2051 = vector.broadcast %add3A_2050 : f32 to vector<16xf32>
      %add3A_2052 = arith.addf %mul3A_2049, %add3A_2051 : vector<16xf32>
      %mul3A_2053 = arith.mulf %add3A_2052, %exp3A_2026 : vector<16xf32>
      %add3A_2054 = arith.constant 5.62932996E-7 : f32
      %add3A_2055 = vector.broadcast %add3A_2054 : f32 to vector<16xf32>
      %add3A_2056 = arith.addf %mul3A_2053, %add3A_2055 : vector<16xf32>
      %max3A_2057 = arith.constant 0.000000e+00 : f32
      %max3A_2058 = vector.broadcast %max3A_2057 : f32 to vector<16xf32>
      %max3A_2059 = arith.maximumf %select_n3A_2021, %max3A_2058 : vector<16xf32>
      %add3A_2060 = arith.addf %max3A_2059, %add3A_2056 : vector<16xf32>
      %swap3A_2061 = arith.index_cast %and3A_1969 : i32 to index
      %swap3A_2062 = arith.constant 16 : index
      %swap3A_2063 = tpu.vector_load %arg8[%swap3A_2061, %swap3A_2062] {strides = array<i32>} : memref<128x64xf32, #tpu.memory_space<vmem>>, vector<16xf32>,
      tpu.vector_store %arg8[%swap3A_2061, %swap3A_2062], %add3A_2060 {strides = array<i32>} : memref<128x64xf32, #tpu.memory_space<vmem>>, vector<16xf32>,
      %gather3A_2064 = tpu.vector_load_idx %arg16[%shift_right_arithmetic3A_19, %and3A_42, %min3A_1958] : memref<8x8x128xf32, #tpu.memory_space<vmem>>[vector<16xi32>, vector<16xi32>, vector<16xi32>], vector<16xf32>,
      %get3A_2065 = arith.index_cast %min3A_1967 : i32 to index
      %get3A_2066 = arith.constant 32 : index
      %get3A_2067 = tpu.vector_load %arg7[%get3A_2065, %get3A_2066] {strides = array<i32>} : memref<64x64xf32, #tpu.memory_space<vmem>>, vector<16xf32>,
      %select_n3A_2068 = arith.select %ge3A_1961, %get3A_2067, %gather3A_2064 : vector<16xi1>, vector<16xf32>
      %abs3A_2069 = math.absf %select_n3A_2068 : vector<16xf32>
      %neg3A_2070 = arith.constant 0.000000e+00 : f32
      %neg3A_2071 = vector.broadcast %neg3A_2070 : f32 to vector<16xf32>
      %neg3A_2072 = arith.subf %neg3A_2071, %abs3A_2069 : vector<16xf32>
      %exp3A_2073 = math.exp %neg3A_2072 : vector<16xf32>
      %broadcast_in_dim3A_2074 = arith.constant 0.0101189017 : f32
      %broadcast_in_dim3A_2075 = vector.broadcast %broadcast_in_dim3A_2074 : f32 to vector<16xf32>
      %mul3A_2076 = arith.mulf %broadcast_in_dim3A_2075, %exp3A_2073 : vector<16xf32>
      %add3A_2077 = arith.constant -0.0526239537 : f32
      %add3A_2078 = vector.broadcast %add3A_2077 : f32 to vector<16xf32>
      %add3A_2079 = arith.addf %mul3A_2076, %add3A_2078 : vector<16xf32>
      %mul3A_2080 = arith.mulf %add3A_2079, %exp3A_2073 : vector<16xf32>
      %add3A_2081 = arith.constant 0.130763352 : f32
      %add3A_2082 = vector.broadcast %add3A_2081 : f32 to vector<16xf32>
      %add3A_2083 = arith.addf %mul3A_2080, %add3A_2082 : vector<16xf32>
      %mul3A_2084 = arith.mulf %add3A_2083, %exp3A_2073 : vector<16xf32>
      %add3A_2085 = arith.constant -0.222834721 : f32
      %add3A_2086 = vector.broadcast %add3A_2085 : f32 to vector<16xf32>
      %add3A_2087 = arith.addf %mul3A_2084, %add3A_2086 : vector<16xf32>
      %mul3A_2088 = arith.mulf %add3A_2087, %exp3A_2073 : vector<16xf32>
      %add3A_2089 = arith.constant 0.326972365 : f32
      %add3A_2090 = vector.broadcast %add3A_2089 : f32 to vector<16xf32>
      %add3A_2091 = arith.addf %mul3A_2088, %add3A_2090 : vector<16xf32>
      %mul3A_2092 = arith.mulf %add3A_2091, %exp3A_2073 : vector<16xf32>
      %add3A_2093 = arith.constant -0.499206394 : f32
      %add3A_2094 = vector.broadcast %add3A_2093 : f32 to vector<16xf32>
      %add3A_2095 = arith.addf %mul3A_2092, %add3A_2094 : vector<16xf32>
      %mul3A_2096 = arith.mulf %add3A_2095, %exp3A_2073 : vector<16xf32>
      %add3A_2097 = arith.constant 0.999957442 : f32
      %add3A_2098 = vector.broadcast %add3A_2097 : f32 to vector<16xf32>
      %add3A_2099 = arith.addf %mul3A_2096, %add3A_2098 : vector<16xf32>
      %mul3A_2100 = arith.mulf %add3A_2099, %exp3A_2073 : vector<16xf32>
      %add3A_2101 = arith.constant 5.62932996E-7 : f32
      %add3A_2102 = vector.broadcast %add3A_2101 : f32 to vector<16xf32>
      %add3A_2103 = arith.addf %mul3A_2100, %add3A_2102 : vector<16xf32>
      %max3A_2104 = arith.constant 0.000000e+00 : f32
      %max3A_2105 = vector.broadcast %max3A_2104 : f32 to vector<16xf32>
      %max3A_2106 = arith.maximumf %select_n3A_2068, %max3A_2105 : vector<16xf32>
      %add3A_2107 = arith.addf %max3A_2106, %add3A_2103 : vector<16xf32>
      %swap3A_2108 = arith.index_cast %and3A_1969 : i32 to index
      %swap3A_2109 = arith.constant 32 : index
      %swap3A_2110 = tpu.vector_load %arg8[%swap3A_2108, %swap3A_2109] {strides = array<i32>} : memref<128x64xf32, #tpu.memory_space<vmem>>, vector<16xf32>,
      tpu.vector_store %arg8[%swap3A_2108, %swap3A_2109], %add3A_2107 {strides = array<i32>} : memref<128x64xf32, #tpu.memory_space<vmem>>, vector<16xf32>,
      %gather3A_2111 = tpu.vector_load_idx %arg16[%shift_right_arithmetic3A_25, %and3A_48, %min3A_1958] : memref<8x8x128xf32, #tpu.memory_space<vmem>>[vector<16xi32>, vector<16xi32>, vector<16xi32>], vector<16xf32>,
      %get3A_2112 = arith.index_cast %min3A_1967 : i32 to index
      %get3A_2113 = arith.constant 48 : index
      %get3A_2114 = tpu.vector_load %arg7[%get3A_2112, %get3A_2113] {strides = array<i32>} : memref<64x64xf32, #tpu.memory_space<vmem>>, vector<16xf32>,
      %select_n3A_2115 = arith.select %ge3A_1961, %get3A_2114, %gather3A_2111 : vector<16xi1>, vector<16xf32>
      %abs3A_2116 = math.absf %select_n3A_2115 : vector<16xf32>
      %neg3A_2117 = arith.constant 0.000000e+00 : f32
      %neg3A_2118 = vector.broadcast %neg3A_2117 : f32 to vector<16xf32>
      %neg3A_2119 = arith.subf %neg3A_2118, %abs3A_2116 : vector<16xf32>
      %exp3A_2120 = math.exp %neg3A_2119 : vector<16xf32>
      %broadcast_in_dim3A_2121 = arith.constant 0.0101189017 : f32
      %broadcast_in_dim3A_2122 = vector.broadcast %broadcast_in_dim3A_2121 : f32 to vector<16xf32>
      %mul3A_2123 = arith.mulf %broadcast_in_dim3A_2122, %exp3A_2120 : vector<16xf32>
      %add3A_2124 = arith.constant -0.0526239537 : f32
      %add3A_2125 = vector.broadcast %add3A_2124 : f32 to vector<16xf32>
      %add3A_2126 = arith.addf %mul3A_2123, %add3A_2125 : vector<16xf32>
      %mul3A_2127 = arith.mulf %add3A_2126, %exp3A_2120 : vector<16xf32>
      %add3A_2128 = arith.constant 0.130763352 : f32
      %add3A_2129 = vector.broadcast %add3A_2128 : f32 to vector<16xf32>
      %add3A_2130 = arith.addf %mul3A_2127, %add3A_2129 : vector<16xf32>
      %mul3A_2131 = arith.mulf %add3A_2130, %exp3A_2120 : vector<16xf32>
      %add3A_2132 = arith.constant -0.222834721 : f32
      %add3A_2133 = vector.broadcast %add3A_2132 : f32 to vector<16xf32>
      %add3A_2134 = arith.addf %mul3A_2131, %add3A_2133 : vector<16xf32>
      %mul3A_2135 = arith.mulf %add3A_2134, %exp3A_2120 : vector<16xf32>
      %add3A_2136 = arith.constant 0.326972365 : f32
      %add3A_2137 = vector.broadcast %add3A_2136 : f32 to vector<16xf32>
      %add3A_2138 = arith.addf %mul3A_2135, %add3A_2137 : vector<16xf32>
      %mul3A_2139 = arith.mulf %add3A_2138, %exp3A_2120 : vector<16xf32>
      %add3A_2140 = arith.constant -0.499206394 : f32
      %add3A_2141 = vector.broadcast %add3A_2140 : f32 to vector<16xf32>
      %add3A_2142 = arith.addf %mul3A_2139, %add3A_2141 : vector<16xf32>
      %mul3A_2143 = arith.mulf %add3A_2142, %exp3A_2120 : vector<16xf32>
      %add3A_2144 = arith.constant 0.999957442 : f32
      %add3A_2145 = vector.broadcast %add3A_2144 : f32 to vector<16xf32>
      %add3A_2146 = arith.addf %mul3A_2143, %add3A_2145 : vector<16xf32>
      %mul3A_2147 = arith.mulf %add3A_2146, %exp3A_2120 : vector<16xf32>
      %add3A_2148 = arith.constant 5.62932996E-7 : f32
      %add3A_2149 = vector.broadcast %add3A_2148 : f32 to vector<16xf32>
      %add3A_2150 = arith.addf %mul3A_2147, %add3A_2149 : vector<16xf32>
      %max3A_2151 = arith.constant 0.000000e+00 : f32
      %max3A_2152 = vector.broadcast %max3A_2151 : f32 to vector<16xf32>
      %max3A_2153 = arith.maximumf %select_n3A_2115, %max3A_2152 : vector<16xf32>
      %add3A_2154 = arith.addf %max3A_2153, %add3A_2150 : vector<16xf32>
      %swap3A_2155 = arith.index_cast %and3A_1969 : i32 to index
      %swap3A_2156 = arith.constant 48 : index
      %swap3A_2157 = tpu.vector_load %arg8[%swap3A_2155, %swap3A_2156] {strides = array<i32>} : memref<128x64xf32, #tpu.memory_space<vmem>>, vector<16xf32>,
      tpu.vector_store %arg8[%swap3A_2155, %swap3A_2156], %add3A_2154 {strides = array<i32>} : memref<128x64xf32, #tpu.memory_space<vmem>>, vector<16xf32>,
      %and3A_2158 = arith.constant 15 : i32
      %and3A_2159 = arith.andi %scan3A_54, %and3A_2158 : i32
      %eq3A = arith.constant 15 : i32
      %eq3A_2160 = arith.cmpi eq, %and3A_2159, %eq3A : i32
      %convert_element_type3A = arith.extui %eq3A_2160 : i1 to i32
      %cond3A = arith.constant 0 : i32
      %cond3A_2161 = arith.cmpi ne, %convert_element_type3A, %cond3A : i32
      scf.if %cond3A_2161 {
        %shift_right_arithmetic3A_2162 = arith.constant 4 : i32
        %shift_right_arithmetic3A_2163 = arith.shrsi %scan3A_54, %shift_right_arithmetic3A_2162 : i32
        %mul3A_2164 = arith.constant 128 : i32
        %mul3A_2165 = arith.muli %shift_right_arithmetic3A_2163, %mul3A_2164 : i32
        %add3A_2166 = arith.addi %mul3A_2, %mul3A_2165 : i32
        "tpu.region"() ({
          %run_scoped3A = tpu.sem_alloc : memref<!tpu.dma_semaphore, #tpu.memory_space<semaphore_mem>>
          %dma_start3A_2167 = arith.constant 0 : i32
          %dma_start3A_2168 = tpu.memref_slice %arg5[%add3A_2166, %dma_start3A_2167] : memref<16384x64xf32, #tpu.memory_space<hbm>> -> memref<128x64xf32, #tpu.memory_space<hbm>>
          %dma_start3A_2169 = arith.constant 0 : i32
          %dma_start3A_2170 = tpu.memref_slice %arg5[%add3A_2166, %dma_start3A_2169] : memref<16384x64xf32, #tpu.memory_space<hbm>> -> memref<128x64xf32, #tpu.memory_space<hbm>>
          tpu.enqueue_dma source(%arg8 : memref<128x64xf32, #tpu.memory_space<vmem>>) target(%dma_start3A_2170 : memref<128x64xf32, #tpu.memory_space<hbm>>) target_semaphore(%run_scoped3A : memref<!tpu.dma_semaphore, #tpu.memory_space<semaphore_mem>>)
          %dma_wait3A_2171 = arith.constant 0 : i32
          %dma_wait3A_2172 = tpu.memref_slice %arg5[%add3A_2166, %dma_wait3A_2171] : memref<16384x64xf32, #tpu.memory_space<hbm>> -> memref<128x64xf32, #tpu.memory_space<hbm>>
          %dma_wait3A_2173 = arith.constant 0 : i32
          %dma_wait3A_2174 = tpu.memref_slice %arg5[%add3A_2166, %dma_wait3A_2173] : memref<16384x64xf32, #tpu.memory_space<hbm>> -> memref<128x64xf32, #tpu.memory_space<hbm>>
          tpu.wait_dma2 semaphore(%run_scoped3A : memref<!tpu.dma_semaphore, #tpu.memory_space<semaphore_mem>>) src(%arg8 : memref<128x64xf32, #tpu.memory_space<vmem>>) dst(%dma_wait3A_2174 : memref<128x64xf32, #tpu.memory_space<hbm>>)
          tpu.yield
        }) : () -> ()
      } else {
      }
    }
    %scan3A_53 = arith.constant 64 : i32
    return
  }
}

</mosaic_0001>

<sc_bundles>
// kernel: kernel.3.cloned.1.call-start
scs
__scs_entry_jumppad:
0x0: {  	(pc) =	sbr.rel $0x88, $3  }
0x1: {  	(tag) =	ssettag $0x0;
	lr =	simm.s32 $0x1  }
0x2: {  	[smem:$0x3F9F] =	sst lr;
	_ =	strace $0xD0000000  }
0x3: {  	_ = 	snop  }
0x4: {  	_ = 	snop  }
0x5: {  	_ = 	snop  }
0x6: {  	_ = 	snop  }
0x7: {  	_ = 	snop  }
__scs_overlays_trampoline_lowered:
0x8: {  	[smem:$0x3FAE] =	sst s0  }
0x9: {  	[smem:$0x3FAF] =	sst s1  }
0xa: {  	[smem:$0x3FB0] =	sst s2  }
0xb: {  	[smem:$0x3FB1] =	sst s3  }
0xc: {  	[smem:$0x3FB2] =	sst s4  }
0xd: {  	[smem:$0x3FB3] =	sst s5  }
0xe: {  	[smem:$0x3FB4] =	sst s6  }
0xf: {  	[smem:$0x3FB5] =	sst s7  }
0x10: {  	[smem:$0x3FB6] =	sst s8  }
0x11: {  	[smem:$0x3FB7] =	sst s9;
	s0 =	simm.s32 @!p0 $0x0  }
0x12: {  	s1 =	sld [smem:$0x3F9D];
	s0 =	simm.s32 @p0 $0x1  }
0x13: {  	[smem:$0x3FB8] =	sst s0;
	s0 =	simm.s32 @!p1 $0x0  }
0x14: {  	s2 =	sld [smem:$0x3F9C];
	s0 =	simm.s32 @p1 $0x1  }
0x15: {  	[smem:$0x3FB9] =	sst s0;
	s0 =	simm.s32 @!p2 $0x0  }
0x16: {  	s3 =	sld [smem:$0x3FDB];
	s0 =	simm.s32 @p2 $0x1  }
0x17: {  	s4 =	simm.s32 $0x1BF5;
	[smem:$0x3FBB] =	sst s0  }
0x18: {  	s0 =	sld [smem:$0x3F9E];
	_ =	swait.ge [sflag:s4], $0x0  }
0x19: {  	s7 =	sld [smem:$0x3F9F]  }
0x1a: {  	s8 =	sadd.s32 $0xFFFFE003, lr  }
0x1b: {  	s9 =	sadd.s32 $0xFFFFFEF7, lr;
	s5 =	simm.s32 $0xFFFFFFFF;
	p2 =	slt.u32 s8, $0xFFFFF086  }
0x1c: {  	p1 =	slt.u32 s9, $0xF7A;
	s5 =	simm.s32 @!p2 $0x0  }
0x1d: {  	s5 =	simm.s32 @p1 $0x1;
	p0 =	seq.s32 s7, s2  }
0x1e: {  	s7 =	smul.u32 @!p0 $0xF7A, s2;
	p2 =	seq.s32 @!p0 s5, $0x0  }
0x1f: {  	s9 =	smul.u32 $0xF7A, s1;
	s8 =	simm.s32 @!p0 $0x1BF5;
	p2 =	por !p2, p0  }
0x20: {  	[sflag:s8] =	ssyncset.s32 @!p0 $0xFFFFF086;
	s6 =	sadd.s32 @!p0 s3, s7;
	s7 =	simm.s32 @!p0 $0x108  }
0x21: {  	s3 =	sadd.s32 s3, s9;
	s6 =	sadd.s32 @!p0 $0x88, s6;
	s7 =	simm.s32 @p2 $0x1082  }
0x22: {  	[simem:s7], [sflag:s8] =	dma.local @!p0 [hbm:s6], $0xF7A  }
0x23: {  	s9 =	sor.u32 $0xD0000000, s2;
	s6 =	simm.s32 $0x108;
	_ =	swait.ge @!p0 [sflag:s8], $0x0  }
0x24: {  	s3 =	sadd.s32 $0x88, s3;
	s6 =	simm.s32 @!p1 $0x1082;
	[sflag:s4] =	ssyncset.s32 $0xFFFFF086  }
0x25: {  	[simem:s6], [sflag:s4] =	dma.local [hbm:s3], $0xF7A  }
0x26: {  	[smem:$0x3F9F] =	sst s1;
	(tag) =	ssettag s2;
	_ =	strace s9  }
0x27: {  	s1 =	sld [smem:$0x3FAF]  }
0x28: {  	s2 =	sld [smem:$0x3FB0]  }
0x29: {  	s4 =	sld [smem:$0x3FB2]  }
0x2a: {  	p0 =	seq.s32 s5, $0x0;
	s5 =	sld [smem:$0x3FB3]  }
0x2b: {  	s6 =	sld [smem:$0x3FB4]  }
0x2c: {  	s7 =	sld [smem:$0x3FB5]  }
0x2d: {  	s3 =	simm.s32 $0x108;
	s8 =	sld [smem:$0x3FB6]  }
0x2e: {  	s3 =	simm.s32 @!p0 $0x1082;
	s9 =	sld [smem:$0x3FB7]  }
0x2f: {  	lr =	sadd.s32 s0, s3;
	s0 =	sld [smem:$0x3FAE]  }
0x30: {  	s3 =	sld [smem:$0x3FB1]  }
0x31: {  	[smem:$0x3FBA] =	sst s10  }
0x32: {  	s10 =	sld [smem:$0x3FB8];
	_ =	sdelay $0x3  }
0x33: {  	p0 =	seq.s32 s10, $0x1;
	s10 =	sld [smem:$0x3FBA];
	_ =	sdelay $0x3  }
0x34: {  	[smem:$0x3FBA] =	sst s10  }
0x35: {  	s10 =	sld [smem:$0x3FB9];
	_ =	sdelay $0x3  }
0x36: {  	p1 =	seq.s32 s10, $0x1;
	s10 =	sld [smem:$0x3FBA];
	_ =	sdelay $0x3  }
0x37: {  	[smem:$0x3FBA] =	sst s10  }
0x38: {  	s10 =	sld [smem:$0x3FBB]  }
0x39: {  	_ = 	snop;
	(pc) =	sbr.ind lr, $3  }
0x3a: {  	_ = 	snop  }
0x3b: {  	_ = 	snop  }
0x3c: {  	p2 =	seq.s32 s10, $0x1;
	s10 =	sld [smem:$0x3FBA]  }
0x3d: {  	_ =	shalt  }
0x3e: {  	_ =	shalt  }
0x3f: {  	_ =	shalt  }
0x40: {  	_ =	shalt  }
0x41: {  	_ =	shalt  }
0x42: {  	_ =	shalt  }
0x43: {  	_ =	shalt  }
0x44: {  	_ =	shalt  }
0x45: {  	_ =	shalt  }
0x46: {  	_ =	shalt  }
0x47: {  	_ =	shalt  }
0x48: {  	_ =	shalt  }
0x49: {  	_ =	shalt  }
0x4a: {  	_ =	shalt  }
0x4b: {  	_ =	shalt  }
0x4c: {  	_ =	shalt  }
0x4d: {  	_ =	shalt  }
0x4e: {  	_ =	shalt  }
0x4f: {  	_ =	shalt  }
0x50: {  	_ =	shalt  }
0x51: {  	_ =	shalt  }
0x52: {  	_ =	shalt  }
0x53: {  	_ =	shalt  }
0x54: {  	_ =	shalt  }
0x55: {  	_ =	shalt  }
0x56: {  	_ =	shalt  }
0x57: {  	_ =	shalt  }
0x58: {  	_ =	shalt  }
0x59: {  	_ =	shalt  }
0x5a: {  	_ =	shalt  }
0x5b: {  	_ =	shalt  }
0x5c: {  	_ =	shalt  }
0x5d: {  	_ =	shalt  }
0x5e: {  	_ =	shalt  }
0x5f: {  	_ =	shalt  }
0x60: {  	_ =	shalt  }
0x61: {  	_ =	shalt  }
0x62: {  	_ =	shalt  }
0x63: {  	_ =	shalt  }
0x64: {  	_ =	shalt  }
0x65: {  	_ =	shalt  }
0x66: {  	_ =	shalt  }
0x67: {  	_ =	shalt  }
0x68: {  	_ =	shalt  }
0x69: {  	_ =	shalt  }
0x6a: {  	_ =	shalt  }
0x6b: {  	_ =	shalt  }
0x6c: {  	_ =	shalt  }
0x6d: {  	_ =	shalt  }
0x6e: {  	_ =	shalt  }
0x6f: {  	_ =	shalt  }
0x70: {  	_ =	shalt  }
0x71: {  	_ =	shalt  }
0x72: {  	_ =	shalt  }
0x73: {  	_ =	shalt  }
0x74: {  	_ =	shalt  }
0x75: {  	_ =	shalt  }
0x76: {  	_ =	shalt  }
0x77: {  	_ =	shalt  }
0x78: {  	_ =	shalt  }
0x79: {  	_ =	shalt  }
0x7a: {  	_ =	shalt  }
0x7b: {  	_ =	shalt  }
0x7c: {  	_ =	shalt  }
0x7d: {  	_ =	shalt  }
0x7e: {  	_ =	shalt  }
0x7f: {  	_ =	shalt  }
0x80: {  	_ =	shalt  }
0x81: {  	_ =	shalt  }
0x82: {  	_ =	shalt  }
0x83: {  	_ =	shalt  }
0x84: {  	_ =	shalt  }
0x85: {  	_ =	shalt  }
0x86: {  	_ =	shalt  }
0x87: {  	_ =	shalt  }
.Lfunc_end0:
.L_simem_size_0:
called_computation_lowered:
.L_overlay_start_0:
0x88: {  	s2 =	sld [smem:$0x3FD9]  }
0x89: {  	s3 =	sld [smem:$0x3FFE];
	_ =	sdelay $0x1  }
0x8a: {  	s1 =	srdreg.scid  }
0x8b: {  	s0 =	sand.u32 $0x1, s1  }
0x8c: {  	s17 =	sshll.u32 s0, $0xA;
	s2 =	sadd.s32 s3, s2  }
0x8d: {  	s2 =	sadd.s32 s2, s17  }
0x8e: {  	[smem:$0x3FC6] =	sst s2  }
0x8f: {  	_ = 	snop  }
0x90: {  	s2 =	sld [smem:$0x3FC9]  }
0x91: {  	s18 =	sld [smem:$0x3FC8]  }
0x92: {  	s4 =	sld [smem:$0x3FD0];
	(tm) =	ssettm $0x1  }
0x93: {  	s5 =	sld [smem:$0x3FFB];
	_ =	sdelay $0x3  }
0x94: {  	_ =	strace s5  }
0x95: {  	s5 =	sld [smem:$0x3FFC];
	_ =	sdelay $0x3  }
0x96: {  	_ =	strace s5  }
0x97: {  	s5 =	sld [smem:$0x3FFD];
	_ =	sdelay $0x3  }
0x98: {  	_ =	strace s5  }
0x99: {  	_ =	strace $0x8FFFFFFF  }
0x9a: {  	s19 =	sld [smem:$0x3FDB];
	_ =	sdelay $0x1  }
0x9b: {  	s6 =	simm.s32 $_scs_section_size  }
0x9c: {  	s7 =	simm.s32 $_size__tile_overlayer_lowered;
	s8 =	simm.s32 $_tile_overlayer_lowered  }
0x9d: {  	s22 =	simm.s32 $0x1BFF;
	s21 =	sshll.u32 s8, $0x1;
	s5 =	sadd.s32 s6, s19  }
0x9e: {  	s9 =	simm.s32 $0x0;
	s20 =	sshll.u32 s7, $0x1;
	s7 =	sadd.s32 s21, s5  }
0x9f: {  	[timem:s9], [sflag:s22] =	dma.local [hbm:s7], s20  }
0xa0: {  	_ =	swait.ge [sflag:s22], s20  }
0xa1: {  	s6 =	ssub.s32 $0x0, s20;
	[sflag:s22] =	ssyncset.done $0x0  }
0xa2: {  	[sflag:s22] =	ssyncadd.s32 s6;
	_ =	sdelay $0x1  }
0xa3: {  	s23 =	simm.s32 $0x1B8B  }
0xa4: {  	_ =	swait.ge [sflag:s23], $0x1  }
0xa5: {  	[sflag:s23] =	ssyncset.done $0x0  }
0xa6: {  	s25 =	simm.s32 $0x1B8E;
	s24 =	sld [smem:$0x3FFE];
	[sflag:s23] =	ssyncadd.s32 $0xFFFFFFFF  }
0xa7: {  	s26 =	simm.s32 $execute0_lowered;
	[smem:$0x3FD2] =	sst s25  }
0xa8: {  	s7 =	sshll.u32 s26, $0x1;
	_ =	strace $0x80000046;
	[dreg:$0x1] =	wrdreg $0xFFFFFFFF  }
0xa9: {  	s28 =	simm.s32 $_size_execute0_lowered;
	s5 =	sadd.s32 s5, s7;
	[dreg:$0x0] =	wrdreg $0x0  }
0xaa: {  	s7 =	sshll.u32 s28, $0x1;
	[dreg:$0x2] =	wrdreg s5  }
0xab: {  	[dreg:$0x3] =	wrdreg s7  }
0xac: {  	[dreg:$0x4] =	wrdreg $0xC0  }
0xad: {  	_ =	task [dreg:s9], $0x5FFFF  }
0xae: {  	[dreg:$0x1] =	wrdreg $0xFFFFFFFF  }
0xaf: {  	[dreg:$0x0] =	wrdreg $0x60  }
0xb0: {  	[dreg:$0x2] =	wrdreg s2  }
0xb1: {  	[dreg:$0x3] =	wrdreg s18  }
0xb2: {  	[dreg:$0x4] =	wrdreg s4  }
0xb3: {  	[dreg:$0x5] =	wrdreg s24  }
0xb4: {  	[dreg:$0x6] =	wrdreg $0x9  }
0xb5: {  	_ =	task.clear_ibuf [dreg:s9], $0x7FFFF;
	_ =	strace $0x90000046  }
0xb6: {  	s29 =	simm.s32 $0x9;
	_ =	strace $0x80000048  }
0xb7: {  	_ =	swait.ge [sflag:s29], $0x1  }
0xb8: {  	[sflag:s29] =	ssyncadd.s32 $0xFFFFFFFF  }
0xb9: {  	_ =	strace $0x90000048  }
0xba: {  	_ =	sfence  }
0xbb: {  	s30 =	sld [smem:$0x0];
	_ =	sdelay $0x2  }
0xbc: {  	s31 =	sshll.u32 s1, $0xD;
	s1 =	sshrl.u32 s1, $0x2  }
0xbd: {  	s3 =	sand.u32 $0x4000, s31;
	s1 =	sadd.s32 s1, s30  }
0xbe: {  	s0 =	sor.u32 s3, s0;
	s1 =	sshll.u32 s1, $0x11  }
0xbf: {  	s0 =	sor.u32 s1, s0  }
0xc0: {  	s0 =	sadd.s32 $0x8F2B, s0  }
0xc1: {  	[sflag:s0] =	ssyncadd.remote.s32 $0x1  }
0xc2: {  	_ =	sfence.sel $0xFFFF  }
0xc3: {  	[dreg:$0x0] =	wrdreg $0xFFFFFFFF;
	(pc) =	sbr.abs _section_cstart, $3  }
0xc4: {  	[dreg:$0x1] =	wrdreg $0xFFFFFFFF  }
0xc5: {  	_ =	task.clear_ibuf [dreg:s9], $0x2FFFF;
	_ =	strace $0x9FFFFFFF  }
0xc6: {  	(tm) =	ssettm $0x7FFFFFFF  }
0xc7: {  	_ =	shalt  }
tec
execute0_lowered:
.L_overlay_start_1:
0x0: {  	(tag) =	ssettag $0x1  }
0x1: {  	s0 =	rddreg [dreg:$0x0]  }
0x2: {  	s1 =	rddreg [dreg:$0x1]  }
0x3: {  	s2 =	rddreg [dreg:$0x3];
	s4 =	simm.s32 $0x0  }
0x4: {  	s3 =	srdreg.scid;
	s5 =	stileid.u32;
	s8 =	simm.s32 $0x9  }
0x5: {  	s10 =	simm.s32 $0x400;
	s11 =	simm.s32 $0x7A1400;
	s12 =	simm.s32 $0x6200  }
0x6: {  	s13 =	simm.s32 $0x8200;
	s14 =	simm.s32 $0xA200;
	s15 =	simm.s32 $0xC200  }
0x7: {  	s16 =	simm.s32 $0xE200;
	s17 =	simm.s32 $0x10200;
	s18 =	simm.s32 $0x12200  }
0x8: {  	s19 =	simm.s32 $0x14200;
	s20 =	simm.s32 $0x1;
	s21 =	simm.s32 $0x2  }
0x9: {  	s22 =	simm.s32 $0x3;
	s23 =	simm.s32 $0x4;
	s24 =	simm.s32 $0x5  }
0xa: {  	s25 =	simm.s32 $0x6;
	s26 =	simm.s32 $0x7;
	s28 =	simm.s32 $0x8  }
0xb: {  	s29 =	simm.s32 $0x0;
	[smem:$0x7FF] =	sst s4;
	s3 =	sand.u32 $0x1, s3  }
0xc: {  	v0 =	vlaneseq.u32;
	s5 =	sshll.u32 s5, $0xA;
	s6 =	ssub.s32 $0x2, s3;
	s3 =	sshll.u32 s3, $0x9  }
0xd: {  	s2 =	sadd.s32 $0x400, s2;
	v0 =	vmul.u32 $0x80, v0;
	s7 =	sshrl.u32 s6, $0x1;
	s5 =	sor.u32 s3, s5  }
0xe: {  	_ =	strace $0x80000047;
	s30 =	ssub.s32 s6, s7;
	s31 =	sshrl.u32 s5, $0x3  }
0xf: {  	[dreg:$0x5] =	wrdreg s2;
	v1 =	vor.u32 $0x800, v0;
	v2 =	vor.u32 $0x1000, v0;
	v3 =	vor.u32 $0x1800, v0;
	s6 =	sadd.s32 s0, s31;
	s7 =	smax.u32 s30, $0x1  }
.LBB2_1:
0x10: {  	[tilespmem:s4], [sflag:$0x9] =	stream.linear.gather [hbm4b:s6+s4], $0x200, $0x38;
	[tilespmem:$0x16200] =	vst v63  }
0x11: {  	_ =	swait.ge [sflag:s8], $0x200  }
0x12: {  	[sflag:s8] =	ssyncset.done $0x0  }
0x13: {  	[sflag:s8] =	ssyncadd.s32 $0xFFFFFE00  }
0x14: {  	s2 =	simm.s32 $0x200;
	s0 =	rddreg [dreg:$0x2]  }
0x15: {  	[tilespmem:s2], [sflag:$0x9] =	stream.linear.gather [hbm4b:s0+s4], $0x2000, $0x38;
	[tilespmem:$0x16200] =	vst v63  }
0x16: {  	_ =	swait.ge [sflag:s8], $0x2000  }
0x17: {  	s30 =	simm.s32 $0x0;
	[sflag:s8] =	ssyncset.done $0x0  }
0x18: {  	s31 =	simm.s32 $0x0;
	s0 =	simm.s32 $0x0;
	[sflag:s8] =	ssyncadd.s32 $0xFFFFE000  }
.LBB2_2:
0x19: {  	v4 =	vmov s30  }
0x1a: {  	v4 =	vand.u32 $0xFFFFFFF8, v4  }
0x1b: {  	v11 =	vbroadcast v4, $0x0;
	_ =	sdelay $0x5  }
0x1c: {  	v4 =	vld.idx.msk [tilespmem:v11+s4+$0x0], $0xffff;
	_ =	sdelay $0x4  }
0x1d: {  	v4 =	vxor.u32 $0x80000000, v4  }
0x1e: {  	(xrf0) =	vmax.scan.msk.u32 $0xffff, v4;
	_ =	sdelay $0x5  }
0x1f: {  	v4, _, _ =	vpop (xrf0)  }
0x20: {  	(v2sf) =	vpush v4, $0xF;
	_ =	sdelay $0xe  }
0x21: {  	s3 =	sadd.s32 $0x1, s30;
	s2 =	spop (v2sf)  }
0x22: {  	v4 =	vmov s3;
	s2 =	sshra.s32 s2, $0x7  }
0x23: {  	v4 =	vand.u32 $0xFFFFFFF9, v4;
	s2 =	sxor.u32 $0xFF000000, s2  }
0x24: {  	v10 =	vbroadcast v4, $0x0;
	p0 =	slt.s32 s2, $0x1E83  }
0x25: {  	s2 =	simm.s32 @!p0 $0x1E83  }
0x26: {  	s2 =	sshll.u32 s2, $0x7  }
0x27: {  	s2 =	sand.u32 $0x1FFFFF80, s2  }
0x28: {  	s2 =	sadd.s32 s1, s2  }
0x29: {  	[tilespmem:s12], [sflag:$0x1] =	stream.strided.gather [hbm4b:s2+s10], $0x2000, s11, s10, $0x38;
	[tilespmem:$0x16200] =	vst v63  }
0x2a: {  	v4 =	vld.idx.msk [tilespmem:v10+s4+$0x0], $0xffff;
	_ =	sdelay $0x4  }
0x2b: {  	v4 =	vxor.u32 $0x80000000, v4  }
0x2c: {  	(xrf0) =	vmax.scan.msk.u32 $0xffff, v4;
	_ =	sdelay $0x5  }
0x2d: {  	v4, _, _ =	vpop (xrf0)  }
0x2e: {  	(v2sf) =	vpush v4, $0xF;
	_ =	sdelay $0xe  }
0x2f: {  	s9 =	sadd.s32 $0x2, s30;
	s3 =	spop (v2sf)  }
0x30: {  	v4 =	vmov s9;
	s2 =	sshra.s32 s3, $0x7  }
0x31: {  	v4 =	vand.u32 $0xFFFFFFFA, v4;
	s2 =	sxor.u32 $0xFF000000, s2  }
0x32: {  	v9 =	vbroadcast v4, $0x0;
	p0 =	slt.s32 s2, $0x1E83  }
0x33: {  	s2 =	simm.s32 @!p0 $0x1E83  }
0x34: {  	s2 =	sshll.u32 s2, $0x7  }
0x35: {  	s2 =	sand.u32 $0x1FFFFF80, s2  }
0x36: {  	s2 =	sadd.s32 s1, s2  }
0x37: {  	[tilespmem:s13], [sflag:$0x2] =	stream.strided.gather [hbm4b:s2+s10], $0x2000, s11, s10, $0x38;
	[tilespmem:$0x16200] =	vst v63  }
0x38: {  	v4 =	vld.idx.msk [tilespmem:v9+s4+$0x0], $0xffff;
	_ =	sdelay $0x4  }
0x39: {  	v4 =	vxor.u32 $0x80000000, v4  }
0x3a: {  	(xrf0) =	vmax.scan.msk.u32 $0xffff, v4;
	_ =	sdelay $0x5  }
0x3b: {  	v4, _, _ =	vpop (xrf0)  }
0x3c: {  	(v2sf) =	vpush v4, $0xF;
	_ =	sdelay $0xe  }
0x3d: {  	s9 =	sadd.s32 $0x3, s30;
	s3 =	spop (v2sf)  }
0x3e: {  	v4 =	vmov s9;
	s2 =	sshra.s32 s3, $0x7  }
0x3f: {  	v4 =	vand.u32 $0xFFFFFFFB, v4;
	s2 =	sxor.u32 $0xFF000000, s2  }
0x40: {  	v8 =	vbroadcast v4, $0x0;
	p0 =	slt.s32 s2, $0x1E83  }
0x41: {  	s2 =	simm.s32 @!p0 $0x1E83  }
0x42: {  	s2 =	sshll.u32 s2, $0x7  }
0x43: {  	s2 =	sand.u32 $0x1FFFFF80, s2  }
0x44: {  	s2 =	sadd.s32 s1, s2  }
0x45: {  	[tilespmem:s14], [sflag:$0x3] =	stream.strided.gather [hbm4b:s2+s10], $0x2000, s11, s10, $0x38;
	[tilespmem:$0x16200] =	vst v63  }
0x46: {  	v4 =	vld.idx.msk [tilespmem:v8+s4+$0x0], $0xffff;
	_ =	sdelay $0x4  }
0x47: {  	v4 =	vxor.u32 $0x80000000, v4  }
0x48: {  	(xrf0) =	vmax.scan.msk.u32 $0xffff, v4;
	_ =	sdelay $0x5  }
0x49: {  	v4, _, _ =	vpop (xrf0)  }
0x4a: {  	(v2sf) =	vpush v4, $0xF;
	_ =	sdelay $0xe  }
0x4b: {  	s9 =	sadd.s32 $0x4, s30;
	s3 =	spop (v2sf)  }
0x4c: {  	v4 =	vmov s9;
	s2 =	sshra.s32 s3, $0x7  }
0x4d: {  	v4 =	vand.u32 $0xFFFFFFFC, v4;
	s2 =	sxor.u32 $0xFF000000, s2  }
0x4e: {  	v7 =	vbroadcast v4, $0x0;
	p0 =	slt.s32 s2, $0x1E83  }
0x4f: {  	s2 =	simm.s32 @!p0 $0x1E83  }
0x50: {  	s2 =	sshll.u32 s2, $0x7  }
0x51: {  	s2 =	sand.u32 $0x1FFFFF80, s2  }
0x52: {  	s2 =	sadd.s32 s1, s2  }
0x53: {  	[tilespmem:s15], [sflag:$0x4] =	stream.strided.gather [hbm4b:s2+s10], $0x2000, s11, s10, $0x38;
	[tilespmem:$0x16200] =	vst v63  }
0x54: {  	v4 =	vld.idx.msk [tilespmem:v7+s4+$0x0], $0xffff;
	_ =	sdelay $0x4  }
0x55: {  	v4 =	vxor.u32 $0x80000000, v4  }
0x56: {  	(xrf0) =	vmax.scan.msk.u32 $0xffff, v4;
	_ =	sdelay $0x5  }
0x57: {  	v4, _, _ =	vpop (xrf0)  }
0x58: {  	(v2sf) =	vpush v4, $0xF;
	_ =	sdelay $0xe  }
0x59: {  	s9 =	sadd.s32 $0x5, s30;
	s3 =	spop (v2sf)  }
0x5a: {  	v4 =	vmov s9;
	s2 =	sshra.s32 s3, $0x7  }
0x5b: {  	v4 =	vand.u32 $0xFFFFFFFD, v4;
	s2 =	sxor.u32 $0xFF000000, s2  }
0x5c: {  	v6 =	vbroadcast v4, $0x0;
	p0 =	slt.s32 s2, $0x1E83  }
0x5d: {  	s2 =	simm.s32 @!p0 $0x1E83  }
0x5e: {  	s2 =	sshll.u32 s2, $0x7  }
0x5f: {  	s2 =	sand.u32 $0x1FFFFF80, s2  }
0x60: {  	s2 =	sadd.s32 s1, s2  }
0x61: {  	[tilespmem:s16], [sflag:$0x5] =	stream.strided.gather [hbm4b:s2+s10], $0x2000, s11, s10, $0x38;
	[tilespmem:$0x16200] =	vst v63  }
0x62: {  	v4 =	vld.idx.msk [tilespmem:v6+s4+$0x0], $0xffff;
	_ =	sdelay $0x4  }
0x63: {  	v4 =	vxor.u32 $0x80000000, v4  }
0x64: {  	(xrf0) =	vmax.scan.msk.u32 $0xffff, v4;
	_ =	sdelay $0x5  }
0x65: {  	v4, _, _ =	vpop (xrf0)  }
0x66: {  	(v2sf) =	vpush v4, $0xF;
	_ =	sdelay $0xe  }
0x67: {  	s9 =	sadd.s32 $0x6, s30;
	s3 =	spop (v2sf)  }
0x68: {  	v4 =	vmov s9;
	s2 =	sshra.s32 s3, $0x7  }
0x69: {  	v4 =	vand.u32 $0xFFFFFFFE, v4;
	s2 =	sxor.u32 $0xFF000000, s2  }
0x6a: {  	v5 =	vbroadcast v4, $0x0;
	p0 =	slt.s32 s2, $0x1E83  }
0x6b: {  	s2 =	simm.s32 @!p0 $0x1E83  }
0x6c: {  	s2 =	sshll.u32 s2, $0x7  }
0x6d: {  	s2 =	sand.u32 $0x1FFFFF80, s2  }
0x6e: {  	s2 =	sadd.s32 s1, s2  }
0x6f: {  	[tilespmem:s17], [sflag:$0x6] =	stream.strided.gather [hbm4b:s2+s10], $0x2000, s11, s10, $0x38;
	[tilespmem:$0x16200] =	vst v63  }
0x70: {  	v4 =	vld.idx.msk [tilespmem:v5+s4+$0x0], $0xffff;
	_ =	sdelay $0x4  }
0x71: {  	v4 =	vxor.u32 $0x80000000, v4  }
0x72: {  	(xrf0) =	vmax.scan.msk.u32 $0xffff, v4;
	_ =	sdelay $0x5  }
0x73: {  	v4, _, _ =	vpop (xrf0)  }
0x74: {  	(v2sf) =	vpush v4, $0xF;
	_ =	sdelay $0xe  }
0x75: {  	s3 =	spop (v2sf)  }
0x76: {  	s2 =	sshra.s32 s3, $0x7  }
0x77: {  	s2 =	sxor.u32 $0xFF000000, s2  }
0x78: {  	s9 =	sadd.s32 $0x7, s30;
	p0 =	slt.s32 s2, $0x1E83  }
0x79: {  	v4 =	vmov s9;
	s2 =	simm.s32 @!p0 $0x1E83  }
0x7a: {  	s2 =	sshll.u32 s2, $0x7  }
0x7b: {  	s2 =	sand.u32 $0x1FFFFF80, s2  }
0x7c: {  	s2 =	sadd.s32 s1, s2  }
0x7d: {  	[tilespmem:s18], [sflag:$0x7] =	stream.strided.gather [hbm4b:s2+s10], $0x2000, s11, s10, $0x38;
	[tilespmem:$0x16200] =	vst v63  }
0x7e: {  	v12 =	vld.idx.msk [tilespmem:v4+s4+$0x0], $0xffff;
	_ =	sdelay $0x4  }
0x7f: {  	v12 =	vxor.u32 $0x80000000, v12  }
0x80: {  	(xrf0) =	vmax.scan.msk.u32 $0xffff, v12;
	_ =	sdelay $0x5  }
0x81: {  	v12, _, _ =	vpop (xrf0)  }
0x82: {  	(v2sf) =	vpush v12, $0xF;
	_ =	sdelay $0xe  }
0x83: {  	s3 =	spop (v2sf)  }
0x84: {  	s2 =	sshra.s32 s3, $0x7  }
0x85: {  	s2 =	sxor.u32 $0xFF000000, s2  }
0x86: {  	p0 =	slt.s32 s2, $0x1E83  }
0x87: {  	s2 =	simm.s32 @!p0 $0x1E83  }
0x88: {  	s2 =	sshll.u32 s2, $0x7  }
0x89: {  	s2 =	sand.u32 $0x1FFFFF80, s2  }
0x8a: {  	s2 =	sadd.s32 s1, s2  }
0x8b: {  	[tilespmem:s19], [sflag:$0x8] =	stream.strided.gather [hbm4b:s2+s10], $0x2000, s11, s10, $0x38;
	[tilespmem:$0x16200] =	vst v63  }
0x8c: {  	_ =	swait.ge [sflag:s20], $0x2000  }
0x8d: {  	[sflag:s20] =	ssyncset.done $0x0  }
0x8e: {  	[sflag:s20] =	ssyncadd.s32 $0xFFFFE000  }
0x8f: {  	v11 =	vld.idx.msk [tilespmem:v11+s4+$0x0], $0xffff;
	_ =	sdelay $0x4  }
0x90: {  	v17 =	vxor.u32 $0x80000000, v11  }
0x91: {  	(xrf0) =	vmax.scan.msk.u32 $0xffff, v17;
	_ =	sdelay $0x5  }
0x92: {  	v12, _, _ =	vpop (xrf0)  }
0x93: {  	(v2sf) =	vpush v12, $0xF;
	_ =	sdelay $0xe  }
0x94: {  	s2 =	spop (v2sf)  }
0x95: {  	s9 =	sshra.s32 s2, $0x7  }
0x96: {  	s3 =	sxor.u32 $0xFF000000, s9  }
0x97: {  	p0 =	slt.s32 s3, $0x1E83  }
0x98: {  	s3 =	simm.s32 @!p0 $0x1E83  }
0x99: {  	s3 =	sshll.u32 s3, $0x7  }
0x9a: {  	v18 =	vmov s3  }
0x9b: {  	v12 =	vsub.s32 v11, v18  }
0x9c: {  	vm0 =	vlt.s32 v12, $0x7F  }
0x9d: {  	s2 =	sadd.s32 $0x7FF0BE00, s2;
	v12 =	vnsel vm0, $0x7F, v12  }
0x9e: {  	p0 =	sgt.s32 s2, $0x0;
	v13 =	vadd.s32 v0, v12  }
0x9f: {  	s2 =	simm.s32 @!p0 $0x0  }
0xa0: {  	s2 =	smin.u32 s2, $0x3F  }
0xa1: {  	s2 =	sshll.u32 s2, $0x7  }
0xa2: {  	v14 =	vld [tilespmem:s2+$0x200]  }
0xa3: {  	v13 =	vld.idx.msk [tilespmem:v13+s12+$0x0], $0xffff;
	_ =	sdelay $0x3  }
0xa4: {  	vm13 =	vgt.s32 v11, $0xF41FF  }
0xa5: {  	v11 =	vsel vm13, v14, v13  }
0xa6: {  	v13 =	vand.u32 $0x7FFFFFFF, v11  }
0xa7: {  	v13 =	vsub.f32 $0.0e+00, v13;
	_ =	sdelay $0x1  }
0xa8: {  	v13 =	vmul.f32 $1.442695020e+00, v13;
	_ =	sdelay $0x1  }
0xa9: {  	(erf) = vpow2.f32 v13;
	_ =	sdelay $0x8  }
0xaa: {  	v13 =	vpop (erf)  }
0xab: {  	v19 =	vmul.f32 $1.011890170e-02, v13;
	_ =	sdelay $0x1  }
0xac: {  	v14 =	vadd.f32 $-5.262395370e-02, v19;
	_ =	sdelay $0x1  }
0xad: {  	v14 =	vmul.f32 v14, v13;
	_ =	sdelay $0x1  }
0xae: {  	v14 =	vadd.f32 $1.307633520e-01, v14;
	_ =	sdelay $0x1  }
0xaf: {  	v14 =	vmul.f32 v14, v13;
	_ =	sdelay $0x1  }
0xb0: {  	v14 =	vadd.f32 $-2.228347210e-01, v14;
	_ =	sdelay $0x1  }
0xb1: {  	v14 =	vmul.f32 v14, v13;
	_ =	sdelay $0x1  }
0xb2: {  	v14 =	vadd.f32 $3.269723650e-01, v14;
	_ =	sdelay $0x1  }
0xb3: {  	v14 =	vmul.f32 v14, v13;
	_ =	sdelay $0x1  }
0xb4: {  	v14 =	vadd.f32 $-4.992063940e-01, v14;
	_ =	sdelay $0x1  }
0xb5: {  	v14 =	vmul.f32 v14, v13;
	_ =	sdelay $0x1  }
0xb6: {  	v14 =	vadd.f32 $9.999574420e-01, v14;
	_ =	sdelay $0x1  }
0xb7: {  	v13 =	vmul.f32 v14, v13;
	_ =	sdelay $0x1  }
0xb8: {  	v20 =	vadd.s32 v1, v12;
	v13 =	vadd.f32 $5.629329960e-07, v13  }
0xb9: {  	v11 =	vmax.f32 v11, $0.0e+00  }
0xba: {  	v11 =	vadd.f32 v13, v11  }
0xbb: {  	s9 =	sand.u32 $0x3C00, s31  }
0xbc: {  	[tilespmem:s9+$0x2200] =	vst v11  }
0xbd: {  	v11 =	vld.idx.msk [tilespmem:v20+s12+$0x0], $0xffff  }
0xbe: {  	v21 =	vld [tilespmem:s2+$0x210];
	_ =	sdelay $0x4  }
0xbf: {  	v11 =	vsel vm13, v21, v11  }
0xc0: {  	v13 =	vand.u32 $0x7FFFFFFF, v11  }
0xc1: {  	v13 =	vsub.f32 $0.0e+00, v13;
	_ =	sdelay $0x1  }
0xc2: {  	v13 =	vmul.f32 $1.442695020e+00, v13;
	_ =	sdelay $0x1  }
0xc3: {  	(erf) = vpow2.f32 v13;
	_ =	sdelay $0x8  }
0xc4: {  	v13 =	vpop (erf)  }
0xc5: {  	v22 =	vmul.f32 $1.011890170e-02, v13;
	_ =	sdelay $0x1  }
0xc6: {  	v14 =	vadd.f32 $-5.262395370e-02, v22;
	_ =	sdelay $0x1  }
0xc7: {  	v14 =	vmul.f32 v14, v13;
	_ =	sdelay $0x1  }
0xc8: {  	v14 =	vadd.f32 $1.307633520e-01, v14;
	_ =	sdelay $0x1  }
0xc9: {  	v14 =	vmul.f32 v14, v13;
	_ =	sdelay $0x1  }
0xca: {  	v14 =	vadd.f32 $-2.228347210e-01, v14;
	_ =	sdelay $0x1  }
0xcb: {  	v14 =	vmul.f32 v14, v13;
	_ =	sdelay $0x1  }
0xcc: {  	v14 =	vadd.f32 $3.269723650e-01, v14;
	_ =	sdelay $0x1  }
0xcd: {  	v14 =	vmul.f32 v14, v13;
	_ =	sdelay $0x1  }
0xce: {  	v14 =	vadd.f32 $-4.992063940e-01, v14;
	_ =	sdelay $0x1  }
0xcf: {  	v14 =	vmul.f32 v14, v13;
	_ =	sdelay $0x1  }
0xd0: {  	v14 =	vadd.f32 $9.999574420e-01, v14;
	_ =	sdelay $0x1  }
0xd1: {  	v13 =	vmul.f32 v14, v13;
	_ =	sdelay $0x1  }
0xd2: {  	v23 =	vadd.s32 v2, v12;
	v13 =	vadd.f32 $5.629329960e-07, v13  }
0xd3: {  	v11 =	vmax.f32 v11, $0.0e+00  }
0xd4: {  	v11 =	vadd.f32 v13, v11;
	_ =	sdelay $0x1  }
0xd5: {  	[tilespmem:s9+$0x2210] =	vst v11  }
0xd6: {  	v11 =	vld.idx.msk [tilespmem:v23+s12+$0x0], $0xffff  }
0xd7: {  	v24 =	vld [tilespmem:s2+$0x220];
	_ =	sdelay $0x4  }
0xd8: {  	v11 =	vsel vm13, v24, v11  }
0xd9: {  	v13 =	vand.u32 $0x7FFFFFFF, v11  }
0xda: {  	v13 =	vsub.f32 $0.0e+00, v13;
	_ =	sdelay $0x1  }
0xdb: {  	v13 =	vmul.f32 $1.442695020e+00, v13;
	_ =	sdelay $0x1  }
0xdc: {  	(erf) = vpow2.f32 v13;
	_ =	sdelay $0x8  }
0xdd: {  	v13 =	vpop (erf)  }
0xde: {  	v25 =	vmul.f32 $1.011890170e-02, v13;
	_ =	sdelay $0x1  }
0xdf: {  	v14 =	vadd.f32 $-5.262395370e-02, v25;
	_ =	sdelay $0x1  }
0xe0: {  	v14 =	vmul.f32 v14, v13;
	_ =	sdelay $0x1  }
0xe1: {  	v14 =	vadd.f32 $1.307633520e-01, v14;
	_ =	sdelay $0x1  }
0xe2: {  	v14 =	vmul.f32 v14, v13;
	_ =	sdelay $0x1  }
0xe3: {  	v14 =	vadd.f32 $-2.228347210e-01, v14;
	_ =	sdelay $0x1  }
0xe4: {  	v14 =	vmul.f32 v14, v13;
	_ =	sdelay $0x1  }
0xe5: {  	v14 =	vadd.f32 $3.269723650e-01, v14;
	_ =	sdelay $0x1  }
0xe6: {  	v14 =	vmul.f32 v14, v13;
	_ =	sdelay $0x1  }
0xe7: {  	v14 =	vadd.f32 $-4.992063940e-01, v14;
	_ =	sdelay $0x1  }
0xe8: {  	v14 =	vmul.f32 v14, v13;
	_ =	sdelay $0x1  }
0xe9: {  	v14 =	vadd.f32 $9.999574420e-01, v14;
	_ =	sdelay $0x1  }
0xea: {  	v13 =	vmul.f32 v14, v13;
	_ =	sdelay $0x1  }
0xeb: {  	v12 =	vadd.s32 v3, v12;
	v13 =	vadd.f32 $5.629329960e-07, v13  }
0xec: {  	v11 =	vmax.f32 v11, $0.0e+00  }
0xed: {  	v11 =	vadd.f32 v13, v11;
	_ =	sdelay $0x1  }
0xee: {  	[tilespmem:s9+$0x2220] =	vst v11  }
0xef: {  	v11 =	vld.idx.msk [tilespmem:v12+s12+$0x0], $0xffff  }
0xf0: {  	v26 =	vld [tilespmem:s2+$0x230];
	_ =	sdelay $0x4  }
0xf1: {  	v11 =	vsel vm13, v26, v11  }
0xf2: {  	v12 =	vand.u32 $0x7FFFFFFF, v11  }
0xf3: {  	v12 =	vsub.f32 $0.0e+00, v12;
	_ =	sdelay $0x1  }
0xf4: {  	v12 =	vmul.f32 $1.442695020e+00, v12;
	_ =	sdelay $0x1  }
0xf5: {  	(erf) = vpow2.f32 v12;
	_ =	sdelay $0x8  }
0xf6: {  	v12 =	vpop (erf)  }
0xf7: {  	v27 =	vmul.f32 $1.011890170e-02, v12;
	_ =	sdelay $0x1  }
0xf8: {  	v13 =	vadd.f32 $-5.262395370e-02, v27;
	_ =	sdelay $0x1  }
0xf9: {  	v13 =	vmul.f32 v13, v12;
	_ =	sdelay $0x1  }
0xfa: {  	v13 =	vadd.f32 $1.307633520e-01, v13;
	_ =	sdelay $0x1  }
0xfb: {  	v13 =	vmul.f32 v13, v12;
	_ =	sdelay $0x1  }
0xfc: {  	v13 =	vadd.f32 $-2.228347210e-01, v13;
	_ =	sdelay $0x1  }
0xfd: {  	v13 =	vmul.f32 v13, v12;
	_ =	sdelay $0x1  }
0xfe: {  	v13 =	vadd.f32 $3.269723650e-01, v13;
	_ =	sdelay $0x1  }
0xff: {  	v13 =	vmul.f32 v13, v12;
	_ =	sdelay $0x1  }
0x100: {  	v13 =	vadd.f32 $-4.992063940e-01, v13;
	_ =	sdelay $0x1  }
0x101: {  	v13 =	vmul.f32 v13, v12;
	_ =	sdelay $0x1  }
0x102: {  	v13 =	vadd.f32 $9.999574420e-01, v13;
	_ =	sdelay $0x1  }
0x103: {  	v12 =	vmul.f32 v13, v12;
	_ =	sdelay $0x1  }
0x104: {  	v12 =	vadd.f32 $5.629329960e-07, v12  }
0x105: {  	v11 =	vmax.f32 v11, $0.0e+00  }
0x106: {  	v11 =	vadd.f32 v12, v11;
	_ =	sdelay $0x1  }
0x107: {  	[tilespmem:s9+$0x2230] =	vst v11  }
0x108: {  	_ =	swait.ge [sflag:s21], $0x2000  }
0x109: {  	[sflag:s21] =	ssyncset.done $0x0  }
0x10a: {  	[sflag:s21] =	ssyncadd.s32 $0xFFFFE000  }
0x10b: {  	v10 =	vld.idx.msk [tilespmem:v10+s4+$0x0], $0xffff;
	_ =	sdelay $0x4  }
0x10c: {  	v28 =	vxor.u32 $0x80000000, v10  }
0x10d: {  	(xrf0) =	vmax.scan.msk.u32 $0xffff, v28;
	_ =	sdelay $0x5  }
0x10e: {  	v11, _, _ =	vpop (xrf0)  }
0x10f: {  	(v2sf) =	vpush v11, $0xF;
	_ =	sdelay $0xe  }
0x110: {  	s2 =	spop (v2sf)  }
0x111: {  	s9 =	sshra.s32 s2, $0x7  }
0x112: {  	s3 =	sxor.u32 $0xFF000000, s9  }
0x113: {  	p0 =	slt.s32 s3, $0x1E83  }
0x114: {  	s3 =	simm.s32 @!p0 $0x1E83  }
0x115: {  	s3 =	sshll.u32 s3, $0x7  }
0x116: {  	v29 =	vmov s3  }
0x117: {  	v11 =	vsub.s32 v10, v29  }
0x118: {  	vm14 =	vlt.s32 v11, $0x7F  }
0x119: {  	s2 =	sadd.s32 $0x7FF0BE00, s2;
	v11 =	vnsel vm14, $0x7F, v11  }
0x11a: {  	p0 =	sgt.s32 s2, $0x0;
	v30 =	vadd.s32 v0, v11  }
0x11b: {  	s2 =	simm.s32 @!p0 $0x0  }
0x11c: {  	s2 =	smin.u32 s2, $0x3F  }
0x11d: {  	s3 =	sshll.u32 s2, $0x7  }
0x11e: {  	v31 =	vld [tilespmem:s3+$0x200]  }
0x11f: {  	v12 =	vld.idx.msk [tilespmem:v30+s13+$0x0], $0xffff;
	_ =	sdelay $0x3  }
0x120: {  	vm15 =	vgt.s32 v10, $0xF41FF  }
0x121: {  	v10 =	vsel vm15, v31, v12  }
0x122: {  	v12 =	vand.u32 $0x7FFFFFFF, v10  }
0x123: {  	v12 =	vsub.f32 $0.0e+00, v12;
	_ =	sdelay $0x1  }
0x124: {  	v12 =	vmul.f32 $1.442695020e+00, v12;
	_ =	sdelay $0x1  }
0x125: {  	(erf) = vpow2.f32 v12;
	_ =	sdelay $0x8  }
0x126: {  	v12 =	vpop (erf)  }
0x127: {  	v32 =	vmul.f32 $1.011890170e-02, v12;
	_ =	sdelay $0x1  }
0x128: {  	v13 =	vadd.f32 $-5.262395370e-02, v32;
	_ =	sdelay $0x1  }
0x129: {  	v13 =	vmul.f32 v13, v12;
	_ =	sdelay $0x1  }
0x12a: {  	v13 =	vadd.f32 $1.307633520e-01, v13;
	_ =	sdelay $0x1  }
0x12b: {  	v13 =	vmul.f32 v13, v12;
	_ =	sdelay $0x1  }
0x12c: {  	v13 =	vadd.f32 $-2.228347210e-01, v13;
	_ =	sdelay $0x1  }
0x12d: {  	v13 =	vmul.f32 v13, v12;
	_ =	sdelay $0x1  }
0x12e: {  	v13 =	vadd.f32 $3.269723650e-01, v13;
	_ =	sdelay $0x1  }
0x12f: {  	v13 =	vmul.f32 v13, v12;
	_ =	sdelay $0x1  }
0x130: {  	v13 =	vadd.f32 $-4.992063940e-01, v13;
	_ =	sdelay $0x1  }
0x131: {  	v13 =	vmul.f32 v13, v12;
	_ =	sdelay $0x1  }
0x132: {  	v13 =	vadd.f32 $9.999574420e-01, v13;
	_ =	sdelay $0x1  }
0x133: {  	v12 =	vmul.f32 v13, v12;
	_ =	sdelay $0x1  }
0x134: {  	v33 =	vadd.s32 v1, v11;
	v12 =	vadd.f32 $5.629329960e-07, v12  }
0x135: {  	v10 =	vmax.f32 v10, $0.0e+00  }
0x136: {  	s9 =	sadd.s32 $0x80, s31;
	v10 =	vadd.f32 v12, v10  }
0x137: {  	s2 =	sand.u32 $0x3C80, s9  }
0x138: {  	[tilespmem:s2+$0x2200] =	vst v10  }
0x139: {  	v10 =	vld.idx.msk [tilespmem:v33+s13+$0x0], $0xffff  }
0x13a: {  	v34 =	vld [tilespmem:s3+$0x210];
	_ =	sdelay $0x4  }
0x13b: {  	v10 =	vsel vm15, v34, v10  }
0x13c: {  	v12 =	vand.u32 $0x7FFFFFFF, v10  }
0x13d: {  	v12 =	vsub.f32 $0.0e+00, v12;
	_ =	sdelay $0x1  }
0x13e: {  	v12 =	vmul.f32 $1.442695020e+00, v12;
	_ =	sdelay $0x1  }
0x13f: {  	(erf) = vpow2.f32 v12;
	_ =	sdelay $0x8  }
0x140: {  	v12 =	vpop (erf)  }
0x141: {  	v35 =	vmul.f32 $1.011890170e-02, v12;
	_ =	sdelay $0x1  }
0x142: {  	v13 =	vadd.f32 $-5.262395370e-02, v35;
	_ =	sdelay $0x1  }
0x143: {  	v13 =	vmul.f32 v13, v12;
	_ =	sdelay $0x1  }
0x144: {  	v13 =	vadd.f32 $1.307633520e-01, v13;
	_ =	sdelay $0x1  }
0x145: {  	v13 =	vmul.f32 v13, v12;
	_ =	sdelay $0x1  }
0x146: {  	v13 =	vadd.f32 $-2.228347210e-01, v13;
	_ =	sdelay $0x1  }
0x147: {  	v13 =	vmul.f32 v13, v12;
	_ =	sdelay $0x1  }
0x148: {  	v13 =	vadd.f32 $3.269723650e-01, v13;
	_ =	sdelay $0x1  }
0x149: {  	v13 =	vmul.f32 v13, v12;
	_ =	sdelay $0x1  }
0x14a: {  	v13 =	vadd.f32 $-4.992063940e-01, v13;
	_ =	sdelay $0x1  }
0x14b: {  	v13 =	vmul.f32 v13, v12;
	_ =	sdelay $0x1  }
0x14c: {  	v13 =	vadd.f32 $9.999574420e-01, v13;
	_ =	sdelay $0x1  }
0x14d: {  	v12 =	vmul.f32 v13, v12;
	_ =	sdelay $0x1  }
0x14e: {  	v36 =	vadd.s32 v2, v11;
	v12 =	vadd.f32 $5.629329960e-07, v12  }
0x14f: {  	v10 =	vmax.f32 v10, $0.0e+00  }
0x150: {  	v10 =	vadd.f32 v12, v10;
	_ =	sdelay $0x1  }
0x151: {  	[tilespmem:s2+$0x2210] =	vst v10  }
0x152: {  	v10 =	vld.idx.msk [tilespmem:v36+s13+$0x0], $0xffff  }
0x153: {  	v37 =	vld [tilespmem:s3+$0x220];
	_ =	sdelay $0x4  }
0x154: {  	v10 =	vsel vm15, v37, v10  }
0x155: {  	v12 =	vand.u32 $0x7FFFFFFF, v10  }
0x156: {  	v12 =	vsub.f32 $0.0e+00, v12;
	_ =	sdelay $0x1  }
0x157: {  	v12 =	vmul.f32 $1.442695020e+00, v12;
	_ =	sdelay $0x1  }
0x158: {  	(erf) = vpow2.f32 v12;
	_ =	sdelay $0x8  }
0x159: {  	v12 =	vpop (erf)  }
0x15a: {  	v38 =	vmul.f32 $1.011890170e-02, v12;
	_ =	sdelay $0x1  }
0x15b: {  	v13 =	vadd.f32 $-5.262395370e-02, v38;
	_ =	sdelay $0x1  }
0x15c: {  	v13 =	vmul.f32 v13, v12;
	_ =	sdelay $0x1  }
0x15d: {  	v13 =	vadd.f32 $1.307633520e-01, v13;
	_ =	sdelay $0x1  }
0x15e: {  	v13 =	vmul.f32 v13, v12;
	_ =	sdelay $0x1  }
0x15f: {  	v13 =	vadd.f32 $-2.228347210e-01, v13;
	_ =	sdelay $0x1  }
0x160: {  	v13 =	vmul.f32 v13, v12;
	_ =	sdelay $0x1  }
0x161: {  	v13 =	vadd.f32 $3.269723650e-01, v13;
	_ =	sdelay $0x1  }
0x162: {  	v13 =	vmul.f32 v13, v12;
	_ =	sdelay $0x1  }
0x163: {  	v13 =	vadd.f32 $-4.992063940e-01, v13;
	_ =	sdelay $0x1  }
0x164: {  	v13 =	vmul.f32 v13, v12;
	_ =	sdelay $0x1  }
0x165: {  	v13 =	vadd.f32 $9.999574420e-01, v13;
	_ =	sdelay $0x1  }
0x166: {  	v12 =	vmul.f32 v13, v12;
	_ =	sdelay $0x1  }
0x167: {  	v11 =	vadd.s32 v3, v11;
	v12 =	vadd.f32 $5.629329960e-07, v12  }
0x168: {  	v10 =	vmax.f32 v10, $0.0e+00  }
0x169: {  	v10 =	vadd.f32 v12, v10;
	_ =	sdelay $0x1  }
0x16a: {  	[tilespmem:s2+$0x2220] =	vst v10  }
0x16b: {  	v10 =	vld.idx.msk [tilespmem:v11+s13+$0x0], $0xffff  }
0x16c: {  	v39 =	vld [tilespmem:s3+$0x230];
	_ =	sdelay $0x4  }
0x16d: {  	v10 =	vsel vm15, v39, v10  }
0x16e: {  	v11 =	vand.u32 $0x7FFFFFFF, v10  }
0x16f: {  	v11 =	vsub.f32 $0.0e+00, v11;
	_ =	sdelay $0x1  }
0x170: {  	v11 =	vmul.f32 $1.442695020e+00, v11;
	_ =	sdelay $0x1  }
0x171: {  	(erf) = vpow2.f32 v11;
	_ =	sdelay $0x8  }
0x172: {  	v11 =	vpop (erf)  }
0x173: {  	v40 =	vmul.f32 $1.011890170e-02, v11;
	_ =	sdelay $0x1  }
0x174: {  	v12 =	vadd.f32 $-5.262395370e-02, v40;
	_ =	sdelay $0x1  }
0x175: {  	v12 =	vmul.f32 v12, v11;
	_ =	sdelay $0x1  }
0x176: {  	v12 =	vadd.f32 $1.307633520e-01, v12;
	_ =	sdelay $0x1  }
0x177: {  	v12 =	vmul.f32 v12, v11;
	_ =	sdelay $0x1  }
0x178: {  	v12 =	vadd.f32 $-2.228347210e-01, v12;
	_ =	sdelay $0x1  }
0x179: {  	v12 =	vmul.f32 v12, v11;
	_ =	sdelay $0x1  }
0x17a: {  	v12 =	vadd.f32 $3.269723650e-01, v12;
	_ =	sdelay $0x1  }
0x17b: {  	v12 =	vmul.f32 v12, v11;
	_ =	sdelay $0x1  }
0x17c: {  	v12 =	vadd.f32 $-4.992063940e-01, v12;
	_ =	sdelay $0x1  }
0x17d: {  	v12 =	vmul.f32 v12, v11;
	_ =	sdelay $0x1  }
0x17e: {  	v12 =	vadd.f32 $9.999574420e-01, v12;
	_ =	sdelay $0x1  }
0x17f: {  	v11 =	vmul.f32 v12, v11;
	_ =	sdelay $0x1  }
0x180: {  	v11 =	vadd.f32 $5.629329960e-07, v11  }
0x181: {  	v10 =	vmax.f32 v10, $0.0e+00  }
0x182: {  	v10 =	vadd.f32 v11, v10;
	_ =	sdelay $0x1  }
0x183: {  	[tilespmem:s2+$0x2230] =	vst v10  }
0x184: {  	_ =	swait.ge [sflag:s22], $0x2000  }
0x185: {  	[sflag:s22] =	ssyncset.done $0x0  }
0x186: {  	[sflag:s22] =	ssyncadd.s32 $0xFFFFE000  }
0x187: {  	v9 =	vld.idx.msk [tilespmem:v9+s4+$0x0], $0xffff;
	_ =	sdelay $0x4  }
0x188: {  	v41 =	vxor.u32 $0x80000000, v9  }
0x189: {  	(xrf0) =	vmax.scan.msk.u32 $0xffff, v41;
	_ =	sdelay $0x5  }
0x18a: {  	v10, _, _ =	vpop (xrf0)  }
0x18b: {  	(v2sf) =	vpush v10, $0xF;
	_ =	sdelay $0xe  }
0x18c: {  	s2 =	spop (v2sf)  }
0x18d: {  	s9 =	sshra.s32 s2, $0x7  }
0x18e: {  	s3 =	sxor.u32 $0xFF000000, s9  }
0x18f: {  	p0 =	slt.s32 s3, $0x1E83  }
0x190: {  	s3 =	simm.s32 @!p0 $0x1E83  }
0x191: {  	s3 =	sshll.u32 s3, $0x7  }
0x192: {  	v42 =	vmov s3  }
0x193: {  	v10 =	vsub.s32 v9, v42  }
0x194: {  	vm4 =	vlt.s32 v10, $0x7F  }
0x195: {  	s2 =	sadd.s32 $0x7FF0BE00, s2;
	v10 =	vnsel vm4, $0x7F, v10  }
0x196: {  	p0 =	sgt.s32 s2, $0x0;
	v43 =	vadd.s32 v0, v10  }
0x197: {  	s2 =	simm.s32 @!p0 $0x0  }
0x198: {  	s2 =	smin.u32 s2, $0x3F  }
0x199: {  	s3 =	sshll.u32 s2, $0x7  }
0x19a: {  	v44 =	vld [tilespmem:s3+$0x200]  }
0x19b: {  	v11 =	vld.idx.msk [tilespmem:v43+s14+$0x0], $0xffff;
	_ =	sdelay $0x3  }
0x19c: {  	vm5 =	vgt.s32 v9, $0xF41FF  }
0x19d: {  	v9 =	vsel vm5, v44, v11  }
0x19e: {  	v11 =	vand.u32 $0x7FFFFFFF, v9  }
0x19f: {  	v11 =	vsub.f32 $0.0e+00, v11;
	_ =	sdelay $0x1  }
0x1a0: {  	v11 =	vmul.f32 $1.442695020e+00, v11;
	_ =	sdelay $0x1  }
0x1a1: {  	(erf) = vpow2.f32 v11;
	_ =	sdelay $0x8  }
0x1a2: {  	v11 =	vpop (erf)  }
0x1a3: {  	v45 =	vmul.f32 $1.011890170e-02, v11;
	_ =	sdelay $0x1  }
0x1a4: {  	v12 =	vadd.f32 $-5.262395370e-02, v45;
	_ =	sdelay $0x1  }
0x1a5: {  	v12 =	vmul.f32 v12, v11;
	_ =	sdelay $0x1  }
0x1a6: {  	v12 =	vadd.f32 $1.307633520e-01, v12;
	_ =	sdelay $0x1  }
0x1a7: {  	v12 =	vmul.f32 v12, v11;
	_ =	sdelay $0x1  }
0x1a8: {  	v12 =	vadd.f32 $-2.228347210e-01, v12;
	_ =	sdelay $0x1  }
0x1a9: {  	v12 =	vmul.f32 v12, v11;
	_ =	sdelay $0x1  }
0x1aa: {  	v12 =	vadd.f32 $3.269723650e-01, v12;
	_ =	sdelay $0x1  }
0x1ab: {  	v12 =	vmul.f32 v12, v11;
	_ =	sdelay $0x1  }
0x1ac: {  	v12 =	vadd.f32 $-4.992063940e-01, v12;
	_ =	sdelay $0x1  }
0x1ad: {  	v12 =	vmul.f32 v12, v11;
	_ =	sdelay $0x1  }
0x1ae: {  	v12 =	vadd.f32 $9.999574420e-01, v12;
	_ =	sdelay $0x1  }
0x1af: {  	v11 =	vmul.f32 v12, v11;
	_ =	sdelay $0x1  }
0x1b0: {  	v46 =	vadd.s32 v1, v10;
	v11 =	vadd.f32 $5.629329960e-07, v11  }
0x1b1: {  	v9 =	vmax.f32 v9, $0.0e+00  }
0x1b2: {  	s9 =	sadd.s32 $0x100, s31;
	v9 =	vadd.f32 v11, v9  }
0x1b3: {  	s2 =	sand.u32 $0x3D00, s9  }
0x1b4: {  	[tilespmem:s2+$0x2200] =	vst v9  }
0x1b5: {  	v9 =	vld.idx.msk [tilespmem:v46+s14+$0x0], $0xffff  }
0x1b6: {  	v47 =	vld [tilespmem:s3+$0x210];
	_ =	sdelay $0x4  }
0x1b7: {  	v9 =	vsel vm5, v47, v9  }
0x1b8: {  	v11 =	vand.u32 $0x7FFFFFFF, v9  }
0x1b9: {  	v11 =	vsub.f32 $0.0e+00, v11;
	_ =	sdelay $0x1  }
0x1ba: {  	v11 =	vmul.f32 $1.442695020e+00, v11;
	_ =	sdelay $0x1  }
0x1bb: {  	(erf) = vpow2.f32 v11;
	_ =	sdelay $0x8  }
0x1bc: {  	v11 =	vpop (erf)  }
0x1bd: {  	v48 =	vmul.f32 $1.011890170e-02, v11;
	_ =	sdelay $0x1  }
0x1be: {  	v12 =	vadd.f32 $-5.262395370e-02, v48;
	_ =	sdelay $0x1  }
0x1bf: {  	v12 =	vmul.f32 v12, v11;
	_ =	sdelay $0x1  }
0x1c0: {  	v12 =	vadd.f32 $1.307633520e-01, v12;
	_ =	sdelay $0x1  }
0x1c1: {  	v12 =	vmul.f32 v12, v11;
	_ =	sdelay $0x1  }
0x1c2: {  	v12 =	vadd.f32 $-2.228347210e-01, v12;
	_ =	sdelay $0x1  }
0x1c3: {  	v12 =	vmul.f32 v12, v11;
	_ =	sdelay $0x1  }
0x1c4: {  	v12 =	vadd.f32 $3.269723650e-01, v12;
	_ =	sdelay $0x1  }
0x1c5: {  	v12 =	vmul.f32 v12, v11;
	_ =	sdelay $0x1  }
0x1c6: {  	v12 =	vadd.f32 $-4.992063940e-01, v12;
	_ =	sdelay $0x1  }
0x1c7: {  	v12 =	vmul.f32 v12, v11;
	_ =	sdelay $0x1  }
0x1c8: {  	v12 =	vadd.f32 $9.999574420e-01, v12;
	_ =	sdelay $0x1  }
0x1c9: {  	v11 =	vmul.f32 v12, v11;
	_ =	sdelay $0x1  }
0x1ca: {  	v49 =	vadd.s32 v2, v10;
	v11 =	vadd.f32 $5.629329960e-07, v11  }
0x1cb: {  	v9 =	vmax.f32 v9, $0.0e+00  }
0x1cc: {  	v9 =	vadd.f32 v11, v9;
	_ =	sdelay $0x1  }
0x1cd: {  	[tilespmem:s2+$0x2210] =	vst v9  }
0x1ce: {  	v9 =	vld.idx.msk [tilespmem:v49+s14+$0x0], $0xffff  }
0x1cf: {  	v50 =	vld [tilespmem:s3+$0x220];
	_ =	sdelay $0x4  }
0x1d0: {  	v9 =	vsel vm5, v50, v9  }
0x1d1: {  	v11 =	vand.u32 $0x7FFFFFFF, v9  }
0x1d2: {  	v11 =	vsub.f32 $0.0e+00, v11;
	_ =	sdelay $0x1  }
0x1d3: {  	v11 =	vmul.f32 $1.442695020e+00, v11;
	_ =	sdelay $0x1  }
0x1d4: {  	(erf) = vpow2.f32 v11;
	_ =	sdelay $0x8  }
0x1d5: {  	v11 =	vpop (erf)  }
0x1d6: {  	v51 =	vmul.f32 $1.011890170e-02, v11;
	_ =	sdelay $0x1  }
0x1d7: {  	v12 =	vadd.f32 $-5.262395370e-02, v51;
	_ =	sdelay $0x1  }
0x1d8: {  	v12 =	vmul.f32 v12, v11;
	_ =	sdelay $0x1  }
0x1d9: {  	v12 =	vadd.f32 $1.307633520e-01, v12;
	_ =	sdelay $0x1  }
0x1da: {  	v12 =	vmul.f32 v12, v11;
	_ =	sdelay $0x1  }
0x1db: {  	v12 =	vadd.f32 $-2.228347210e-01, v12;
	_ =	sdelay $0x1  }
0x1dc: {  	v12 =	vmul.f32 v12, v11;
	_ =	sdelay $0x1  }
0x1dd: {  	v12 =	vadd.f32 $3.269723650e-01, v12;
	_ =	sdelay $0x1  }
0x1de: {  	v12 =	vmul.f32 v12, v11;
	_ =	sdelay $0x1  }
0x1df: {  	v12 =	vadd.f32 $-4.992063940e-01, v12;
	_ =	sdelay $0x1  }
0x1e0: {  	v12 =	vmul.f32 v12, v11;
	_ =	sdelay $0x1  }
0x1e1: {  	v12 =	vadd.f32 $9.999574420e-01, v12;
	_ =	sdelay $0x1  }
0x1e2: {  	v11 =	vmul.f32 v12, v11;
	_ =	sdelay $0x1  }
0x1e3: {  	v10 =	vadd.s32 v3, v10;
	v11 =	vadd.f32 $5.629329960e-07, v11  }
0x1e4: {  	v9 =	vmax.f32 v9, $0.0e+00  }
0x1e5: {  	v9 =	vadd.f32 v11, v9;
	_ =	sdelay $0x1  }
0x1e6: {  	[tilespmem:s2+$0x2220] =	vst v9  }
0x1e7: {  	v9 =	vld.idx.msk [tilespmem:v10+s14+$0x0], $0xffff  }
0x1e8: {  	v52 =	vld [tilespmem:s3+$0x230];
	_ =	sdelay $0x4  }
0x1e9: {  	v9 =	vsel vm5, v52, v9  }
0x1ea: {  	v10 =	vand.u32 $0x7FFFFFFF, v9  }
0x1eb: {  	v10 =	vsub.f32 $0.0e+00, v10;
	_ =	sdelay $0x1  }
0x1ec: {  	v10 =	vmul.f32 $1.442695020e+00, v10;
	_ =	sdelay $0x1  }
0x1ed: {  	(erf) = vpow2.f32 v10;
	_ =	sdelay $0x8  }
0x1ee: {  	v10 =	vpop (erf)  }
0x1ef: {  	v53 =	vmul.f32 $1.011890170e-02, v10;
	_ =	sdelay $0x1  }
0x1f0: {  	v11 =	vadd.f32 $-5.262395370e-02, v53;
	_ =	sdelay $0x1  }
0x1f1: {  	v11 =	vmul.f32 v11, v10;
	_ =	sdelay $0x1  }
0x1f2: {  	v11 =	vadd.f32 $1.307633520e-01, v11;
	_ =	sdelay $0x1  }
0x1f3: {  	v11 =	vmul.f32 v11, v10;
	_ =	sdelay $0x1  }
0x1f4: {  	v11 =	vadd.f32 $-2.228347210e-01, v11;
	_ =	sdelay $0x1  }
0x1f5: {  	v11 =	vmul.f32 v11, v10;
	_ =	sdelay $0x1  }
0x1f6: {  	v11 =	vadd.f32 $3.269723650e-01, v11;
	_ =	sdelay $0x1  }
0x1f7: {  	v11 =	vmul.f32 v11, v10;
	_ =	sdelay $0x1  }
0x1f8: {  	v11 =	vadd.f32 $-4.992063940e-01, v11;
	_ =	sdelay $0x1  }
0x1f9: {  	v11 =	vmul.f32 v11, v10;
	_ =	sdelay $0x1  }
0x1fa: {  	v11 =	vadd.f32 $9.999574420e-01, v11;
	_ =	sdelay $0x1  }
0x1fb: {  	v10 =	vmul.f32 v11, v10;
	_ =	sdelay $0x1  }
0x1fc: {  	v10 =	vadd.f32 $5.629329960e-07, v10  }
0x1fd: {  	v9 =	vmax.f32 v9, $0.0e+00  }
0x1fe: {  	v9 =	vadd.f32 v10, v9;
	_ =	sdelay $0x1  }
0x1ff: {  	[tilespmem:s2+$0x2230] =	vst v9  }
0x200: {  	_ =	swait.ge [sflag:s23], $0x2000  }
0x201: {  	[sflag:s23] =	ssyncset.done $0x0  }
0x202: {  	[sflag:s23] =	ssyncadd.s32 $0xFFFFE000  }
0x203: {  	v8 =	vld.idx.msk [tilespmem:v8+s4+$0x0], $0xffff;
	_ =	sdelay $0x4  }
0x204: {  	v54 =	vxor.u32 $0x80000000, v8  }
0x205: {  	(xrf0) =	vmax.scan.msk.u32 $0xffff, v54;
	_ =	sdelay $0x5  }
0x206: {  	v9, _, _ =	vpop (xrf0)  }
0x207: {  	(v2sf) =	vpush v9, $0xF;
	_ =	sdelay $0xe  }
0x208: {  	s2 =	spop (v2sf)  }
0x209: {  	s9 =	sshra.s32 s2, $0x7  }
0x20a: {  	s3 =	sxor.u32 $0xFF000000, s9  }
0x20b: {  	p0 =	slt.s32 s3, $0x1E83  }
0x20c: {  	s3 =	simm.s32 @!p0 $0x1E83  }
0x20d: {  	s3 =	sshll.u32 s3, $0x7  }
0x20e: {  	v55 =	vmov s3  }
0x20f: {  	v9 =	vsub.s32 v8, v55  }
0x210: {  	vm6 =	vlt.s32 v9, $0x7F  }
0x211: {  	s2 =	sadd.s32 $0x7FF0BE00, s2;
	v9 =	vnsel vm6, $0x7F, v9  }
0x212: {  	p0 =	sgt.s32 s2, $0x0;
	v56 =	vadd.s32 v0, v9  }
0x213: {  	s2 =	simm.s32 @!p0 $0x0  }
0x214: {  	s2 =	smin.u32 s2, $0x3F  }
0x215: {  	s3 =	sshll.u32 s2, $0x7  }
0x216: {  	v57 =	vld [tilespmem:s3+$0x200]  }
0x217: {  	v10 =	vld.idx.msk [tilespmem:v56+s15+$0x0], $0xffff;
	_ =	sdelay $0x3  }
0x218: {  	vm7 =	vgt.s32 v8, $0xF41FF  }
0x219: {  	v8 =	vsel vm7, v57, v10  }
0x21a: {  	v10 =	vand.u32 $0x7FFFFFFF, v8  }
0x21b: {  	v10 =	vsub.f32 $0.0e+00, v10;
	_ =	sdelay $0x1  }
0x21c: {  	v10 =	vmul.f32 $1.442695020e+00, v10;
	_ =	sdelay $0x1  }
0x21d: {  	(erf) = vpow2.f32 v10;
	_ =	sdelay $0x8  }
0x21e: {  	v10 =	vpop (erf)  }
0x21f: {  	v58 =	vmul.f32 $1.011890170e-02, v10;
	_ =	sdelay $0x1  }
0x220: {  	v11 =	vadd.f32 $-5.262395370e-02, v58;
	_ =	sdelay $0x1  }
0x221: {  	v11 =	vmul.f32 v11, v10;
	_ =	sdelay $0x1  }
0x222: {  	v11 =	vadd.f32 $1.307633520e-01, v11;
	_ =	sdelay $0x1  }
0x223: {  	v11 =	vmul.f32 v11, v10;
	_ =	sdelay $0x1  }
0x224: {  	v11 =	vadd.f32 $-2.228347210e-01, v11;
	_ =	sdelay $0x1  }
0x225: {  	v11 =	vmul.f32 v11, v10;
	_ =	sdelay $0x1  }
0x226: {  	v11 =	vadd.f32 $3.269723650e-01, v11;
	_ =	sdelay $0x1  }
0x227: {  	v11 =	vmul.f32 v11, v10;
	_ =	sdelay $0x1  }
0x228: {  	v11 =	vadd.f32 $-4.992063940e-01, v11;
	_ =	sdelay $0x1  }
0x229: {  	v11 =	vmul.f32 v11, v10;
	_ =	sdelay $0x1  }
0x22a: {  	v11 =	vadd.f32 $9.999574420e-01, v11;
	_ =	sdelay $0x1  }
0x22b: {  	v10 =	vmul.f32 v11, v10;
	_ =	sdelay $0x1  }
0x22c: {  	v59 =	vadd.s32 v1, v9;
	v10 =	vadd.f32 $5.629329960e-07, v10  }
0x22d: {  	v8 =	vmax.f32 v8, $0.0e+00  }
0x22e: {  	s9 =	sadd.s32 $0x180, s31;
	v8 =	vadd.f32 v10, v8  }
0x22f: {  	s2 =	sand.u32 $0x3D80, s9  }
0x230: {  	[tilespmem:s2+$0x2200] =	vst v8  }
0x231: {  	v8 =	vld.idx.msk [tilespmem:v59+s15+$0x0], $0xffff  }
0x232: {  	v60 =	vld [tilespmem:s3+$0x210];
	_ =	sdelay $0x4  }
0x233: {  	v8 =	vsel vm7, v60, v8  }
0x234: {  	v10 =	vand.u32 $0x7FFFFFFF, v8  }
0x235: {  	v10 =	vsub.f32 $0.0e+00, v10;
	_ =	sdelay $0x1  }
0x236: {  	v10 =	vmul.f32 $1.442695020e+00, v10;
	_ =	sdelay $0x1  }
0x237: {  	(erf) = vpow2.f32 v10;
	_ =	sdelay $0x8  }
0x238: {  	v10 =	vpop (erf)  }
0x239: {  	v61 =	vmul.f32 $1.011890170e-02, v10;
	_ =	sdelay $0x1  }
0x23a: {  	v11 =	vadd.f32 $-5.262395370e-02, v61;
	_ =	sdelay $0x1  }
0x23b: {  	v11 =	vmul.f32 v11, v10;
	_ =	sdelay $0x1  }
0x23c: {  	v11 =	vadd.f32 $1.307633520e-01, v11;
	_ =	sdelay $0x1  }
0x23d: {  	v11 =	vmul.f32 v11, v10;
	_ =	sdelay $0x1  }
0x23e: {  	v11 =	vadd.f32 $-2.228347210e-01, v11;
	_ =	sdelay $0x1  }
0x23f: {  	v11 =	vmul.f32 v11, v10;
	_ =	sdelay $0x1  }
0x240: {  	v11 =	vadd.f32 $3.269723650e-01, v11;
	_ =	sdelay $0x1  }
0x241: {  	v11 =	vmul.f32 v11, v10;
	_ =	sdelay $0x1  }
0x242: {  	v11 =	vadd.f32 $-4.992063940e-01, v11;
	_ =	sdelay $0x1  }
0x243: {  	v11 =	vmul.f32 v11, v10;
	_ =	sdelay $0x1  }
0x244: {  	v11 =	vadd.f32 $9.999574420e-01, v11;
	_ =	sdelay $0x1  }
0x245: {  	v10 =	vmul.f32 v11, v10;
	_ =	sdelay $0x1  }
0x246: {  	v62 =	vadd.s32 v2, v9;
	v10 =	vadd.f32 $5.629329960e-07, v10  }
0x247: {  	v8 =	vmax.f32 v8, $0.0e+00  }
0x248: {  	v8 =	vadd.f32 v10, v8;
	_ =	sdelay $0x1  }
0x249: {  	[tilespmem:s2+$0x2210] =	vst v8  }
0x24a: {  	v8 =	vld.idx.msk [tilespmem:v62+s15+$0x0], $0xffff  }
0x24b: {  	v63 =	vld [tilespmem:s3+$0x220];
	_ =	sdelay $0x4  }
0x24c: {  	v8 =	vsel vm7, v63, v8  }
0x24d: {  	v10 =	vand.u32 $0x7FFFFFFF, v8  }
0x24e: {  	v10 =	vsub.f32 $0.0e+00, v10;
	_ =	sdelay $0x1  }
0x24f: {  	v10 =	vmul.f32 $1.442695020e+00, v10;
	_ =	sdelay $0x1  }
0x250: {  	(erf) = vpow2.f32 v10;
	_ =	sdelay $0x8  }
0x251: {  	v10 =	vpop (erf)  }
0x252: {  	v12 =	vmul.f32 $1.011890170e-02, v10;
	_ =	sdelay $0x1  }
0x253: {  	v11 =	vadd.f32 $-5.262395370e-02, v12;
	_ =	sdelay $0x1  }
0x254: {  	v11 =	vmul.f32 v11, v10;
	_ =	sdelay $0x1  }
0x255: {  	v11 =	vadd.f32 $1.307633520e-01, v11;
	_ =	sdelay $0x1  }
0x256: {  	v11 =	vmul.f32 v11, v10;
	_ =	sdelay $0x1  }
0x257: {  	v11 =	vadd.f32 $-2.228347210e-01, v11;
	_ =	sdelay $0x1  }
0x258: {  	v11 =	vmul.f32 v11, v10;
	_ =	sdelay $0x1  }
0x259: {  	v11 =	vadd.f32 $3.269723650e-01, v11;
	_ =	sdelay $0x1  }
0x25a: {  	v11 =	vmul.f32 v11, v10;
	_ =	sdelay $0x1  }
0x25b: {  	v11 =	vadd.f32 $-4.992063940e-01, v11;
	_ =	sdelay $0x1  }
0x25c: {  	v11 =	vmul.f32 v11, v10;
	_ =	sdelay $0x1  }
0x25d: {  	v11 =	vadd.f32 $9.999574420e-01, v11;
	_ =	sdelay $0x1  }
0x25e: {  	v10 =	vmul.f32 v11, v10;
	_ =	sdelay $0x1  }
0x25f: {  	v9 =	vadd.s32 v3, v9;
	v10 =	vadd.f32 $5.629329960e-07, v10  }
0x260: {  	v8 =	vmax.f32 v8, $0.0e+00  }
0x261: {  	v8 =	vadd.f32 v10, v8;
	_ =	sdelay $0x1  }
0x262: {  	[tilespmem:s2+$0x2220] =	vst v8  }
0x263: {  	v8 =	vld.idx.msk [tilespmem:v9+s15+$0x0], $0xffff  }
0x264: {  	v13 =	vld [tilespmem:s3+$0x230];
	_ =	sdelay $0x4  }
0x265: {  	v8 =	vsel vm7, v13, v8  }
0x266: {  	v9 =	vand.u32 $0x7FFFFFFF, v8  }
0x267: {  	v9 =	vsub.f32 $0.0e+00, v9;
	_ =	sdelay $0x1  }
0x268: {  	v9 =	vmul.f32 $1.442695020e+00, v9;
	_ =	sdelay $0x1  }
0x269: {  	(erf) = vpow2.f32 v9;
	_ =	sdelay $0x8  }
0x26a: {  	v9 =	vpop (erf)  }
0x26b: {  	v14 =	vmul.f32 $1.011890170e-02, v9;
	_ =	sdelay $0x1  }
0x26c: {  	v10 =	vadd.f32 $-5.262395370e-02, v14;
	_ =	sdelay $0x1  }
0x26d: {  	v10 =	vmul.f32 v10, v9;
	_ =	sdelay $0x1  }
0x26e: {  	v10 =	vadd.f32 $1.307633520e-01, v10;
	_ =	sdelay $0x1  }
0x26f: {  	v10 =	vmul.f32 v10, v9;
	_ =	sdelay $0x1  }
0x270: {  	v10 =	vadd.f32 $-2.228347210e-01, v10;
	_ =	sdelay $0x1  }
0x271: {  	v10 =	vmul.f32 v10, v9;
	_ =	sdelay $0x1  }
0x272: {  	v10 =	vadd.f32 $3.269723650e-01, v10;
	_ =	sdelay $0x1  }
0x273: {  	v10 =	vmul.f32 v10, v9;
	_ =	sdelay $0x1  }
0x274: {  	v10 =	vadd.f32 $-4.992063940e-01, v10;
	_ =	sdelay $0x1  }
0x275: {  	v10 =	vmul.f32 v10, v9;
	_ =	sdelay $0x1  }
0x276: {  	v10 =	vadd.f32 $9.999574420e-01, v10;
	_ =	sdelay $0x1  }
0x277: {  	v9 =	vmul.f32 v10, v9;
	_ =	sdelay $0x1  }
0x278: {  	v9 =	vadd.f32 $5.629329960e-07, v9  }
0x279: {  	v8 =	vmax.f32 v8, $0.0e+00  }
0x27a: {  	v8 =	vadd.f32 v9, v8;
	_ =	sdelay $0x1  }
0x27b: {  	[tilespmem:s2+$0x2230] =	vst v8  }
0x27c: {  	_ =	swait.ge [sflag:s24], $0x2000  }
0x27d: {  	[sflag:s24] =	ssyncset.done $0x0  }
0x27e: {  	[sflag:s24] =	ssyncadd.s32 $0xFFFFE000  }
0x27f: {  	v7 =	vld.idx.msk [tilespmem:v7+s4+$0x0], $0xffff;
	_ =	sdelay $0x4  }
0x280: {  	v15 =	vxor.u32 $0x80000000, v7  }
0x281: {  	(xrf0) =	vmax.scan.msk.u32 $0xffff, v15;
	_ =	sdelay $0x5  }
0x282: {  	v8, _, _ =	vpop (xrf0)  }
0x283: {  	(v2sf) =	vpush v8, $0xF;
	_ =	sdelay $0xe  }
0x284: {  	s2 =	spop (v2sf)  }
0x285: {  	s9 =	sshra.s32 s2, $0x7  }
0x286: {  	s3 =	sxor.u32 $0xFF000000, s9  }
0x287: {  	p0 =	slt.s32 s3, $0x1E83  }
0x288: {  	s3 =	simm.s32 @!p0 $0x1E83  }
0x289: {  	s3 =	sshll.u32 s3, $0x7  }
0x28a: {  	v16 =	vmov s3  }
0x28b: {  	v8 =	vsub.s32 v7, v16  }
0x28c: {  	vm8 =	vlt.s32 v8, $0x7F  }
0x28d: {  	s2 =	sadd.s32 $0x7FF0BE00, s2;
	v8 =	vnsel vm8, $0x7F, v8  }
0x28e: {  	p0 =	sgt.s32 s2, $0x0;
	v17 =	vadd.s32 v0, v8  }
0x28f: {  	s2 =	simm.s32 @!p0 $0x0  }
0x290: {  	s2 =	smin.u32 s2, $0x3F  }
0x291: {  	s3 =	sshll.u32 s2, $0x7  }
0x292: {  	v18 =	vld [tilespmem:s3+$0x200]  }
0x293: {  	v9 =	vld.idx.msk [tilespmem:v17+s16+$0x0], $0xffff;
	_ =	sdelay $0x3  }
0x294: {  	vm9 =	vgt.s32 v7, $0xF41FF  }
0x295: {  	v7 =	vsel vm9, v18, v9  }
0x296: {  	v9 =	vand.u32 $0x7FFFFFFF, v7  }
0x297: {  	v9 =	vsub.f32 $0.0e+00, v9;
	_ =	sdelay $0x1  }
0x298: {  	v9 =	vmul.f32 $1.442695020e+00, v9;
	_ =	sdelay $0x1  }
0x299: {  	(erf) = vpow2.f32 v9;
	_ =	sdelay $0x8  }
0x29a: {  	v9 =	vpop (erf)  }
0x29b: {  	v19 =	vmul.f32 $1.011890170e-02, v9;
	_ =	sdelay $0x1  }
0x29c: {  	v10 =	vadd.f32 $-5.262395370e-02, v19;
	_ =	sdelay $0x1  }
0x29d: {  	v10 =	vmul.f32 v10, v9;
	_ =	sdelay $0x1  }
0x29e: {  	v10 =	vadd.f32 $1.307633520e-01, v10;
	_ =	sdelay $0x1  }
0x29f: {  	v10 =	vmul.f32 v10, v9;
	_ =	sdelay $0x1  }
0x2a0: {  	v10 =	vadd.f32 $-2.228347210e-01, v10;
	_ =	sdelay $0x1  }
0x2a1: {  	v10 =	vmul.f32 v10, v9;
	_ =	sdelay $0x1  }
0x2a2: {  	v10 =	vadd.f32 $3.269723650e-01, v10;
	_ =	sdelay $0x1  }
0x2a3: {  	v10 =	vmul.f32 v10, v9;
	_ =	sdelay $0x1  }
0x2a4: {  	v10 =	vadd.f32 $-4.992063940e-01, v10;
	_ =	sdelay $0x1  }
0x2a5: {  	v10 =	vmul.f32 v10, v9;
	_ =	sdelay $0x1  }
0x2a6: {  	v10 =	vadd.f32 $9.999574420e-01, v10;
	_ =	sdelay $0x1  }
0x2a7: {  	v9 =	vmul.f32 v10, v9;
	_ =	sdelay $0x1  }
0x2a8: {  	v20 =	vadd.s32 v1, v8;
	v9 =	vadd.f32 $5.629329960e-07, v9  }
0x2a9: {  	v7 =	vmax.f32 v7, $0.0e+00  }
0x2aa: {  	s9 =	sadd.s32 $0x200, s31;
	v7 =	vadd.f32 v9, v7  }
0x2ab: {  	s2 =	sand.u32 $0x3E00, s9  }
0x2ac: {  	[tilespmem:s2+$0x2200] =	vst v7  }
0x2ad: {  	v7 =	vld.idx.msk [tilespmem:v20+s16+$0x0], $0xffff  }
0x2ae: {  	v21 =	vld [tilespmem:s3+$0x210];
	_ =	sdelay $0x4  }
0x2af: {  	v7 =	vsel vm9, v21, v7  }
0x2b0: {  	v9 =	vand.u32 $0x7FFFFFFF, v7  }
0x2b1: {  	v9 =	vsub.f32 $0.0e+00, v9;
	_ =	sdelay $0x1  }
0x2b2: {  	v9 =	vmul.f32 $1.442695020e+00, v9;
	_ =	sdelay $0x1  }
0x2b3: {  	(erf) = vpow2.f32 v9;
	_ =	sdelay $0x8  }
0x2b4: {  	v9 =	vpop (erf)  }
0x2b5: {  	v22 =	vmul.f32 $1.011890170e-02, v9;
	_ =	sdelay $0x1  }
0x2b6: {  	v10 =	vadd.f32 $-5.262395370e-02, v22;
	_ =	sdelay $0x1  }
0x2b7: {  	v10 =	vmul.f32 v10, v9;
	_ =	sdelay $0x1  }
0x2b8: {  	v10 =	vadd.f32 $1.307633520e-01, v10;
	_ =	sdelay $0x1  }
0x2b9: {  	v10 =	vmul.f32 v10, v9;
	_ =	sdelay $0x1  }
0x2ba: {  	v10 =	vadd.f32 $-2.228347210e-01, v10;
	_ =	sdelay $0x1  }
0x2bb: {  	v10 =	vmul.f32 v10, v9;
	_ =	sdelay $0x1  }
0x2bc: {  	v10 =	vadd.f32 $3.269723650e-01, v10;
	_ =	sdelay $0x1  }
0x2bd: {  	v10 =	vmul.f32 v10, v9;
	_ =	sdelay $0x1  }
0x2be: {  	v10 =	vadd.f32 $-4.992063940e-01, v10;
	_ =	sdelay $0x1  }
0x2bf: {  	v10 =	vmul.f32 v10, v9;
	_ =	sdelay $0x1  }
0x2c0: {  	v10 =	vadd.f32 $9.999574420e-01, v10;
	_ =	sdelay $0x1  }
0x2c1: {  	v9 =	vmul.f32 v10, v9;
	_ =	sdelay $0x1  }
0x2c2: {  	v23 =	vadd.s32 v2, v8;
	v9 =	vadd.f32 $5.629329960e-07, v9  }
0x2c3: {  	v7 =	vmax.f32 v7, $0.0e+00  }
0x2c4: {  	v7 =	vadd.f32 v9, v7;
	_ =	sdelay $0x1  }
0x2c5: {  	[tilespmem:s2+$0x2210] =	vst v7  }
0x2c6: {  	v7 =	vld.idx.msk [tilespmem:v23+s16+$0x0], $0xffff  }
0x2c7: {  	v24 =	vld [tilespmem:s3+$0x220];
	_ =	sdelay $0x4  }
0x2c8: {  	v7 =	vsel vm9, v24, v7  }
0x2c9: {  	v9 =	vand.u32 $0x7FFFFFFF, v7  }
0x2ca: {  	v9 =	vsub.f32 $0.0e+00, v9;
	_ =	sdelay $0x1  }
0x2cb: {  	v9 =	vmul.f32 $1.442695020e+00, v9;
	_ =	sdelay $0x1  }
0x2cc: {  	(erf) = vpow2.f32 v9;
	_ =	sdelay $0x8  }
0x2cd: {  	v9 =	vpop (erf)  }
0x2ce: {  	v25 =	vmul.f32 $1.011890170e-02, v9;
	_ =	sdelay $0x1  }
0x2cf: {  	v10 =	vadd.f32 $-5.262395370e-02, v25;
	_ =	sdelay $0x1  }
0x2d0: {  	v10 =	vmul.f32 v10, v9;
	_ =	sdelay $0x1  }
0x2d1: {  	v10 =	vadd.f32 $1.307633520e-01, v10;
	_ =	sdelay $0x1  }
0x2d2: {  	v10 =	vmul.f32 v10, v9;
	_ =	sdelay $0x1  }
0x2d3: {  	v10 =	vadd.f32 $-2.228347210e-01, v10;
	_ =	sdelay $0x1  }
0x2d4: {  	v10 =	vmul.f32 v10, v9;
	_ =	sdelay $0x1  }
0x2d5: {  	v10 =	vadd.f32 $3.269723650e-01, v10;
	_ =	sdelay $0x1  }
0x2d6: {  	v10 =	vmul.f32 v10, v9;
	_ =	sdelay $0x1  }
0x2d7: {  	v10 =	vadd.f32 $-4.992063940e-01, v10;
	_ =	sdelay $0x1  }
0x2d8: {  	v10 =	vmul.f32 v10, v9;
	_ =	sdelay $0x1  }
0x2d9: {  	v10 =	vadd.f32 $9.999574420e-01, v10;
	_ =	sdelay $0x1  }
0x2da: {  	v9 =	vmul.f32 v10, v9;
	_ =	sdelay $0x1  }
0x2db: {  	v8 =	vadd.s32 v3, v8;
	v9 =	vadd.f32 $5.629329960e-07, v9  }
0x2dc: {  	v7 =	vmax.f32 v7, $0.0e+00  }
0x2dd: {  	v7 =	vadd.f32 v9, v7;
	_ =	sdelay $0x1  }
0x2de: {  	[tilespmem:s2+$0x2220] =	vst v7  }
0x2df: {  	v7 =	vld.idx.msk [tilespmem:v8+s16+$0x0], $0xffff  }
0x2e0: {  	v26 =	vld [tilespmem:s3+$0x230];
	_ =	sdelay $0x4  }
0x2e1: {  	v7 =	vsel vm9, v26, v7  }
0x2e2: {  	v8 =	vand.u32 $0x7FFFFFFF, v7  }
0x2e3: {  	v8 =	vsub.f32 $0.0e+00, v8;
	_ =	sdelay $0x1  }
0x2e4: {  	v8 =	vmul.f32 $1.442695020e+00, v8;
	_ =	sdelay $0x1  }
0x2e5: {  	(erf) = vpow2.f32 v8;
	_ =	sdelay $0x8  }
0x2e6: {  	v8 =	vpop (erf)  }
0x2e7: {  	v27 =	vmul.f32 $1.011890170e-02, v8;
	_ =	sdelay $0x1  }
0x2e8: {  	v9 =	vadd.f32 $-5.262395370e-02, v27;
	_ =	sdelay $0x1  }
0x2e9: {  	v9 =	vmul.f32 v9, v8;
	_ =	sdelay $0x1  }
0x2ea: {  	v9 =	vadd.f32 $1.307633520e-01, v9;
	_ =	sdelay $0x1  }
0x2eb: {  	v9 =	vmul.f32 v9, v8;
	_ =	sdelay $0x1  }
0x2ec: {  	v9 =	vadd.f32 $-2.228347210e-01, v9;
	_ =	sdelay $0x1  }
0x2ed: {  	v9 =	vmul.f32 v9, v8;
	_ =	sdelay $0x1  }
0x2ee: {  	v9 =	vadd.f32 $3.269723650e-01, v9;
	_ =	sdelay $0x1  }
0x2ef: {  	v9 =	vmul.f32 v9, v8;
	_ =	sdelay $0x1  }
0x2f0: {  	v9 =	vadd.f32 $-4.992063940e-01, v9;
	_ =	sdelay $0x1  }
0x2f1: {  	v9 =	vmul.f32 v9, v8;
	_ =	sdelay $0x1  }
0x2f2: {  	v9 =	vadd.f32 $9.999574420e-01, v9;
	_ =	sdelay $0x1  }
0x2f3: {  	v8 =	vmul.f32 v9, v8;
	_ =	sdelay $0x1  }
0x2f4: {  	v8 =	vadd.f32 $5.629329960e-07, v8  }
0x2f5: {  	v7 =	vmax.f32 v7, $0.0e+00  }
0x2f6: {  	v7 =	vadd.f32 v8, v7;
	_ =	sdelay $0x1  }
0x2f7: {  	[tilespmem:s2+$0x2230] =	vst v7  }
0x2f8: {  	_ =	swait.ge [sflag:s25], $0x2000  }
0x2f9: {  	[sflag:s25] =	ssyncset.done $0x0  }
0x2fa: {  	[sflag:s25] =	ssyncadd.s32 $0xFFFFE000  }
0x2fb: {  	v6 =	vld.idx.msk [tilespmem:v6+s4+$0x0], $0xffff;
	_ =	sdelay $0x4  }
0x2fc: {  	v28 =	vxor.u32 $0x80000000, v6  }
0x2fd: {  	(xrf0) =	vmax.scan.msk.u32 $0xffff, v28;
	_ =	sdelay $0x5  }
0x2fe: {  	v7, _, _ =	vpop (xrf0)  }
0x2ff: {  	(v2sf) =	vpush v7, $0xF;
	_ =	sdelay $0xe  }
0x300: {  	s2 =	spop (v2sf)  }
0x301: {  	s9 =	sshra.s32 s2, $0x7  }
0x302: {  	s3 =	sxor.u32 $0xFF000000, s9  }
0x303: {  	p0 =	slt.s32 s3, $0x1E83  }
0x304: {  	s3 =	simm.s32 @!p0 $0x1E83  }
0x305: {  	s3 =	sshll.u32 s3, $0x7  }
0x306: {  	v29 =	vmov s3  }
0x307: {  	v7 =	vsub.s32 v6, v29  }
0x308: {  	vm10 =	vlt.s32 v7, $0x7F  }
0x309: {  	s2 =	sadd.s32 $0x7FF0BE00, s2;
	v7 =	vnsel vm10, $0x7F, v7  }
0x30a: {  	p0 =	sgt.s32 s2, $0x0;
	v30 =	vadd.s32 v0, v7  }
0x30b: {  	s2 =	simm.s32 @!p0 $0x0  }
0x30c: {  	s2 =	smin.u32 s2, $0x3F  }
0x30d: {  	s3 =	sshll.u32 s2, $0x7  }
0x30e: {  	v31 =	vld [tilespmem:s3+$0x200]  }
0x30f: {  	v8 =	vld.idx.msk [tilespmem:v30+s17+$0x0], $0xffff;
	_ =	sdelay $0x3  }
0x310: {  	vm11 =	vgt.s32 v6, $0xF41FF  }
0x311: {  	v6 =	vsel vm11, v31, v8  }
0x312: {  	v8 =	vand.u32 $0x7FFFFFFF, v6  }
0x313: {  	v8 =	vsub.f32 $0.0e+00, v8;
	_ =	sdelay $0x1  }
0x314: {  	v8 =	vmul.f32 $1.442695020e+00, v8;
	_ =	sdelay $0x1  }
0x315: {  	(erf) = vpow2.f32 v8;
	_ =	sdelay $0x8  }
0x316: {  	v8 =	vpop (erf)  }
0x317: {  	v32 =	vmul.f32 $1.011890170e-02, v8;
	_ =	sdelay $0x1  }
0x318: {  	v9 =	vadd.f32 $-5.262395370e-02, v32;
	_ =	sdelay $0x1  }
0x319: {  	v9 =	vmul.f32 v9, v8;
	_ =	sdelay $0x1  }
0x31a: {  	v9 =	vadd.f32 $1.307633520e-01, v9;
	_ =	sdelay $0x1  }
0x31b: {  	v9 =	vmul.f32 v9, v8;
	_ =	sdelay $0x1  }
0x31c: {  	v9 =	vadd.f32 $-2.228347210e-01, v9;
	_ =	sdelay $0x1  }
0x31d: {  	v9 =	vmul.f32 v9, v8;
	_ =	sdelay $0x1  }
0x31e: {  	v9 =	vadd.f32 $3.269723650e-01, v9;
	_ =	sdelay $0x1  }
0x31f: {  	v9 =	vmul.f32 v9, v8;
	_ =	sdelay $0x1  }
0x320: {  	v9 =	vadd.f32 $-4.992063940e-01, v9;
	_ =	sdelay $0x1  }
0x321: {  	v9 =	vmul.f32 v9, v8;
	_ =	sdelay $0x1  }
0x322: {  	v9 =	vadd.f32 $9.999574420e-01, v9;
	_ =	sdelay $0x1  }
0x323: {  	v8 =	vmul.f32 v9, v8;
	_ =	sdelay $0x1  }
0x324: {  	v33 =	vadd.s32 v1, v7;
	v8 =	vadd.f32 $5.629329960e-07, v8  }
0x325: {  	v6 =	vmax.f32 v6, $0.0e+00  }
0x326: {  	s9 =	sadd.s32 $0x280, s31;
	v6 =	vadd.f32 v8, v6  }
0x327: {  	s2 =	sand.u32 $0x3E80, s9  }
0x328: {  	[tilespmem:s2+$0x2200] =	vst v6  }
0x329: {  	v6 =	vld.idx.msk [tilespmem:v33+s17+$0x0], $0xffff  }
0x32a: {  	v34 =	vld [tilespmem:s3+$0x210];
	_ =	sdelay $0x4  }
0x32b: {  	v6 =	vsel vm11, v34, v6  }
0x32c: {  	v8 =	vand.u32 $0x7FFFFFFF, v6  }
0x32d: {  	v8 =	vsub.f32 $0.0e+00, v8;
	_ =	sdelay $0x1  }
0x32e: {  	v8 =	vmul.f32 $1.442695020e+00, v8;
	_ =	sdelay $0x1  }
0x32f: {  	(erf) = vpow2.f32 v8;
	_ =	sdelay $0x8  }
0x330: {  	v8 =	vpop (erf)  }
0x331: {  	v35 =	vmul.f32 $1.011890170e-02, v8;
	_ =	sdelay $0x1  }
0x332: {  	v9 =	vadd.f32 $-5.262395370e-02, v35;
	_ =	sdelay $0x1  }
0x333: {  	v9 =	vmul.f32 v9, v8;
	_ =	sdelay $0x1  }
0x334: {  	v9 =	vadd.f32 $1.307633520e-01, v9;
	_ =	sdelay $0x1  }
0x335: {  	v9 =	vmul.f32 v9, v8;
	_ =	sdelay $0x1  }
0x336: {  	v9 =	vadd.f32 $-2.228347210e-01, v9;
	_ =	sdelay $0x1  }
0x337: {  	v9 =	vmul.f32 v9, v8;
	_ =	sdelay $0x1  }
0x338: {  	v9 =	vadd.f32 $3.269723650e-01, v9;
	_ =	sdelay $0x1  }
0x339: {  	v9 =	vmul.f32 v9, v8;
	_ =	sdelay $0x1  }
0x33a: {  	v9 =	vadd.f32 $-4.992063940e-01, v9;
	_ =	sdelay $0x1  }
0x33b: {  	v9 =	vmul.f32 v9, v8;
	_ =	sdelay $0x1  }
0x33c: {  	v9 =	vadd.f32 $9.999574420e-01, v9;
	_ =	sdelay $0x1  }
0x33d: {  	v8 =	vmul.f32 v9, v8;
	_ =	sdelay $0x1  }
0x33e: {  	v36 =	vadd.s32 v2, v7;
	v8 =	vadd.f32 $5.629329960e-07, v8  }
0x33f: {  	v6 =	vmax.f32 v6, $0.0e+00  }
0x340: {  	v6 =	vadd.f32 v8, v6;
	_ =	sdelay $0x1  }
0x341: {  	[tilespmem:s2+$0x2210] =	vst v6  }
0x342: {  	v6 =	vld.idx.msk [tilespmem:v36+s17+$0x0], $0xffff  }
0x343: {  	v37 =	vld [tilespmem:s3+$0x220];
	_ =	sdelay $0x4  }
0x344: {  	v6 =	vsel vm11, v37, v6  }
0x345: {  	v8 =	vand.u32 $0x7FFFFFFF, v6  }
0x346: {  	v8 =	vsub.f32 $0.0e+00, v8;
	_ =	sdelay $0x1  }
0x347: {  	v8 =	vmul.f32 $1.442695020e+00, v8;
	_ =	sdelay $0x1  }
0x348: {  	(erf) = vpow2.f32 v8;
	_ =	sdelay $0x8  }
0x349: {  	v8 =	vpop (erf)  }
0x34a: {  	v38 =	vmul.f32 $1.011890170e-02, v8;
	_ =	sdelay $0x1  }
0x34b: {  	v9 =	vadd.f32 $-5.262395370e-02, v38;
	_ =	sdelay $0x1  }
0x34c: {  	v9 =	vmul.f32 v9, v8;
	_ =	sdelay $0x1  }
0x34d: {  	v9 =	vadd.f32 $1.307633520e-01, v9;
	_ =	sdelay $0x1  }
0x34e: {  	v9 =	vmul.f32 v9, v8;
	_ =	sdelay $0x1  }
0x34f: {  	v9 =	vadd.f32 $-2.228347210e-01, v9;
	_ =	sdelay $0x1  }
0x350: {  	v9 =	vmul.f32 v9, v8;
	_ =	sdelay $0x1  }
0x351: {  	v9 =	vadd.f32 $3.269723650e-01, v9;
	_ =	sdelay $0x1  }
0x352: {  	v9 =	vmul.f32 v9, v8;
	_ =	sdelay $0x1  }
0x353: {  	v9 =	vadd.f32 $-4.992063940e-01, v9;
	_ =	sdelay $0x1  }
0x354: {  	v9 =	vmul.f32 v9, v8;
	_ =	sdelay $0x1  }
0x355: {  	v9 =	vadd.f32 $9.999574420e-01, v9;
	_ =	sdelay $0x1  }
0x356: {  	v8 =	vmul.f32 v9, v8;
	_ =	sdelay $0x1  }
0x357: {  	v7 =	vadd.s32 v3, v7;
	v8 =	vadd.f32 $5.629329960e-07, v8  }
0x358: {  	v6 =	vmax.f32 v6, $0.0e+00  }
0x359: {  	v6 =	vadd.f32 v8, v6;
	_ =	sdelay $0x1  }
0x35a: {  	[tilespmem:s2+$0x2220] =	vst v6  }
0x35b: {  	v6 =	vld.idx.msk [tilespmem:v7+s17+$0x0], $0xffff  }
0x35c: {  	v39 =	vld [tilespmem:s3+$0x230];
	_ =	sdelay $0x4  }
0x35d: {  	v6 =	vsel vm11, v39, v6  }
0x35e: {  	v7 =	vand.u32 $0x7FFFFFFF, v6  }
0x35f: {  	v7 =	vsub.f32 $0.0e+00, v7;
	_ =	sdelay $0x1  }
0x360: {  	v7 =	vmul.f32 $1.442695020e+00, v7;
	_ =	sdelay $0x1  }
0x361: {  	(erf) = vpow2.f32 v7;
	_ =	sdelay $0x8  }
0x362: {  	v7 =	vpop (erf)  }
0x363: {  	v40 =	vmul.f32 $1.011890170e-02, v7;
	_ =	sdelay $0x1  }
0x364: {  	v8 =	vadd.f32 $-5.262395370e-02, v40;
	_ =	sdelay $0x1  }
0x365: {  	v8 =	vmul.f32 v8, v7;
	_ =	sdelay $0x1  }
0x366: {  	v8 =	vadd.f32 $1.307633520e-01, v8;
	_ =	sdelay $0x1  }
0x367: {  	v8 =	vmul.f32 v8, v7;
	_ =	sdelay $0x1  }
0x368: {  	v8 =	vadd.f32 $-2.228347210e-01, v8;
	_ =	sdelay $0x1  }
0x369: {  	v8 =	vmul.f32 v8, v7;
	_ =	sdelay $0x1  }
0x36a: {  	v8 =	vadd.f32 $3.269723650e-01, v8;
	_ =	sdelay $0x1  }
0x36b: {  	v8 =	vmul.f32 v8, v7;
	_ =	sdelay $0x1  }
0x36c: {  	v8 =	vadd.f32 $-4.992063940e-01, v8;
	_ =	sdelay $0x1  }
0x36d: {  	v8 =	vmul.f32 v8, v7;
	_ =	sdelay $0x1  }
0x36e: {  	v8 =	vadd.f32 $9.999574420e-01, v8;
	_ =	sdelay $0x1  }
0x36f: {  	v7 =	vmul.f32 v8, v7;
	_ =	sdelay $0x1  }
0x370: {  	v7 =	vadd.f32 $5.629329960e-07, v7  }
0x371: {  	v6 =	vmax.f32 v6, $0.0e+00  }
0x372: {  	v6 =	vadd.f32 v7, v6;
	_ =	sdelay $0x1  }
0x373: {  	[tilespmem:s2+$0x2230] =	vst v6  }
0x374: {  	_ =	swait.ge [sflag:s26], $0x2000  }
0x375: {  	[sflag:s26] =	ssyncset.done $0x0  }
0x376: {  	[sflag:s26] =	ssyncadd.s32 $0xFFFFE000  }
0x377: {  	v5 =	vld.idx.msk [tilespmem:v5+s4+$0x0], $0xffff;
	_ =	sdelay $0x4  }
0x378: {  	v41 =	vxor.u32 $0x80000000, v5  }
0x379: {  	(xrf0) =	vmax.scan.msk.u32 $0xffff, v41;
	_ =	sdelay $0x5  }
0x37a: {  	v6, _, _ =	vpop (xrf0)  }
0x37b: {  	(v2sf) =	vpush v6, $0xF;
	_ =	sdelay $0xe  }
0x37c: {  	s2 =	spop (v2sf)  }
0x37d: {  	s9 =	sshra.s32 s2, $0x7  }
0x37e: {  	s3 =	sxor.u32 $0xFF000000, s9  }
0x37f: {  	p0 =	slt.s32 s3, $0x1E83  }
0x380: {  	s3 =	simm.s32 @!p0 $0x1E83  }
0x381: {  	s3 =	sshll.u32 s3, $0x7  }
0x382: {  	v42 =	vmov s3  }
0x383: {  	v6 =	vsub.s32 v5, v42  }
0x384: {  	vm12 =	vlt.s32 v6, $0x7F  }
0x385: {  	s2 =	sadd.s32 $0x7FF0BE00, s2;
	v6 =	vnsel vm12, $0x7F, v6  }
0x386: {  	p0 =	sgt.s32 s2, $0x0;
	v43 =	vadd.s32 v0, v6  }
0x387: {  	s2 =	simm.s32 @!p0 $0x0  }
0x388: {  	s2 =	smin.u32 s2, $0x3F  }
0x389: {  	s3 =	sshll.u32 s2, $0x7  }
0x38a: {  	v44 =	vld [tilespmem:s3+$0x200]  }
0x38b: {  	v7 =	vld.idx.msk [tilespmem:v43+s18+$0x0], $0xffff;
	_ =	sdelay $0x3  }
0x38c: {  	vm13 =	vgt.s32 v5, $0xF41FF  }
0x38d: {  	v5 =	vsel vm13, v44, v7  }
0x38e: {  	v7 =	vand.u32 $0x7FFFFFFF, v5  }
0x38f: {  	v7 =	vsub.f32 $0.0e+00, v7;
	_ =	sdelay $0x1  }
0x390: {  	v7 =	vmul.f32 $1.442695020e+00, v7;
	_ =	sdelay $0x1  }
0x391: {  	(erf) = vpow2.f32 v7;
	_ =	sdelay $0x8  }
0x392: {  	v7 =	vpop (erf)  }
0x393: {  	v45 =	vmul.f32 $1.011890170e-02, v7;
	_ =	sdelay $0x1  }
0x394: {  	v8 =	vadd.f32 $-5.262395370e-02, v45;
	_ =	sdelay $0x1  }
0x395: {  	v8 =	vmul.f32 v8, v7;
	_ =	sdelay $0x1  }
0x396: {  	v8 =	vadd.f32 $1.307633520e-01, v8;
	_ =	sdelay $0x1  }
0x397: {  	v8 =	vmul.f32 v8, v7;
	_ =	sdelay $0x1  }
0x398: {  	v8 =	vadd.f32 $-2.228347210e-01, v8;
	_ =	sdelay $0x1  }
0x399: {  	v8 =	vmul.f32 v8, v7;
	_ =	sdelay $0x1  }
0x39a: {  	v8 =	vadd.f32 $3.269723650e-01, v8;
	_ =	sdelay $0x1  }
0x39b: {  	v8 =	vmul.f32 v8, v7;
	_ =	sdelay $0x1  }
0x39c: {  	v8 =	vadd.f32 $-4.992063940e-01, v8;
	_ =	sdelay $0x1  }
0x39d: {  	v8 =	vmul.f32 v8, v7;
	_ =	sdelay $0x1  }
0x39e: {  	v8 =	vadd.f32 $9.999574420e-01, v8;
	_ =	sdelay $0x1  }
0x39f: {  	v7 =	vmul.f32 v8, v7;
	_ =	sdelay $0x1  }
0x3a0: {  	v46 =	vadd.s32 v1, v6;
	v7 =	vadd.f32 $5.629329960e-07, v7  }
0x3a1: {  	v5 =	vmax.f32 v5, $0.0e+00  }
0x3a2: {  	s9 =	sadd.s32 $0x300, s31;
	v5 =	vadd.f32 v7, v5  }
0x3a3: {  	s2 =	sand.u32 $0x3F00, s9  }
0x3a4: {  	[tilespmem:s2+$0x2200] =	vst v5  }
0x3a5: {  	v5 =	vld.idx.msk [tilespmem:v46+s18+$0x0], $0xffff  }
0x3a6: {  	v47 =	vld [tilespmem:s3+$0x210];
	_ =	sdelay $0x4  }
0x3a7: {  	v5 =	vsel vm13, v47, v5  }
0x3a8: {  	v7 =	vand.u32 $0x7FFFFFFF, v5  }
0x3a9: {  	v7 =	vsub.f32 $0.0e+00, v7;
	_ =	sdelay $0x1  }
0x3aa: {  	v7 =	vmul.f32 $1.442695020e+00, v7;
	_ =	sdelay $0x1  }
0x3ab: {  	(erf) = vpow2.f32 v7;
	_ =	sdelay $0x8  }
0x3ac: {  	v7 =	vpop (erf)  }
0x3ad: {  	v48 =	vmul.f32 $1.011890170e-02, v7;
	_ =	sdelay $0x1  }
0x3ae: {  	v8 =	vadd.f32 $-5.262395370e-02, v48;
	_ =	sdelay $0x1  }
0x3af: {  	v8 =	vmul.f32 v8, v7;
	_ =	sdelay $0x1  }
0x3b0: {  	v8 =	vadd.f32 $1.307633520e-01, v8;
	_ =	sdelay $0x1  }
0x3b1: {  	v8 =	vmul.f32 v8, v7;
	_ =	sdelay $0x1  }
0x3b2: {  	v8 =	vadd.f32 $-2.228347210e-01, v8;
	_ =	sdelay $0x1  }
0x3b3: {  	v8 =	vmul.f32 v8, v7;
	_ =	sdelay $0x1  }
0x3b4: {  	v8 =	vadd.f32 $3.269723650e-01, v8;
	_ =	sdelay $0x1  }
0x3b5: {  	v8 =	vmul.f32 v8, v7;
	_ =	sdelay $0x1  }
0x3b6: {  	v8 =	vadd.f32 $-4.992063940e-01, v8;
	_ =	sdelay $0x1  }
0x3b7: {  	v8 =	vmul.f32 v8, v7;
	_ =	sdelay $0x1  }
0x3b8: {  	v8 =	vadd.f32 $9.999574420e-01, v8;
	_ =	sdelay $0x1  }
0x3b9: {  	v7 =	vmul.f32 v8, v7;
	_ =	sdelay $0x1  }
0x3ba: {  	v49 =	vadd.s32 v2, v6;
	v7 =	vadd.f32 $5.629329960e-07, v7  }
0x3bb: {  	v5 =	vmax.f32 v5, $0.0e+00  }
0x3bc: {  	v5 =	vadd.f32 v7, v5;
	_ =	sdelay $0x1  }
0x3bd: {  	[tilespmem:s2+$0x2210] =	vst v5  }
0x3be: {  	v5 =	vld.idx.msk [tilespmem:v49+s18+$0x0], $0xffff  }
0x3bf: {  	v50 =	vld [tilespmem:s3+$0x220];
	_ =	sdelay $0x4  }
0x3c0: {  	v5 =	vsel vm13, v50, v5  }
0x3c1: {  	v7 =	vand.u32 $0x7FFFFFFF, v5  }
0x3c2: {  	v7 =	vsub.f32 $0.0e+00, v7;
	_ =	sdelay $0x1  }
0x3c3: {  	v7 =	vmul.f32 $1.442695020e+00, v7;
	_ =	sdelay $0x1  }
0x3c4: {  	(erf) = vpow2.f32 v7;
	_ =	sdelay $0x8  }
0x3c5: {  	v7 =	vpop (erf)  }
0x3c6: {  	v51 =	vmul.f32 $1.011890170e-02, v7;
	_ =	sdelay $0x1  }
0x3c7: {  	v8 =	vadd.f32 $-5.262395370e-02, v51;
	_ =	sdelay $0x1  }
0x3c8: {  	v8 =	vmul.f32 v8, v7;
	_ =	sdelay $0x1  }
0x3c9: {  	v8 =	vadd.f32 $1.307633520e-01, v8;
	_ =	sdelay $0x1  }
0x3ca: {  	v8 =	vmul.f32 v8, v7;
	_ =	sdelay $0x1  }
0x3cb: {  	v8 =	vadd.f32 $-2.228347210e-01, v8;
	_ =	sdelay $0x1  }
0x3cc: {  	v8 =	vmul.f32 v8, v7;
	_ =	sdelay $0x1  }
0x3cd: {  	v8 =	vadd.f32 $3.269723650e-01, v8;
	_ =	sdelay $0x1  }
0x3ce: {  	v8 =	vmul.f32 v8, v7;
	_ =	sdelay $0x1  }
0x3cf: {  	v8 =	vadd.f32 $-4.992063940e-01, v8;
	_ =	sdelay $0x1  }
0x3d0: {  	v8 =	vmul.f32 v8, v7;
	_ =	sdelay $0x1  }
0x3d1: {  	v8 =	vadd.f32 $9.999574420e-01, v8;
	_ =	sdelay $0x1  }
0x3d2: {  	v7 =	vmul.f32 v8, v7;
	_ =	sdelay $0x1  }
0x3d3: {  	v6 =	vadd.s32 v3, v6;
	v7 =	vadd.f32 $5.629329960e-07, v7  }
0x3d4: {  	v5 =	vmax.f32 v5, $0.0e+00  }
0x3d5: {  	v5 =	vadd.f32 v7, v5;
	_ =	sdelay $0x1  }
0x3d6: {  	[tilespmem:s2+$0x2220] =	vst v5  }
0x3d7: {  	v5 =	vld.idx.msk [tilespmem:v6+s18+$0x0], $0xffff  }
0x3d8: {  	v52 =	vld [tilespmem:s3+$0x230];
	_ =	sdelay $0x4  }
0x3d9: {  	v5 =	vsel vm13, v52, v5  }
0x3da: {  	v6 =	vand.u32 $0x7FFFFFFF, v5  }
0x3db: {  	v6 =	vsub.f32 $0.0e+00, v6;
	_ =	sdelay $0x1  }
0x3dc: {  	v6 =	vmul.f32 $1.442695020e+00, v6;
	_ =	sdelay $0x1  }
0x3dd: {  	(erf) = vpow2.f32 v6;
	_ =	sdelay $0x8  }
0x3de: {  	v6 =	vpop (erf)  }
0x3df: {  	v53 =	vmul.f32 $1.011890170e-02, v6;
	_ =	sdelay $0x1  }
0x3e0: {  	v7 =	vadd.f32 $-5.262395370e-02, v53;
	_ =	sdelay $0x1  }
0x3e1: {  	v7 =	vmul.f32 v7, v6;
	_ =	sdelay $0x1  }
0x3e2: {  	v7 =	vadd.f32 $1.307633520e-01, v7;
	_ =	sdelay $0x1  }
0x3e3: {  	v7 =	vmul.f32 v7, v6;
	_ =	sdelay $0x1  }
0x3e4: {  	v7 =	vadd.f32 $-2.228347210e-01, v7;
	_ =	sdelay $0x1  }
0x3e5: {  	v7 =	vmul.f32 v7, v6;
	_ =	sdelay $0x1  }
0x3e6: {  	v7 =	vadd.f32 $3.269723650e-01, v7;
	_ =	sdelay $0x1  }
0x3e7: {  	v7 =	vmul.f32 v7, v6;
	_ =	sdelay $0x1  }
0x3e8: {  	v7 =	vadd.f32 $-4.992063940e-01, v7;
	_ =	sdelay $0x1  }
0x3e9: {  	v7 =	vmul.f32 v7, v6;
	_ =	sdelay $0x1  }
0x3ea: {  	v7 =	vadd.f32 $9.999574420e-01, v7;
	_ =	sdelay $0x1  }
0x3eb: {  	v6 =	vmul.f32 v7, v6;
	_ =	sdelay $0x1  }
0x3ec: {  	v6 =	vadd.f32 $5.629329960e-07, v6  }
0x3ed: {  	v5 =	vmax.f32 v5, $0.0e+00  }
0x3ee: {  	v5 =	vadd.f32 v6, v5;
	_ =	sdelay $0x1  }
0x3ef: {  	[tilespmem:s2+$0x2230] =	vst v5  }
0x3f0: {  	_ =	swait.ge [sflag:s28], $0x2000  }
0x3f1: {  	[sflag:s28] =	ssyncset.done $0x0  }
0x3f2: {  	[sflag:s28] =	ssyncadd.s32 $0xFFFFE000  }
0x3f3: {  	v4 =	vld.idx.msk [tilespmem:v4+s4+$0x0], $0xffff;
	_ =	sdelay $0x4  }
0x3f4: {  	v5 =	vxor.u32 $0x80000000, v4  }
0x3f5: {  	(xrf0) =	vmax.scan.msk.u32 $0xffff, v5;
	_ =	sdelay $0x5  }
0x3f6: {  	v5, _, _ =	vpop (xrf0)  }
0x3f7: {  	(v2sf) =	vpush v5, $0xF;
	_ =	sdelay $0xe  }
0x3f8: {  	s2 =	spop (v2sf)  }
0x3f9: {  	s9 =	sshra.s32 s2, $0x7  }
0x3fa: {  	s3 =	sxor.u32 $0xFF000000, s9  }
0x3fb: {  	p0 =	slt.s32 s3, $0x1E83  }
0x3fc: {  	s3 =	simm.s32 @!p0 $0x1E83  }
0x3fd: {  	s3 =	sshll.u32 s3, $0x7  }
0x3fe: {  	v5 =	vmov s3  }
0x3ff: {  	v5 =	vsub.s32 v4, v5  }
0x400: {  	vm14 =	vlt.s32 v5, $0x7F  }
0x401: {  	s2 =	sadd.s32 $0x7FF0BE00, s2;
	v5 =	vnsel vm14, $0x7F, v5  }
0x402: {  	p0 =	sgt.s32 s2, $0x0;
	v54 =	vadd.s32 v0, v5  }
0x403: {  	s2 =	simm.s32 @!p0 $0x0  }
0x404: {  	s2 =	smin.u32 s2, $0x3F  }
0x405: {  	s2 =	sshll.u32 s2, $0x7  }
0x406: {  	v55 =	vld [tilespmem:s2+$0x200]  }
0x407: {  	v6 =	vld.idx.msk [tilespmem:v54+s19+$0x0], $0xffff;
	_ =	sdelay $0x3  }
0x408: {  	vm15 =	vgt.s32 v4, $0xF41FF  }
0x409: {  	v4 =	vsel vm15, v55, v6  }
0x40a: {  	v6 =	vand.u32 $0x7FFFFFFF, v4  }
0x40b: {  	v6 =	vsub.f32 $0.0e+00, v6;
	_ =	sdelay $0x1  }
0x40c: {  	v6 =	vmul.f32 $1.442695020e+00, v6;
	_ =	sdelay $0x1  }
0x40d: {  	(erf) = vpow2.f32 v6;
	_ =	sdelay $0x8  }
0x40e: {  	v6 =	vpop (erf)  }
0x40f: {  	v56 =	vmul.f32 $1.011890170e-02, v6;
	_ =	sdelay $0x1  }
0x410: {  	v7 =	vadd.f32 $-5.262395370e-02, v56;
	_ =	sdelay $0x1  }
0x411: {  	v7 =	vmul.f32 v7, v6;
	_ =	sdelay $0x1  }
0x412: {  	v7 =	vadd.f32 $1.307633520e-01, v7;
	_ =	sdelay $0x1  }
0x413: {  	v7 =	vmul.f32 v7, v6;
	_ =	sdelay $0x1  }
0x414: {  	v7 =	vadd.f32 $-2.228347210e-01, v7;
	_ =	sdelay $0x1  }
0x415: {  	v7 =	vmul.f32 v7, v6;
	_ =	sdelay $0x1  }
0x416: {  	v7 =	vadd.f32 $3.269723650e-01, v7;
	_ =	sdelay $0x1  }
0x417: {  	v7 =	vmul.f32 v7, v6;
	_ =	sdelay $0x1  }
0x418: {  	v7 =	vadd.f32 $-4.992063940e-01, v7;
	_ =	sdelay $0x1  }
0x419: {  	v7 =	vmul.f32 v7, v6;
	_ =	sdelay $0x1  }
0x41a: {  	v7 =	vadd.f32 $9.999574420e-01, v7;
	_ =	sdelay $0x1  }
0x41b: {  	v6 =	vmul.f32 v7, v6;
	_ =	sdelay $0x1  }
0x41c: {  	v57 =	vadd.s32 v1, v5;
	v6 =	vadd.f32 $5.629329960e-07, v6  }
0x41d: {  	v4 =	vmax.f32 v4, $0.0e+00  }
0x41e: {  	s9 =	sadd.s32 $0x380, s31;
	v4 =	vadd.f32 v6, v4  }
0x41f: {  	s3 =	sand.u32 $0x3F80, s9  }
0x420: {  	[tilespmem:s3+$0x2200] =	vst v4  }
0x421: {  	v4 =	vld.idx.msk [tilespmem:v57+s19+$0x0], $0xffff  }
0x422: {  	v58 =	vld [tilespmem:s2+$0x210];
	_ =	sdelay $0x4  }
0x423: {  	v4 =	vsel vm15, v58, v4  }
0x424: {  	v6 =	vand.u32 $0x7FFFFFFF, v4  }
0x425: {  	v6 =	vsub.f32 $0.0e+00, v6;
	_ =	sdelay $0x1  }
0x426: {  	v6 =	vmul.f32 $1.442695020e+00, v6;
	_ =	sdelay $0x1  }
0x427: {  	(erf) = vpow2.f32 v6;
	_ =	sdelay $0x8  }
0x428: {  	v6 =	vpop (erf)  }
0x429: {  	v59 =	vmul.f32 $1.011890170e-02, v6;
	_ =	sdelay $0x1  }
0x42a: {  	v7 =	vadd.f32 $-5.262395370e-02, v59;
	_ =	sdelay $0x1  }
0x42b: {  	v7 =	vmul.f32 v7, v6;
	_ =	sdelay $0x1  }
0x42c: {  	v7 =	vadd.f32 $1.307633520e-01, v7;
	_ =	sdelay $0x1  }
0x42d: {  	v7 =	vmul.f32 v7, v6;
	_ =	sdelay $0x1  }
0x42e: {  	v7 =	vadd.f32 $-2.228347210e-01, v7;
	_ =	sdelay $0x1  }
0x42f: {  	v7 =	vmul.f32 v7, v6;
	_ =	sdelay $0x1  }
0x430: {  	v7 =	vadd.f32 $3.269723650e-01, v7;
	_ =	sdelay $0x1  }
0x431: {  	v7 =	vmul.f32 v7, v6;
	_ =	sdelay $0x1  }
0x432: {  	v7 =	vadd.f32 $-4.992063940e-01, v7;
	_ =	sdelay $0x1  }
0x433: {  	v7 =	vmul.f32 v7, v6;
	_ =	sdelay $0x1  }
0x434: {  	v7 =	vadd.f32 $9.999574420e-01, v7;
	_ =	sdelay $0x1  }
0x435: {  	v6 =	vmul.f32 v7, v6;
	_ =	sdelay $0x1  }
0x436: {  	v60 =	vadd.s32 v2, v5;
	v6 =	vadd.f32 $5.629329960e-07, v6  }
0x437: {  	v4 =	vmax.f32 v4, $0.0e+00  }
0x438: {  	v4 =	vadd.f32 v6, v4;
	_ =	sdelay $0x1  }
0x439: {  	[tilespmem:s3+$0x2210] =	vst v4  }
0x43a: {  	v4 =	vld.idx.msk [tilespmem:v60+s19+$0x0], $0xffff  }
0x43b: {  	v61 =	vld [tilespmem:s2+$0x220];
	_ =	sdelay $0x4  }
0x43c: {  	v4 =	vsel vm15, v61, v4  }
0x43d: {  	v6 =	vand.u32 $0x7FFFFFFF, v4  }
0x43e: {  	v6 =	vsub.f32 $0.0e+00, v6;
	_ =	sdelay $0x1  }
0x43f: {  	v6 =	vmul.f32 $1.442695020e+00, v6;
	_ =	sdelay $0x1  }
0x440: {  	(erf) = vpow2.f32 v6;
	_ =	sdelay $0x8  }
0x441: {  	v6 =	vpop (erf)  }
0x442: {  	v62 =	vmul.f32 $1.011890170e-02, v6;
	_ =	sdelay $0x1  }
0x443: {  	v7 =	vadd.f32 $-5.262395370e-02, v62;
	_ =	sdelay $0x1  }
0x444: {  	v7 =	vmul.f32 v7, v6;
	_ =	sdelay $0x1  }
0x445: {  	v7 =	vadd.f32 $1.307633520e-01, v7;
	_ =	sdelay $0x1  }
0x446: {  	v7 =	vmul.f32 v7, v6;
	_ =	sdelay $0x1  }
0x447: {  	v7 =	vadd.f32 $-2.228347210e-01, v7;
	_ =	sdelay $0x1  }
0x448: {  	v7 =	vmul.f32 v7, v6;
	_ =	sdelay $0x1  }
0x449: {  	v7 =	vadd.f32 $3.269723650e-01, v7;
	_ =	sdelay $0x1  }
0x44a: {  	v7 =	vmul.f32 v7, v6;
	_ =	sdelay $0x1  }
0x44b: {  	v7 =	vadd.f32 $-4.992063940e-01, v7;
	_ =	sdelay $0x1  }
0x44c: {  	v7 =	vmul.f32 v7, v6;
	_ =	sdelay $0x1  }
0x44d: {  	v7 =	vadd.f32 $9.999574420e-01, v7;
	_ =	sdelay $0x1  }
0x44e: {  	v6 =	vmul.f32 v7, v6;
	_ =	sdelay $0x1  }
0x44f: {  	v5 =	vadd.s32 v3, v5;
	v6 =	vadd.f32 $5.629329960e-07, v6  }
0x450: {  	v4 =	vmax.f32 v4, $0.0e+00  }
0x451: {  	v4 =	vadd.f32 v6, v4;
	_ =	sdelay $0x1  }
0x452: {  	[tilespmem:s3+$0x2220] =	vst v4  }
0x453: {  	v4 =	vld.idx.msk [tilespmem:v5+s19+$0x0], $0xffff  }
0x454: {  	v5 =	vld [tilespmem:s2+$0x230];
	_ =	sdelay $0x4  }
0x455: {  	v4 =	vsel vm15, v5, v4  }
0x456: {  	v5 =	vand.u32 $0x7FFFFFFF, v4  }
0x457: {  	v5 =	vsub.f32 $0.0e+00, v5;
	_ =	sdelay $0x1  }
0x458: {  	v5 =	vmul.f32 $1.442695020e+00, v5;
	_ =	sdelay $0x1  }
0x459: {  	(erf) = vpow2.f32 v5;
	_ =	sdelay $0x8  }
0x45a: {  	v5 =	vpop (erf)  }
0x45b: {  	v63 =	vmul.f32 $1.011890170e-02, v5;
	_ =	sdelay $0x1  }
0x45c: {  	v6 =	vadd.f32 $-5.262395370e-02, v63;
	_ =	sdelay $0x1  }
0x45d: {  	v6 =	vmul.f32 v6, v5;
	_ =	sdelay $0x1  }
0x45e: {  	v6 =	vadd.f32 $1.307633520e-01, v6;
	_ =	sdelay $0x1  }
0x45f: {  	v6 =	vmul.f32 v6, v5;
	_ =	sdelay $0x1  }
0x460: {  	v6 =	vadd.f32 $-2.228347210e-01, v6;
	_ =	sdelay $0x1  }
0x461: {  	v6 =	vmul.f32 v6, v5;
	_ =	sdelay $0x1  }
0x462: {  	v6 =	vadd.f32 $3.269723650e-01, v6;
	_ =	sdelay $0x1  }
0x463: {  	v6 =	vmul.f32 v6, v5;
	_ =	sdelay $0x1  }
0x464: {  	v6 =	vadd.f32 $-4.992063940e-01, v6;
	_ =	sdelay $0x1  }
0x465: {  	v6 =	vmul.f32 v6, v5;
	_ =	sdelay $0x1  }
0x466: {  	v6 =	vadd.f32 $9.999574420e-01, v6;
	_ =	sdelay $0x1  }
0x467: {  	v5 =	vmul.f32 v6, v5  }
0x468: {  	s9 =	sand.u32 $0xF, s0  }
0x469: {  	p0 =	sne.s32 s9, $0xF;
	v5 =	vadd.f32 $5.629329960e-07, v5  }
0x46a: {  	s2 =	sand.u32 @!p0 $0x180, s30;
	v4 =	vmax.f32 v4, $0.0e+00  }
0x46b: {  	s31 =	sadd.s32 $0x400, s31;
	s2 =	sor.u32 @!p0 s5, s2;
	v4 =	vadd.f32 v5, v4  }
0x46c: {  	p1 =	sne.s32 s31, $0x10000;
	s9 =	rddreg [dreg:$0x5];
	s2 =	sshll.u32 @!p0 s2, $0x4  }
0x46d: {  	s2 =	sadd.s32 @!p0 s9, s2;
	s9 =	simm.s32 @!p0 $0x2200;
	[tilespmem:s3+$0x2230] =	vst v4;
	s3 =	simm.s32 @!p0 $0x0  }
0x46e: {  	[hbm4b:s2+s3] =	stream.linear.scatter @!p0 [tilespmem:s9], [sflag:$0x9], $0x4000, $0x38;
	[tilespmem:$0x16200] =	vst v63  }
.Ltmp0:
0x46f: {  	_ = 	snop;
	(pc) =	sbr.rel @p1 .LBB2_2-.Ltmp0, $4  }
0x470: {  	s2 =	simm.s32 @!p0 $0x9  }
0x471: {  	_ =	swait.ge @!p0 [sflag:s2], $0x4000  }
0x472: {  	[sflag:s2] =	ssyncset.done @!p0 $0x0  }
0x473: {  	s0 =	sadd.s32 $0x1, s0;
	s30 =	sadd.s32 $0x8, s30;
	[sflag:s2] =	ssyncadd.s32 @!p0 $0xFFFFC000  }
0x474: {  	s29 =	sadd.s32 $0x1, s29  }
0x475: {  	p0 =	sne.s32 s29, s7  }
.Ltmp1:
0x476: {  	_ = 	snop;
	(pc) =	sbr.rel @p0 .LBB2_1-.Ltmp1, $1  }
0x477: {  	_ =	sdelay $0x3  }
0x478: {  	_ =	sfence.sel $0x180000  }
0x479: {  	[bflag:$0x0] =	sbarrier.arrive $0xFFFF  }
0x47a: {  	_ =	strace $0x90000047  }
0x47b: {  	s0 =	stileid.u32;
	[bflag:$0x2] =	sbarrier.arrive $0xFFFF  }
0x47c: {  	p0 =	sne.s32 s0, $0x0;
	s0 =	rddreg [dreg:$0x4]  }
0x47d: {  	s0 =	sadd.s32 @!p0 $0x100000, s0  }
0x47e: {  	[sflag:s0] =	ssyncadd.tile.s32 @!p0 $0x1;
	_ =	shalt  }
.Lfunc_end2:
_tile_overlayer_lowered:
.L_overlay_start_2:
0x47f: {  	(tag) =	ssettag $0x2  }
0x480: {  	s0 =	rddreg [dreg:$0x0];
	s2 =	stileid.u32  }
0x481: {  	s1 =	rddreg [dreg:$0x1];
	p0 =	sne.s32 s2, $0x0  }
0x482: {  	s3 =	rddreg [dreg:$0x2];
	[bflag:$0x3] =	sbarrier.arrive $0xFFFF;
	s2 =	simm.s32 @!p0 $0x1C09  }
0x483: {  	[timem:s3], [sflag:s2] =	dma.local @!p0 [hbm:s0], s1  }
0x484: {  	s0 =	simm.s32 @!p0 $0x9  }
0x485: {  	_ =	swait.ge @!p0 [sflag:s0], s1  }
0x486: {  	s1 =	ssub.s32 @!p0 $0x0, s1;
	[sflag:s0] =	ssyncset.done @!p0 $0x0  }
0x487: {  	[sflag:s0] =	ssyncadd.s32 @!p0 s1  }
0x488: {  	[bflag:$0x3] =	sbarrier.arrive $0xFFFF  }
0x489: {  	_ =	shalt  }

</sc_bundles>
